<compile_context>
chip_gen: v7x
topology: tpu7x:2x2x1
jax: 0.10.2.dev20260603
libtpu: 0.0.44.dev20260713+nightly
codegen_flags: <defaults>
</compile_context>

<pallas_src>
import functools

import jax
import jax.numpy as jnp
from jax import lax
from jax.experimental import pallas as pl
from jax.experimental.pallas import tpu as pltpu
from jax.experimental.pallas import tpu_sc as plsc

_NC = 2
_NS = 16
_NW = _NC * _NS
_L = 16
_IDX = 128
_SUB = 4
_BLK = _SUB * _IDX
_UNROLL = 16
_NACC = 4


@functools.lru_cache(maxsize=None)
def _make_sc_kernel(n: int, k: int, nb: int):
    assert k % (2 * _L) == 0
    kh = k // (2 * _L)
    mesh = plsc.VectorSubcoreMesh(
        core_axis_name="c", subcore_axis_name="s",
        num_cores=_NC, num_subcores=_NS)

    @functools.partial(
        pl.kernel,
        out_type=jax.ShapeDtypeStruct((_NW, _L), jnp.float32),
        mesh=mesh,
        scratch_types=[
            pltpu.VMEM((3, _SUB, _IDX), jnp.int32),
            pltpu.VMEM((3, _SUB, _IDX), jnp.int32),
            pltpu.VMEM((3, _SUB, _IDX), jnp.float32),
            pltpu.VMEM_SHARED((n, k), jnp.bfloat16),
            pltpu.VMEM((2, _SUB, _IDX, k), jnp.bfloat16),
            pltpu.VMEM((2, _SUB, _IDX, k), jnp.bfloat16),
            pltpu.VMEM((_L,), jnp.float32),
            pltpu.SemaphoreType.DMA,
            pltpu.SemaphoreType.DMA,
        ],
        compiler_params=pltpu.CompilerParams(
            use_tc_tiling_on_sc=False, needs_layout_passes=False),
    )
    def sc_kernel(prob_hbm, rows_hbm, cols_hbm, vals_hbm, out_hbm,
                  rows_v, cols_v, vals_v, prob_sp, a_v, b_v, acc_v,
                  sem_i, sem_g):
        wid = lax.axis_index("s") * _NC + lax.axis_index("c")
        sid = lax.axis_index("s")
        base = wid * nb * _SUB
        rows_per_sub = n // _NS
        pltpu.sync_copy(prob_hbm.at[pl.ds(sid * rows_per_sub, rows_per_sub)],
                        prob_sp.at[pl.ds(sid * rows_per_sub, rows_per_sub)])

        def issue_idx(i):
            ib = lax.rem(i, 3)
            r0 = base + lax.rem(i, nb) * _SUB
            pltpu.async_copy(rows_hbm.at[pl.ds(r0, _SUB)], rows_v.at[ib],
                             sem_i)
            pltpu.async_copy(cols_hbm.at[pl.ds(r0, _SUB)], cols_v.at[ib],
                             sem_i)
            pltpu.async_copy(vals_hbm.at[pl.ds(r0, _SUB)], vals_v.at[ib],
                             sem_i)

        def wait_idx():
            pltpu.make_async_copy(rows_hbm.at[pl.ds(base, _SUB)],
                                  rows_v.at[0], sem_i).wait()
            pltpu.make_async_copy(cols_hbm.at[pl.ds(base, _SUB)],
                                  cols_v.at[0], sem_i).wait()
            pltpu.make_async_copy(vals_hbm.at[pl.ds(base, _SUB)],
                                  vals_v.at[0], sem_i).wait()

        def issue_gathers(i):
            ib = lax.rem(i, 3)
            gb = lax.rem(i, 2)
            for j in range(_SUB):
                pltpu.async_copy(
                    prob_sp.at[rows_v.at[ib, j]], a_v.at[gb, j], sem_g)
                pltpu.async_copy(
                    prob_sp.at[cols_v.at[ib, j]], b_v.at[gb, j], sem_g)

        def wait_gathers():
            for j in range(_SUB):
                pltpu.make_async_copy(
                    prob_sp.at[rows_v.at[0, j]], a_v.at[0, j], sem_g).wait()
                pltpu.make_async_copy(
                    prob_sp.at[cols_v.at[0, j]], b_v.at[0, j], sem_g).wait()

        issue_idx(0)
        issue_idx(1)
        plsc.subcore_barrier()
        wait_idx()
        issue_gathers(0)

        def block_body(i, accs):
            issue_idx(i + 2)
            wait_idx()
            issue_gathers(i + 1)
            wait_gathers()

            ib = lax.rem(i, 3)
            gb = lax.rem(i, 2)
            for j in range(_SUB):
                def edge_body(t, accs, j=j):
                    accs = list(accs)
                    e0 = t * _UNROLL
                    vv = vals_v[ib, j, pl.ds(e0, _UNROLL)]
                    for u in range(_UNROLL):
                        e = e0 + u
                        dot = None
                        for h in range(kh):
                            p = (a_v[gb, j, e, pl.ds(h * 2 * _L, 2 * _L)]
                                 * b_v[gb, j, e, pl.ds(h * 2 * _L, 2 * _L)])
                            p0, p1 = plsc.unpack(
                                p, format=plsc.PackFormat.INTERLEAVED)
                            s = p0 + p1
                            dot = s if dot is None else dot + s
                        accs[u % _NACC] = accs[u % _NACC] + vv[u] * dot
                    return tuple(accs)
                accs = lax.fori_loop(0, _IDX // _UNROLL, edge_body, accs)
            return accs

        zeros = jnp.zeros((_L,), jnp.float32)
        accs = lax.fori_loop(0, nb, block_body, (zeros,) * _NACC)
        wait_idx()
        wait_gathers()
        acc = accs[0]
        for a in accs[1:]:
            acc = acc + a
        acc_v[...] = acc
        pltpu.sync_copy(acc_v, out_hbm.at[wid])

    return sc_kernel


def kernel(prob, mat_rows, mat_cols, mat_vals, num_edges):
    n, k = prob.shape
    e = mat_rows.shape[0]
    nb = -(-e // (_NW * _BLK))
    e_pad = _NW * nb * _BLK
    pad = e_pad - e
    rows = jnp.pad(mat_rows.astype(jnp.int32), (0, pad)).reshape(-1, _IDX)
    cols = jnp.pad(mat_cols.astype(jnp.int32), (0, pad)).reshape(-1, _IDX)
    vals = jnp.pad(mat_vals, (0, pad)).reshape(-1, _IDX)
    partials = _make_sc_kernel(n, k, nb)(
        prob.astype(jnp.bfloat16), rows, cols, vals)
    return jnp.reshape(jnp.sum(partials), (1,)) / num_edges

# --- scband reference (transcript-rebuilt; emitter-appended) ---
"""Pipeline reference for scband-unhappy-ratio-72430328479976 (READ-ONLY COPY).

The authoritative reference and input builder live on the scoring server;
editing this copy changes nothing except your own understanding.
"""

import jax, jax.numpy as jnp
import numpy as np

N = 50000
E_POS = 400000
E_NEG = 400000
K = 32


def _build_mat():
    # Build mat = D_p - (A_p - A_n) in COO form, mirroring the torch __init__.
    rng = np.random.default_rng(0)
    rp = rng.integers(0, N, size=E_POS)
    cp = rng.integers(0, N, size=E_POS)
    wp = rng.uniform(0.1, 1.0, size=E_POS).astype(np.float32)
    rn = rng.integers(0, N, size=E_NEG)
    cn = rng.integers(0, N, size=E_NEG)
    wn = rng.uniform(0.1, 1.0, size=E_NEG).astype(np.float32)
    # D_p = diag(row sums of A_p)  (A_p.T.sum(axis=0) == row sums of A_p)
    deg = np.zeros(N, dtype=np.float32)
    np.add.at(deg, rp, wp)
    rows = np.concatenate([np.arange(N, dtype=np.int64), rp, rn]).astype(np.int64)
    cols = np.concatenate([np.arange(N, dtype=np.int64), cp, cn]).astype(np.int64)
    vals = np.concatenate([deg, -wp, wn]).astype(np.float32)
    # num_edges = nnz of (A_p - A_n); collisions are negligible at this density
    num_edges = E_POS + E_NEG
    return rows, cols, vals, num_edges


def setup_inputs(seed: int = 0) -> dict:
    key = jax.random.key(seed)
    rows, cols, vals, num_edges = _build_mat()
    prob = jax.random.uniform(key, (N, K), dtype=jnp.float32)
    return {
        "prob": prob,
        "mat_rows": jnp.asarray(rows),
        "mat_cols": jnp.asarray(cols),
        "mat_vals": jnp.asarray(vals),
        "num_edges": num_edges,
    }


def reference(prob, mat_rows, mat_cols, mat_vals, num_edges):
    # sum_k prob[:,k]^T @ (mat @ prob[:,k])  computed as one SpMM + contraction
    gathered = jnp.take(prob, mat_cols, axis=0)              # [nnz, K]
    weighted = gathered * mat_vals[:, None]                  # [nnz, K]
    y = jax.ops.segment_sum(weighted, mat_rows, num_segments=prob.shape[0])  # [N, K]
    result = jnp.sum(prob * y)
    return jnp.reshape(result, (1,)) / num_edges

if __name__ == "__main__":
    import jax
    _d = setup_inputs()
    print(jax.jit(kernel)(*tuple(_d.values())))

</pallas_src>

<mosaic_0001>
#map = affine_map<(d0, d1) -> (0, 0)>
module attributes {stable_mosaic.version = 14 : i64} {
  func.func @sc_kernel(%arg0: i32, %arg1: i32, %arg2: memref<50000x32xbf16, #tpu.memory_space<hbm>>, %arg3: memref<6656x128xi32, #tpu.memory_space<hbm>>, %arg4: memref<6656x128xi32, #tpu.memory_space<hbm>>, %arg5: memref<6656x128xf32, #tpu.memory_space<hbm>>, %arg6: memref<32x16xf32, #tpu.memory_space<hbm>>, %arg7: memref<3x4x128xi32, #tpu.memory_space<vmem>>, %arg8: memref<3x4x128xi32, #tpu.memory_space<vmem>>, %arg9: memref<3x4x128xf32, #tpu.memory_space<vmem>>, %arg10: memref<50000x32xbf16, #tpu.memory_space<vmem_shared>>, %arg11: memref<2x4x128x32xbf16, #tpu.memory_space<vmem>>, %arg12: memref<2x4x128x32xbf16, #tpu.memory_space<vmem>>, %arg13: memref<16xf32, #tpu.memory_space<vmem>>, %arg14: memref<!tpu.dma_semaphore, #tpu.memory_space<semaphore_mem>>, %arg15: memref<!tpu.dma_semaphore, #tpu.memory_space<semaphore_mem>>) attributes {dimension_semantics = [#tpu.dimension_semantics<core_parallel>, #tpu.dimension_semantics<subcore_parallel>], iteration_bounds = array<i64: 2, 16>, scalar_prefetch = 0 : i64, scratch_operands = 9 : i64, tpu.core_type = #tpu.core_type<sc_vector_subcore>, window_params = [{transform_indices = #map}, {transform_indices = #map}, {transform_indices = #map}, {transform_indices = #map}, {transform_indices = #map}]} {
    %mul3A = arith.constant 2 : i32
    %mul3A_0 = arith.muli %arg1, %mul3A : i32
    %add3A = arith.addi %mul3A_0, %arg0 : i32
    %mul3A_1 = arith.constant 52 : i32
    %mul3A_2 = arith.muli %add3A, %mul3A_1 : i32
    %mul3A_3 = arith.constant 4 : i32
    %mul3A_4 = arith.muli %mul3A_2, %mul3A_3 : i32
    %mul3A_5 = arith.constant 3125 : i32
    %mul3A_6 = arith.muli %arg1, %mul3A_5 : i32
    %mul3A_7 = arith.constant 3125 : i32
    %mul3A_8 = arith.muli %arg1, %mul3A_7 : i32
    "tpu.region"() ({
      %run_scoped3A = tpu.sem_alloc : memref<!tpu.dma_semaphore, #tpu.memory_space<semaphore_mem>>
      %dma_start3A_398 = arith.constant 0 : i32
      %dma_start3A_399 = tpu.memref_slice %arg10[%mul3A_8, %dma_start3A_398] : memref<50000x32xbf16, #tpu.memory_space<vmem_shared>> -> memref<3125x32xbf16, #tpu.memory_space<vmem_shared>>
      %dma_start3A_400 = arith.constant 0 : i32
      %dma_start3A_401 = tpu.memref_slice %arg2[%mul3A_6, %dma_start3A_400] : memref<50000x32xbf16, #tpu.memory_space<hbm>> -> memref<3125x32xbf16, #tpu.memory_space<hbm>>
      tpu.enqueue_dma source(%dma_start3A_401 : memref<3125x32xbf16, #tpu.memory_space<hbm>>) target(%dma_start3A_399 : memref<3125x32xbf16, #tpu.memory_space<vmem_shared>>) target_semaphore(%run_scoped3A : memref<!tpu.dma_semaphore, #tpu.memory_space<semaphore_mem>>)
      %dma_wait3A_402 = arith.constant 0 : i32
      %dma_wait3A_403 = tpu.memref_slice %arg10[%mul3A_8, %dma_wait3A_402] : memref<50000x32xbf16, #tpu.memory_space<vmem_shared>> -> memref<3125x32xbf16, #tpu.memory_space<vmem_shared>>
      %dma_wait3A_404 = arith.constant 0 : i32
      %dma_wait3A_405 = tpu.memref_slice %arg2[%mul3A_6, %dma_wait3A_404] : memref<50000x32xbf16, #tpu.memory_space<hbm>> -> memref<3125x32xbf16, #tpu.memory_space<hbm>>
      tpu.wait_dma2 semaphore(%run_scoped3A : memref<!tpu.dma_semaphore, #tpu.memory_space<semaphore_mem>>) src(%dma_wait3A_405 : memref<3125x32xbf16, #tpu.memory_space<hbm>>) dst(%dma_wait3A_403 : memref<3125x32xbf16, #tpu.memory_space<vmem_shared>>)
      tpu.yield
    }) : () -> ()
    %rem3A = arith.constant 0 : i32
    %rem3A_9 = arith.constant 3 : i32
    %rem3A_10 = arith.remsi %rem3A, %rem3A_9 : i32
    %rem3A_11 = arith.constant 0 : i32
    %rem3A_12 = arith.constant 52 : i32
    %rem3A_13 = arith.remsi %rem3A_11, %rem3A_12 : i32
    %mul3A_14 = arith.constant 4 : i32
    %mul3A_15 = arith.muli %rem3A_13, %mul3A_14 : i32
    %add3A_16 = arith.addi %mul3A_4, %mul3A_15 : i32
    %dma_start3A = arith.constant 0 : i32
    %dma_start3A_17 = arith.constant 0 : i32
    %dma_start3A_18 = tpu.memref_slice %arg7[%rem3A_10, %dma_start3A, %dma_start3A_17] : memref<3x4x128xi32, #tpu.memory_space<vmem>> -> memref<1x4x128xi32, #tpu.memory_space<vmem>>
    %dma_start3A_19 = tpu.memref_squeeze %dma_start3A_18 : memref<1x4x128xi32, #tpu.memory_space<vmem>> -> memref<4x128xi32, #tpu.memory_space<vmem>>
    %dma_start3A_20 = arith.constant 0 : i32
    %dma_start3A_21 = tpu.memref_slice %arg3[%add3A_16, %dma_start3A_20] : memref<6656x128xi32, #tpu.memory_space<hbm>> -> memref<4x128xi32, #tpu.memory_space<hbm>>
    %dma_start3A_22 = arith.constant 0 : i32
    %dma_start3A_23 = arith.constant 0 : i32
    %dma_start3A_24 = tpu.memref_slice %arg7[%rem3A_10, %dma_start3A_22, %dma_start3A_23] : memref<3x4x128xi32, #tpu.memory_space<vmem>> -> memref<1x4x128xi32, #tpu.memory_space<vmem>>
    %dma_start3A_25 = tpu.memref_squeeze %dma_start3A_24 : memref<1x4x128xi32, #tpu.memory_space<vmem>> -> memref<4x128xi32, #tpu.memory_space<vmem>>
    %dma_start3A_26 = arith.constant 0 : i32
    %dma_start3A_27 = tpu.memref_slice %arg3[%add3A_16, %dma_start3A_26] : memref<6656x128xi32, #tpu.memory_space<hbm>> -> memref<4x128xi32, #tpu.memory_space<hbm>>
    tpu.enqueue_dma source(%dma_start3A_27 : memref<4x128xi32, #tpu.memory_space<hbm>>) target(%dma_start3A_25 : memref<4x128xi32, #tpu.memory_space<vmem>>) target_semaphore(%arg14 : memref<!tpu.dma_semaphore, #tpu.memory_space<semaphore_mem>>)
    %dma_start3A_28 = arith.constant 0 : i32
    %dma_start3A_29 = arith.constant 0 : i32
    %dma_start3A_30 = tpu.memref_slice %arg8[%rem3A_10, %dma_start3A_28, %dma_start3A_29] : memref<3x4x128xi32, #tpu.memory_space<vmem>> -> memref<1x4x128xi32, #tpu.memory_space<vmem>>
    %dma_start3A_31 = tpu.memref_squeeze %dma_start3A_30 : memref<1x4x128xi32, #tpu.memory_space<vmem>> -> memref<4x128xi32, #tpu.memory_space<vmem>>
    %dma_start3A_32 = arith.constant 0 : i32
    %dma_start3A_33 = tpu.memref_slice %arg4[%add3A_16, %dma_start3A_32] : memref<6656x128xi32, #tpu.memory_space<hbm>> -> memref<4x128xi32, #tpu.memory_space<hbm>>
    %dma_start3A_34 = arith.constant 0 : i32
    %dma_start3A_35 = arith.constant 0 : i32
    %dma_start3A_36 = tpu.memref_slice %arg8[%rem3A_10, %dma_start3A_34, %dma_start3A_35] : memref<3x4x128xi32, #tpu.memory_space<vmem>> -> memref<1x4x128xi32, #tpu.memory_space<vmem>>
    %dma_start3A_37 = tpu.memref_squeeze %dma_start3A_36 : memref<1x4x128xi32, #tpu.memory_space<vmem>> -> memref<4x128xi32, #tpu.memory_space<vmem>>
    %dma_start3A_38 = arith.constant 0 : i32
    %dma_start3A_39 = tpu.memref_slice %arg4[%add3A_16, %dma_start3A_38] : memref<6656x128xi32, #tpu.memory_space<hbm>> -> memref<4x128xi32, #tpu.memory_space<hbm>>
    tpu.enqueue_dma source(%dma_start3A_39 : memref<4x128xi32, #tpu.memory_space<hbm>>) target(%dma_start3A_37 : memref<4x128xi32, #tpu.memory_space<vmem>>) target_semaphore(%arg14 : memref<!tpu.dma_semaphore, #tpu.memory_space<semaphore_mem>>)
    %dma_start3A_40 = arith.constant 0 : i32
    %dma_start3A_41 = arith.constant 0 : i32
    %dma_start3A_42 = tpu.memref_slice %arg9[%rem3A_10, %dma_start3A_40, %dma_start3A_41] : memref<3x4x128xf32, #tpu.memory_space<vmem>> -> memref<1x4x128xf32, #tpu.memory_space<vmem>>
    %dma_start3A_43 = tpu.memref_squeeze %dma_start3A_42 : memref<1x4x128xf32, #tpu.memory_space<vmem>> -> memref<4x128xf32, #tpu.memory_space<vmem>>
    %dma_start3A_44 = arith.constant 0 : i32
    %dma_start3A_45 = tpu.memref_slice %arg5[%add3A_16, %dma_start3A_44] : memref<6656x128xf32, #tpu.memory_space<hbm>> -> memref<4x128xf32, #tpu.memory_space<hbm>>
    %dma_start3A_46 = arith.constant 0 : i32
    %dma_start3A_47 = arith.constant 0 : i32
    %dma_start3A_48 = tpu.memref_slice %arg9[%rem3A_10, %dma_start3A_46, %dma_start3A_47] : memref<3x4x128xf32, #tpu.memory_space<vmem>> -> memref<1x4x128xf32, #tpu.memory_space<vmem>>
    %dma_start3A_49 = tpu.memref_squeeze %dma_start3A_48 : memref<1x4x128xf32, #tpu.memory_space<vmem>> -> memref<4x128xf32, #tpu.memory_space<vmem>>
    %dma_start3A_50 = arith.constant 0 : i32
    %dma_start3A_51 = tpu.memref_slice %arg5[%add3A_16, %dma_start3A_50] : memref<6656x128xf32, #tpu.memory_space<hbm>> -> memref<4x128xf32, #tpu.memory_space<hbm>>
    tpu.enqueue_dma source(%dma_start3A_51 : memref<4x128xf32, #tpu.memory_space<hbm>>) target(%dma_start3A_49 : memref<4x128xf32, #tpu.memory_space<vmem>>) target_semaphore(%arg14 : memref<!tpu.dma_semaphore, #tpu.memory_space<semaphore_mem>>)
    %rem3A_52 = arith.constant 1 : i32
    %rem3A_53 = arith.constant 3 : i32
    %rem3A_54 = arith.remsi %rem3A_52, %rem3A_53 : i32
    %rem3A_55 = arith.constant 1 : i32
    %rem3A_56 = arith.constant 52 : i32
    %rem3A_57 = arith.remsi %rem3A_55, %rem3A_56 : i32
    %mul3A_58 = arith.constant 4 : i32
    %mul3A_59 = arith.muli %rem3A_57, %mul3A_58 : i32
    %add3A_60 = arith.addi %mul3A_4, %mul3A_59 : i32
    %dma_start3A_61 = arith.constant 0 : i32
    %dma_start3A_62 = arith.constant 0 : i32
    %dma_start3A_63 = tpu.memref_slice %arg7[%rem3A_54, %dma_start3A_61, %dma_start3A_62] : memref<3x4x128xi32, #tpu.memory_space<vmem>> -> memref<1x4x128xi32, #tpu.memory_space<vmem>>
    %dma_start3A_64 = tpu.memref_squeeze %dma_start3A_63 : memref<1x4x128xi32, #tpu.memory_space<vmem>> -> memref<4x128xi32, #tpu.memory_space<vmem>>
    %dma_start3A_65 = arith.constant 0 : i32
    %dma_start3A_66 = tpu.memref_slice %arg3[%add3A_60, %dma_start3A_65] : memref<6656x128xi32, #tpu.memory_space<hbm>> -> memref<4x128xi32, #tpu.memory_space<hbm>>
    %dma_start3A_67 = arith.constant 0 : i32
    %dma_start3A_68 = arith.constant 0 : i32
    %dma_start3A_69 = tpu.memref_slice %arg7[%rem3A_54, %dma_start3A_67, %dma_start3A_68] : memref<3x4x128xi32, #tpu.memory_space<vmem>> -> memref<1x4x128xi32, #tpu.memory_space<vmem>>
    %dma_start3A_70 = tpu.memref_squeeze %dma_start3A_69 : memref<1x4x128xi32, #tpu.memory_space<vmem>> -> memref<4x128xi32, #tpu.memory_space<vmem>>
    %dma_start3A_71 = arith.constant 0 : i32
    %dma_start3A_72 = tpu.memref_slice %arg3[%add3A_60, %dma_start3A_71] : memref<6656x128xi32, #tpu.memory_space<hbm>> -> memref<4x128xi32, #tpu.memory_space<hbm>>
    tpu.enqueue_dma source(%dma_start3A_72 : memref<4x128xi32, #tpu.memory_space<hbm>>) target(%dma_start3A_70 : memref<4x128xi32, #tpu.memory_space<vmem>>) target_semaphore(%arg14 : memref<!tpu.dma_semaphore, #tpu.memory_space<semaphore_mem>>)
    %dma_start3A_73 = arith.constant 0 : i32
    %dma_start3A_74 = arith.constant 0 : i32
    %dma_start3A_75 = tpu.memref_slice %arg8[%rem3A_54, %dma_start3A_73, %dma_start3A_74] : memref<3x4x128xi32, #tpu.memory_space<vmem>> -> memref<1x4x128xi32, #tpu.memory_space<vmem>>
    %dma_start3A_76 = tpu.memref_squeeze %dma_start3A_75 : memref<1x4x128xi32, #tpu.memory_space<vmem>> -> memref<4x128xi32, #tpu.memory_space<vmem>>
    %dma_start3A_77 = arith.constant 0 : i32
    %dma_start3A_78 = tpu.memref_slice %arg4[%add3A_60, %dma_start3A_77] : memref<6656x128xi32, #tpu.memory_space<hbm>> -> memref<4x128xi32, #tpu.memory_space<hbm>>
    %dma_start3A_79 = arith.constant 0 : i32
    %dma_start3A_80 = arith.constant 0 : i32
    %dma_start3A_81 = tpu.memref_slice %arg8[%rem3A_54, %dma_start3A_79, %dma_start3A_80] : memref<3x4x128xi32, #tpu.memory_space<vmem>> -> memref<1x4x128xi32, #tpu.memory_space<vmem>>
    %dma_start3A_82 = tpu.memref_squeeze %dma_start3A_81 : memref<1x4x128xi32, #tpu.memory_space<vmem>> -> memref<4x128xi32, #tpu.memory_space<vmem>>
    %dma_start3A_83 = arith.constant 0 : i32
    %dma_start3A_84 = tpu.memref_slice %arg4[%add3A_60, %dma_start3A_83] : memref<6656x128xi32, #tpu.memory_space<hbm>> -> memref<4x128xi32, #tpu.memory_space<hbm>>
    tpu.enqueue_dma source(%dma_start3A_84 : memref<4x128xi32, #tpu.memory_space<hbm>>) target(%dma_start3A_82 : memref<4x128xi32, #tpu.memory_space<vmem>>) target_semaphore(%arg14 : memref<!tpu.dma_semaphore, #tpu.memory_space<semaphore_mem>>)
    %dma_start3A_85 = arith.constant 0 : i32
    %dma_start3A_86 = arith.constant 0 : i32
    %dma_start3A_87 = tpu.memref_slice %arg9[%rem3A_54, %dma_start3A_85, %dma_start3A_86] : memref<3x4x128xf32, #tpu.memory_space<vmem>> -> memref<1x4x128xf32, #tpu.memory_space<vmem>>
    %dma_start3A_88 = tpu.memref_squeeze %dma_start3A_87 : memref<1x4x128xf32, #tpu.memory_space<vmem>> -> memref<4x128xf32, #tpu.memory_space<vmem>>
    %dma_start3A_89 = arith.constant 0 : i32
    %dma_start3A_90 = tpu.memref_slice %arg5[%add3A_60, %dma_start3A_89] : memref<6656x128xf32, #tpu.memory_space<hbm>> -> memref<4x128xf32, #tpu.memory_space<hbm>>
    %dma_start3A_91 = arith.constant 0 : i32
    %dma_start3A_92 = arith.constant 0 : i32
    %dma_start3A_93 = tpu.memref_slice %arg9[%rem3A_54, %dma_start3A_91, %dma_start3A_92] : memref<3x4x128xf32, #tpu.memory_space<vmem>> -> memref<1x4x128xf32, #tpu.memory_space<vmem>>
    %dma_start3A_94 = tpu.memref_squeeze %dma_start3A_93 : memref<1x4x128xf32, #tpu.memory_space<vmem>> -> memref<4x128xf32, #tpu.memory_space<vmem>>
    %dma_start3A_95 = arith.constant 0 : i32
    %dma_start3A_96 = tpu.memref_slice %arg5[%add3A_60, %dma_start3A_95] : memref<6656x128xf32, #tpu.memory_space<hbm>> -> memref<4x128xf32, #tpu.memory_space<hbm>>
    tpu.enqueue_dma source(%dma_start3A_96 : memref<4x128xf32, #tpu.memory_space<hbm>>) target(%dma_start3A_94 : memref<4x128xf32, #tpu.memory_space<vmem>>) target_semaphore(%arg14 : memref<!tpu.dma_semaphore, #tpu.memory_space<semaphore_mem>>)
    %barrier3A = arith.constant 0 : index
    tpu.barrier barrier_id(%barrier3A)
    %dma_wait3A = arith.constant 0 : i32
    %dma_wait3A_97 = arith.constant 0 : i32
    %dma_wait3A_98 = arith.constant 0 : i32
    %dma_wait3A_99 = tpu.memref_slice %arg7[%dma_wait3A, %dma_wait3A_97, %dma_wait3A_98] : memref<3x4x128xi32, #tpu.memory_space<vmem>> -> memref<1x4x128xi32, #tpu.memory_space<vmem>>
    %dma_wait3A_100 = tpu.memref_squeeze %dma_wait3A_99 : memref<1x4x128xi32, #tpu.memory_space<vmem>> -> memref<4x128xi32, #tpu.memory_space<vmem>>
    %dma_wait3A_101 = arith.constant 0 : i32
    %dma_wait3A_102 = tpu.memref_slice %arg3[%mul3A_4, %dma_wait3A_101] : memref<6656x128xi32, #tpu.memory_space<hbm>> -> memref<4x128xi32, #tpu.memory_space<hbm>>
    %dma_wait3A_103 = arith.constant 0 : i32
    %dma_wait3A_104 = arith.constant 0 : i32
    %dma_wait3A_105 = tpu.memref_slice %arg7[%dma_wait3A, %dma_wait3A_103, %dma_wait3A_104] : memref<3x4x128xi32, #tpu.memory_space<vmem>> -> memref<1x4x128xi32, #tpu.memory_space<vmem>>
    %dma_wait3A_106 = tpu.memref_squeeze %dma_wait3A_105 : memref<1x4x128xi32, #tpu.memory_space<vmem>> -> memref<4x128xi32, #tpu.memory_space<vmem>>
    %dma_wait3A_107 = arith.constant 0 : i32
    %dma_wait3A_108 = tpu.memref_slice %arg3[%mul3A_4, %dma_wait3A_107] : memref<6656x128xi32, #tpu.memory_space<hbm>> -> memref<4x128xi32, #tpu.memory_space<hbm>>
    tpu.wait_dma2 semaphore(%arg14 : memref<!tpu.dma_semaphore, #tpu.memory_space<semaphore_mem>>) src(%dma_wait3A_108 : memref<4x128xi32, #tpu.memory_space<hbm>>) dst(%dma_wait3A_106 : memref<4x128xi32, #tpu.memory_space<vmem>>)
    %dma_wait3A_109 = arith.constant 0 : i32
    %dma_wait3A_110 = arith.constant 0 : i32
    %dma_wait3A_111 = arith.constant 0 : i32
    %dma_wait3A_112 = tpu.memref_slice %arg8[%dma_wait3A_109, %dma_wait3A_110, %dma_wait3A_111] : memref<3x4x128xi32, #tpu.memory_space<vmem>> -> memref<1x4x128xi32, #tpu.memory_space<vmem>>
    %dma_wait3A_113 = tpu.memref_squeeze %dma_wait3A_112 : memref<1x4x128xi32, #tpu.memory_space<vmem>> -> memref<4x128xi32, #tpu.memory_space<vmem>>
    %dma_wait3A_114 = arith.constant 0 : i32
    %dma_wait3A_115 = tpu.memref_slice %arg4[%mul3A_4, %dma_wait3A_114] : memref<6656x128xi32, #tpu.memory_space<hbm>> -> memref<4x128xi32, #tpu.memory_space<hbm>>
    %dma_wait3A_116 = arith.constant 0 : i32
    %dma_wait3A_117 = arith.constant 0 : i32
    %dma_wait3A_118 = tpu.memref_slice %arg8[%dma_wait3A_109, %dma_wait3A_116, %dma_wait3A_117] : memref<3x4x128xi32, #tpu.memory_space<vmem>> -> memref<1x4x128xi32, #tpu.memory_space<vmem>>
    %dma_wait3A_119 = tpu.memref_squeeze %dma_wait3A_118 : memref<1x4x128xi32, #tpu.memory_space<vmem>> -> memref<4x128xi32, #tpu.memory_space<vmem>>
    %dma_wait3A_120 = arith.constant 0 : i32
    %dma_wait3A_121 = tpu.memref_slice %arg4[%mul3A_4, %dma_wait3A_120] : memref<6656x128xi32, #tpu.memory_space<hbm>> -> memref<4x128xi32, #tpu.memory_space<hbm>>
    tpu.wait_dma2 semaphore(%arg14 : memref<!tpu.dma_semaphore, #tpu.memory_space<semaphore_mem>>) src(%dma_wait3A_121 : memref<4x128xi32, #tpu.memory_space<hbm>>) dst(%dma_wait3A_119 : memref<4x128xi32, #tpu.memory_space<vmem>>)
    %dma_wait3A_122 = arith.constant 0 : i32
    %dma_wait3A_123 = arith.constant 0 : i32
    %dma_wait3A_124 = arith.constant 0 : i32
    %dma_wait3A_125 = tpu.memref_slice %arg9[%dma_wait3A_122, %dma_wait3A_123, %dma_wait3A_124] : memref<3x4x128xf32, #tpu.memory_space<vmem>> -> memref<1x4x128xf32, #tpu.memory_space<vmem>>
    %dma_wait3A_126 = tpu.memref_squeeze %dma_wait3A_125 : memref<1x4x128xf32, #tpu.memory_space<vmem>> -> memref<4x128xf32, #tpu.memory_space<vmem>>
    %dma_wait3A_127 = arith.constant 0 : i32
    %dma_wait3A_128 = tpu.memref_slice %arg5[%mul3A_4, %dma_wait3A_127] : memref<6656x128xf32, #tpu.memory_space<hbm>> -> memref<4x128xf32, #tpu.memory_space<hbm>>
    %dma_wait3A_129 = arith.constant 0 : i32
    %dma_wait3A_130 = arith.constant 0 : i32
    %dma_wait3A_131 = tpu.memref_slice %arg9[%dma_wait3A_122, %dma_wait3A_129, %dma_wait3A_130] : memref<3x4x128xf32, #tpu.memory_space<vmem>> -> memref<1x4x128xf32, #tpu.memory_space<vmem>>
    %dma_wait3A_132 = tpu.memref_squeeze %dma_wait3A_131 : memref<1x4x128xf32, #tpu.memory_space<vmem>> -> memref<4x128xf32, #tpu.memory_space<vmem>>
    %dma_wait3A_133 = arith.constant 0 : i32
    %dma_wait3A_134 = tpu.memref_slice %arg5[%mul3A_4, %dma_wait3A_133] : memref<6656x128xf32, #tpu.memory_space<hbm>> -> memref<4x128xf32, #tpu.memory_space<hbm>>
    tpu.wait_dma2 semaphore(%arg14 : memref<!tpu.dma_semaphore, #tpu.memory_space<semaphore_mem>>) src(%dma_wait3A_134 : memref<4x128xf32, #tpu.memory_space<hbm>>) dst(%dma_wait3A_132 : memref<4x128xf32, #tpu.memory_space<vmem>>)
    %rem3A_135 = arith.constant 0 : i32
    %rem3A_136 = arith.constant 3 : i32
    %rem3A_137 = arith.remsi %rem3A_135, %rem3A_136 : i32
    %rem3A_138 = arith.constant 0 : i32
    %rem3A_139 = arith.constant 2 : i32
    %rem3A_140 = arith.remsi %rem3A_138, %rem3A_139 : i32
    %dma_start3A_141 = arith.constant 0 : i32
    %dma_start3A_142 = arith.constant 0 : i32
    %dma_start3A_143 = arith.constant 0 : i32
    %dma_start3A_144 = arith.constant 0 : i32
    %dma_start3A_145 = tpu.memref_slice %arg11[%rem3A_140, %dma_start3A_142, %dma_start3A_143, %dma_start3A_144] : memref<2x4x128x32xbf16, #tpu.memory_space<vmem>> -> memref<1x1x128x32xbf16, #tpu.memory_space<vmem>>
    %dma_start3A_146 = tpu.memref_squeeze %dma_start3A_145 : memref<1x1x128x32xbf16, #tpu.memory_space<vmem>> -> memref<128x32xbf16, #tpu.memory_space<vmem>>
    %dma_start3A_147 = arith.constant 0 : i32
    %dma_start3A_148 = tpu.memref_slice %arg7[%rem3A_137, %dma_start3A_141, %dma_start3A_147] : memref<3x4x128xi32, #tpu.memory_space<vmem>> -> memref<1x1x128xi32, #tpu.memory_space<vmem>>
    %dma_start3A_149 = tpu.memref_squeeze %dma_start3A_148 : memref<1x1x128xi32, #tpu.memory_space<vmem>> -> memref<128xi32, #tpu.memory_space<vmem>>
    %dma_start3A_150 = arith.constant 0 : i32
    %dma_start3A_151 = arith.constant 0 : i32
    %dma_start3A_152 = tpu.memref_slice %arg10[%dma_start3A_150, %dma_start3A_151] : memref<50000x32xbf16, #tpu.memory_space<vmem_shared>> -> memref<50000x32xbf16, #tpu.memory_space<vmem_shared>>
    tpu.enqueue_indirect_dma source(%dma_start3A_152 : memref<50000x32xbf16, #tpu.memory_space<vmem_shared>>) target(%dma_start3A_146 : memref<128x32xbf16, #tpu.memory_space<vmem>>) offsets(%dma_start3A_149 : memref<128xi32, #tpu.memory_space<vmem>>) semaphore(%arg15 : memref<!tpu.dma_semaphore, #tpu.memory_space<semaphore_mem>>)
    %dma_start3A_153 = arith.constant 0 : i32
    %dma_start3A_154 = arith.constant 0 : i32
    %dma_start3A_155 = arith.constant 0 : i32
    %dma_start3A_156 = arith.constant 0 : i32
    %dma_start3A_157 = tpu.memref_slice %arg12[%rem3A_140, %dma_start3A_154, %dma_start3A_155, %dma_start3A_156] : memref<2x4x128x32xbf16, #tpu.memory_space<vmem>> -> memref<1x1x128x32xbf16, #tpu.memory_space<vmem>>
    %dma_start3A_158 = tpu.memref_squeeze %dma_start3A_157 : memref<1x1x128x32xbf16, #tpu.memory_space<vmem>> -> memref<128x32xbf16, #tpu.memory_space<vmem>>
    %dma_start3A_159 = arith.constant 0 : i32
    %dma_start3A_160 = tpu.memref_slice %arg8[%rem3A_137, %dma_start3A_153, %dma_start3A_159] : memref<3x4x128xi32, #tpu.memory_space<vmem>> -> memref<1x1x128xi32, #tpu.memory_space<vmem>>
    %dma_start3A_161 = tpu.memref_squeeze %dma_start3A_160 : memref<1x1x128xi32, #tpu.memory_space<vmem>> -> memref<128xi32, #tpu.memory_space<vmem>>
    %dma_start3A_162 = arith.constant 0 : i32
    %dma_start3A_163 = arith.constant 0 : i32
    %dma_start3A_164 = tpu.memref_slice %arg10[%dma_start3A_162, %dma_start3A_163] : memref<50000x32xbf16, #tpu.memory_space<vmem_shared>> -> memref<50000x32xbf16, #tpu.memory_space<vmem_shared>>
    tpu.enqueue_indirect_dma source(%dma_start3A_164 : memref<50000x32xbf16, #tpu.memory_space<vmem_shared>>) target(%dma_start3A_158 : memref<128x32xbf16, #tpu.memory_space<vmem>>) offsets(%dma_start3A_161 : memref<128xi32, #tpu.memory_space<vmem>>) semaphore(%arg15 : memref<!tpu.dma_semaphore, #tpu.memory_space<semaphore_mem>>)
    %dma_start3A_165 = arith.constant 1 : i32
    %dma_start3A_166 = arith.constant 1 : i32
    %dma_start3A_167 = arith.constant 0 : i32
    %dma_start3A_168 = arith.constant 0 : i32
    %dma_start3A_169 = tpu.memref_slice %arg11[%rem3A_140, %dma_start3A_166, %dma_start3A_167, %dma_start3A_168] : memref<2x4x128x32xbf16, #tpu.memory_space<vmem>> -> memref<1x1x128x32xbf16, #tpu.memory_space<vmem>>
    %dma_start3A_170 = tpu.memref_squeeze %dma_start3A_169 : memref<1x1x128x32xbf16, #tpu.memory_space<vmem>> -> memref<128x32xbf16, #tpu.memory_space<vmem>>
    %dma_start3A_171 = arith.constant 0 : i32
    %dma_start3A_172 = tpu.memref_slice %arg7[%rem3A_137, %dma_start3A_165, %dma_start3A_171] : memref<3x4x128xi32, #tpu.memory_space<vmem>> -> memref<1x1x128xi32, #tpu.memory_space<vmem>>
    %dma_start3A_173 = tpu.memref_squeeze %dma_start3A_172 : memref<1x1x128xi32, #tpu.memory_space<vmem>> -> memref<128xi32, #tpu.memory_space<vmem>>
    %dma_start3A_174 = arith.constant 0 : i32
    %dma_start3A_175 = arith.constant 0 : i32
    %dma_start3A_176 = tpu.memref_slice %arg10[%dma_start3A_174, %dma_start3A_175] : memref<50000x32xbf16, #tpu.memory_space<vmem_shared>> -> memref<50000x32xbf16, #tpu.memory_space<vmem_shared>>
    tpu.enqueue_indirect_dma source(%dma_start3A_176 : memref<50000x32xbf16, #tpu.memory_space<vmem_shared>>) target(%dma_start3A_170 : memref<128x32xbf16, #tpu.memory_space<vmem>>) offsets(%dma_start3A_173 : memref<128xi32, #tpu.memory_space<vmem>>) semaphore(%arg15 : memref<!tpu.dma_semaphore, #tpu.memory_space<semaphore_mem>>)
    %dma_start3A_177 = arith.constant 1 : i32
    %dma_start3A_178 = arith.constant 1 : i32
    %dma_start3A_179 = arith.constant 0 : i32
    %dma_start3A_180 = arith.constant 0 : i32
    %dma_start3A_181 = tpu.memref_slice %arg12[%rem3A_140, %dma_start3A_178, %dma_start3A_179, %dma_start3A_180] : memref<2x4x128x32xbf16, #tpu.memory_space<vmem>> -> memref<1x1x128x32xbf16, #tpu.memory_space<vmem>>
    %dma_start3A_182 = tpu.memref_squeeze %dma_start3A_181 : memref<1x1x128x32xbf16, #tpu.memory_space<vmem>> -> memref<128x32xbf16, #tpu.memory_space<vmem>>
    %dma_start3A_183 = arith.constant 0 : i32
    %dma_start3A_184 = tpu.memref_slice %arg8[%rem3A_137, %dma_start3A_177, %dma_start3A_183] : memref<3x4x128xi32, #tpu.memory_space<vmem>> -> memref<1x1x128xi32, #tpu.memory_space<vmem>>
    %dma_start3A_185 = tpu.memref_squeeze %dma_start3A_184 : memref<1x1x128xi32, #tpu.memory_space<vmem>> -> memref<128xi32, #tpu.memory_space<vmem>>
    %dma_start3A_186 = arith.constant 0 : i32
    %dma_start3A_187 = arith.constant 0 : i32
    %dma_start3A_188 = tpu.memref_slice %arg10[%dma_start3A_186, %dma_start3A_187] : memref<50000x32xbf16, #tpu.memory_space<vmem_shared>> -> memref<50000x32xbf16, #tpu.memory_space<vmem_shared>>
    tpu.enqueue_indirect_dma source(%dma_start3A_188 : memref<50000x32xbf16, #tpu.memory_space<vmem_shared>>) target(%dma_start3A_182 : memref<128x32xbf16, #tpu.memory_space<vmem>>) offsets(%dma_start3A_185 : memref<128xi32, #tpu.memory_space<vmem>>) semaphore(%arg15 : memref<!tpu.dma_semaphore, #tpu.memory_space<semaphore_mem>>)
    %dma_start3A_189 = arith.constant 2 : i32
    %dma_start3A_190 = arith.constant 2 : i32
    %dma_start3A_191 = arith.constant 0 : i32
    %dma_start3A_192 = arith.constant 0 : i32
    %dma_start3A_193 = tpu.memref_slice %arg11[%rem3A_140, %dma_start3A_190, %dma_start3A_191, %dma_start3A_192] : memref<2x4x128x32xbf16, #tpu.memory_space<vmem>> -> memref<1x1x128x32xbf16, #tpu.memory_space<vmem>>
    %dma_start3A_194 = tpu.memref_squeeze %dma_start3A_193 : memref<1x1x128x32xbf16, #tpu.memory_space<vmem>> -> memref<128x32xbf16, #tpu.memory_space<vmem>>
    %dma_start3A_195 = arith.constant 0 : i32
    %dma_start3A_196 = tpu.memref_slice %arg7[%rem3A_137, %dma_start3A_189, %dma_start3A_195] : memref<3x4x128xi32, #tpu.memory_space<vmem>> -> memref<1x1x128xi32, #tpu.memory_space<vmem>>
    %dma_start3A_197 = tpu.memref_squeeze %dma_start3A_196 : memref<1x1x128xi32, #tpu.memory_space<vmem>> -> memref<128xi32, #tpu.memory_space<vmem>>
    %dma_start3A_198 = arith.constant 0 : i32
    %dma_start3A_199 = arith.constant 0 : i32
    %dma_start3A_200 = tpu.memref_slice %arg10[%dma_start3A_198, %dma_start3A_199] : memref<50000x32xbf16, #tpu.memory_space<vmem_shared>> -> memref<50000x32xbf16, #tpu.memory_space<vmem_shared>>
    tpu.enqueue_indirect_dma source(%dma_start3A_200 : memref<50000x32xbf16, #tpu.memory_space<vmem_shared>>) target(%dma_start3A_194 : memref<128x32xbf16, #tpu.memory_space<vmem>>) offsets(%dma_start3A_197 : memref<128xi32, #tpu.memory_space<vmem>>) semaphore(%arg15 : memref<!tpu.dma_semaphore, #tpu.memory_space<semaphore_mem>>)
    %dma_start3A_201 = arith.constant 2 : i32
    %dma_start3A_202 = arith.constant 2 : i32
    %dma_start3A_203 = arith.constant 0 : i32
    %dma_start3A_204 = arith.constant 0 : i32
    %dma_start3A_205 = tpu.memref_slice %arg12[%rem3A_140, %dma_start3A_202, %dma_start3A_203, %dma_start3A_204] : memref<2x4x128x32xbf16, #tpu.memory_space<vmem>> -> memref<1x1x128x32xbf16, #tpu.memory_space<vmem>>
    %dma_start3A_206 = tpu.memref_squeeze %dma_start3A_205 : memref<1x1x128x32xbf16, #tpu.memory_space<vmem>> -> memref<128x32xbf16, #tpu.memory_space<vmem>>
    %dma_start3A_207 = arith.constant 0 : i32
    %dma_start3A_208 = tpu.memref_slice %arg8[%rem3A_137, %dma_start3A_201, %dma_start3A_207] : memref<3x4x128xi32, #tpu.memory_space<vmem>> -> memref<1x1x128xi32, #tpu.memory_space<vmem>>
    %dma_start3A_209 = tpu.memref_squeeze %dma_start3A_208 : memref<1x1x128xi32, #tpu.memory_space<vmem>> -> memref<128xi32, #tpu.memory_space<vmem>>
    %dma_start3A_210 = arith.constant 0 : i32
    %dma_start3A_211 = arith.constant 0 : i32
    %dma_start3A_212 = tpu.memref_slice %arg10[%dma_start3A_210, %dma_start3A_211] : memref<50000x32xbf16, #tpu.memory_space<vmem_shared>> -> memref<50000x32xbf16, #tpu.memory_space<vmem_shared>>
    tpu.enqueue_indirect_dma source(%dma_start3A_212 : memref<50000x32xbf16, #tpu.memory_space<vmem_shared>>) target(%dma_start3A_206 : memref<128x32xbf16, #tpu.memory_space<vmem>>) offsets(%dma_start3A_209 : memref<128xi32, #tpu.memory_space<vmem>>) semaphore(%arg15 : memref<!tpu.dma_semaphore, #tpu.memory_space<semaphore_mem>>)
    %dma_start3A_213 = arith.constant 3 : i32
    %dma_start3A_214 = arith.constant 3 : i32
    %dma_start3A_215 = arith.constant 0 : i32
    %dma_start3A_216 = arith.constant 0 : i32
    %dma_start3A_217 = tpu.memref_slice %arg11[%rem3A_140, %dma_start3A_214, %dma_start3A_215, %dma_start3A_216] : memref<2x4x128x32xbf16, #tpu.memory_space<vmem>> -> memref<1x1x128x32xbf16, #tpu.memory_space<vmem>>
    %dma_start3A_218 = tpu.memref_squeeze %dma_start3A_217 : memref<1x1x128x32xbf16, #tpu.memory_space<vmem>> -> memref<128x32xbf16, #tpu.memory_space<vmem>>
    %dma_start3A_219 = arith.constant 0 : i32
    %dma_start3A_220 = tpu.memref_slice %arg7[%rem3A_137, %dma_start3A_213, %dma_start3A_219] : memref<3x4x128xi32, #tpu.memory_space<vmem>> -> memref<1x1x128xi32, #tpu.memory_space<vmem>>
    %dma_start3A_221 = tpu.memref_squeeze %dma_start3A_220 : memref<1x1x128xi32, #tpu.memory_space<vmem>> -> memref<128xi32, #tpu.memory_space<vmem>>
    %dma_start3A_222 = arith.constant 0 : i32
    %dma_start3A_223 = arith.constant 0 : i32
    %dma_start3A_224 = tpu.memref_slice %arg10[%dma_start3A_222, %dma_start3A_223] : memref<50000x32xbf16, #tpu.memory_space<vmem_shared>> -> memref<50000x32xbf16, #tpu.memory_space<vmem_shared>>
    tpu.enqueue_indirect_dma source(%dma_start3A_224 : memref<50000x32xbf16, #tpu.memory_space<vmem_shared>>) target(%dma_start3A_218 : memref<128x32xbf16, #tpu.memory_space<vmem>>) offsets(%dma_start3A_221 : memref<128xi32, #tpu.memory_space<vmem>>) semaphore(%arg15 : memref<!tpu.dma_semaphore, #tpu.memory_space<semaphore_mem>>)
    %dma_start3A_225 = arith.constant 3 : i32
    %dma_start3A_226 = arith.constant 3 : i32
    %dma_start3A_227 = arith.constant 0 : i32
    %dma_start3A_228 = arith.constant 0 : i32
    %dma_start3A_229 = tpu.memref_slice %arg12[%rem3A_140, %dma_start3A_226, %dma_start3A_227, %dma_start3A_228] : memref<2x4x128x32xbf16, #tpu.memory_space<vmem>> -> memref<1x1x128x32xbf16, #tpu.memory_space<vmem>>
    %dma_start3A_230 = tpu.memref_squeeze %dma_start3A_229 : memref<1x1x128x32xbf16, #tpu.memory_space<vmem>> -> memref<128x32xbf16, #tpu.memory_space<vmem>>
    %dma_start3A_231 = arith.constant 0 : i32
    %dma_start3A_232 = tpu.memref_slice %arg8[%rem3A_137, %dma_start3A_225, %dma_start3A_231] : memref<3x4x128xi32, #tpu.memory_space<vmem>> -> memref<1x1x128xi32, #tpu.memory_space<vmem>>
    %dma_start3A_233 = tpu.memref_squeeze %dma_start3A_232 : memref<1x1x128xi32, #tpu.memory_space<vmem>> -> memref<128xi32, #tpu.memory_space<vmem>>
    %dma_start3A_234 = arith.constant 0 : i32
    %dma_start3A_235 = arith.constant 0 : i32
    %dma_start3A_236 = tpu.memref_slice %arg10[%dma_start3A_234, %dma_start3A_235] : memref<50000x32xbf16, #tpu.memory_space<vmem_shared>> -> memref<50000x32xbf16, #tpu.memory_space<vmem_shared>>
    tpu.enqueue_indirect_dma source(%dma_start3A_236 : memref<50000x32xbf16, #tpu.memory_space<vmem_shared>>) target(%dma_start3A_230 : memref<128x32xbf16, #tpu.memory_space<vmem>>) offsets(%dma_start3A_233 : memref<128xi32, #tpu.memory_space<vmem>>) semaphore(%arg15 : memref<!tpu.dma_semaphore, #tpu.memory_space<semaphore_mem>>)
    %broadcast_in_dim3A = arith.constant 0.000000e+00 : f32
    %broadcast_in_dim3A_237 = vector.broadcast %broadcast_in_dim3A : f32 to vector<16xf32>
    %scan3A = arith.constant 0 : i32
    %scan3A_238 = arith.constant 52 : i32
    %scan3A_239 = arith.addi %scan3A, %scan3A_238 : i32
    %scan3A_240 = arith.constant 1 : i32
    %scan3A_241:4 = scf.for %scan3A_398 = %scan3A to %scan3A_239 step %scan3A_240 iter_args(%scan3A_399 = %broadcast_in_dim3A_237, %scan3A_400 = %broadcast_in_dim3A_237, %scan3A_401 = %broadcast_in_dim3A_237, %scan3A_402 = %broadcast_in_dim3A_237) -> (vector<16xf32>, vector<16xf32>, vector<16xf32>, vector<16xf32>)  : i32 {
      %add3A_403 = arith.constant 2 : i32
      %add3A_404 = arith.addi %scan3A_398, %add3A_403 : i32
      %rem3A_405 = arith.constant 3 : i32
      %rem3A_406 = arith.remsi %add3A_404, %rem3A_405 : i32
      %rem3A_407 = arith.constant 52 : i32
      %rem3A_408 = arith.remsi %add3A_404, %rem3A_407 : i32
      %mul3A_409 = arith.constant 4 : i32
      %mul3A_410 = arith.muli %rem3A_408, %mul3A_409 : i32
      %add3A_411 = arith.addi %mul3A_4, %mul3A_410 : i32
      %dma_start3A_412 = arith.constant 0 : i32
      %dma_start3A_413 = arith.constant 0 : i32
      %dma_start3A_414 = tpu.memref_slice %arg7[%rem3A_406, %dma_start3A_412, %dma_start3A_413] : memref<3x4x128xi32, #tpu.memory_space<vmem>> -> memref<1x4x128xi32, #tpu.memory_space<vmem>>
      %dma_start3A_415 = tpu.memref_squeeze %dma_start3A_414 : memref<1x4x128xi32, #tpu.memory_space<vmem>> -> memref<4x128xi32, #tpu.memory_space<vmem>>
      %dma_start3A_416 = arith.constant 0 : i32
      %dma_start3A_417 = tpu.memref_slice %arg3[%add3A_411, %dma_start3A_416] : memref<6656x128xi32, #tpu.memory_space<hbm>> -> memref<4x128xi32, #tpu.memory_space<hbm>>
      %dma_start3A_418 = arith.constant 0 : i32
      %dma_start3A_419 = arith.constant 0 : i32
      %dma_start3A_420 = tpu.memref_slice %arg7[%rem3A_406, %dma_start3A_418, %dma_start3A_419] : memref<3x4x128xi32, #tpu.memory_space<vmem>> -> memref<1x4x128xi32, #tpu.memory_space<vmem>>
      %dma_start3A_421 = tpu.memref_squeeze %dma_start3A_420 : memref<1x4x128xi32, #tpu.memory_space<vmem>> -> memref<4x128xi32, #tpu.memory_space<vmem>>
      %dma_start3A_422 = arith.constant 0 : i32
      %dma_start3A_423 = tpu.memref_slice %arg3[%add3A_411, %dma_start3A_422] : memref<6656x128xi32, #tpu.memory_space<hbm>> -> memref<4x128xi32, #tpu.memory_space<hbm>>
      tpu.enqueue_dma source(%dma_start3A_423 : memref<4x128xi32, #tpu.memory_space<hbm>>) target(%dma_start3A_421 : memref<4x128xi32, #tpu.memory_space<vmem>>) target_semaphore(%arg14 : memref<!tpu.dma_semaphore, #tpu.memory_space<semaphore_mem>>)
      %dma_start3A_424 = arith.constant 0 : i32
      %dma_start3A_425 = arith.constant 0 : i32
      %dma_start3A_426 = tpu.memref_slice %arg8[%rem3A_406, %dma_start3A_424, %dma_start3A_425] : memref<3x4x128xi32, #tpu.memory_space<vmem>> -> memref<1x4x128xi32, #tpu.memory_space<vmem>>
      %dma_start3A_427 = tpu.memref_squeeze %dma_start3A_426 : memref<1x4x128xi32, #tpu.memory_space<vmem>> -> memref<4x128xi32, #tpu.memory_space<vmem>>
      %dma_start3A_428 = arith.constant 0 : i32
      %dma_start3A_429 = tpu.memref_slice %arg4[%add3A_411, %dma_start3A_428] : memref<6656x128xi32, #tpu.memory_space<hbm>> -> memref<4x128xi32, #tpu.memory_space<hbm>>
      %dma_start3A_430 = arith.constant 0 : i32
      %dma_start3A_431 = arith.constant 0 : i32
      %dma_start3A_432 = tpu.memref_slice %arg8[%rem3A_406, %dma_start3A_430, %dma_start3A_431] : memref<3x4x128xi32, #tpu.memory_space<vmem>> -> memref<1x4x128xi32, #tpu.memory_space<vmem>>
      %dma_start3A_433 = tpu.memref_squeeze %dma_start3A_432 : memref<1x4x128xi32, #tpu.memory_space<vmem>> -> memref<4x128xi32, #tpu.memory_space<vmem>>
      %dma_start3A_434 = arith.constant 0 : i32
      %dma_start3A_435 = tpu.memref_slice %arg4[%add3A_411, %dma_start3A_434] : memref<6656x128xi32, #tpu.memory_space<hbm>> -> memref<4x128xi32, #tpu.memory_space<hbm>>
      tpu.enqueue_dma source(%dma_start3A_435 : memref<4x128xi32, #tpu.memory_space<hbm>>) target(%dma_start3A_433 : memref<4x128xi32, #tpu.memory_space<vmem>>) target_semaphore(%arg14 : memref<!tpu.dma_semaphore, #tpu.memory_space<semaphore_mem>>)
      %dma_start3A_436 = arith.constant 0 : i32
      %dma_start3A_437 = arith.constant 0 : i32
      %dma_start3A_438 = tpu.memref_slice %arg9[%rem3A_406, %dma_start3A_436, %dma_start3A_437] : memref<3x4x128xf32, #tpu.memory_space<vmem>> -> memref<1x4x128xf32, #tpu.memory_space<vmem>>
      %dma_start3A_439 = tpu.memref_squeeze %dma_start3A_438 : memref<1x4x128xf32, #tpu.memory_space<vmem>> -> memref<4x128xf32, #tpu.memory_space<vmem>>
      %dma_start3A_440 = arith.constant 0 : i32
      %dma_start3A_441 = tpu.memref_slice %arg5[%add3A_411, %dma_start3A_440] : memref<6656x128xf32, #tpu.memory_space<hbm>> -> memref<4x128xf32, #tpu.memory_space<hbm>>
      %dma_start3A_442 = arith.constant 0 : i32
      %dma_start3A_443 = arith.constant 0 : i32
      %dma_start3A_444 = tpu.memref_slice %arg9[%rem3A_406, %dma_start3A_442, %dma_start3A_443] : memref<3x4x128xf32, #tpu.memory_space<vmem>> -> memref<1x4x128xf32, #tpu.memory_space<vmem>>
      %dma_start3A_445 = tpu.memref_squeeze %dma_start3A_444 : memref<1x4x128xf32, #tpu.memory_space<vmem>> -> memref<4x128xf32, #tpu.memory_space<vmem>>
      %dma_start3A_446 = arith.constant 0 : i32
      %dma_start3A_447 = tpu.memref_slice %arg5[%add3A_411, %dma_start3A_446] : memref<6656x128xf32, #tpu.memory_space<hbm>> -> memref<4x128xf32, #tpu.memory_space<hbm>>
      tpu.enqueue_dma source(%dma_start3A_447 : memref<4x128xf32, #tpu.memory_space<hbm>>) target(%dma_start3A_445 : memref<4x128xf32, #tpu.memory_space<vmem>>) target_semaphore(%arg14 : memref<!tpu.dma_semaphore, #tpu.memory_space<semaphore_mem>>)
      %dma_wait3A_448 = arith.constant 0 : i32
      %dma_wait3A_449 = arith.constant 0 : i32
      %dma_wait3A_450 = arith.constant 0 : i32
      %dma_wait3A_451 = tpu.memref_slice %arg7[%dma_wait3A_448, %dma_wait3A_449, %dma_wait3A_450] : memref<3x4x128xi32, #tpu.memory_space<vmem>> -> memref<1x4x128xi32, #tpu.memory_space<vmem>>
      %dma_wait3A_452 = tpu.memref_squeeze %dma_wait3A_451 : memref<1x4x128xi32, #tpu.memory_space<vmem>> -> memref<4x128xi32, #tpu.memory_space<vmem>>
      %dma_wait3A_453 = arith.constant 0 : i32
      %dma_wait3A_454 = tpu.memref_slice %arg3[%mul3A_4, %dma_wait3A_453] : memref<6656x128xi32, #tpu.memory_space<hbm>> -> memref<4x128xi32, #tpu.memory_space<hbm>>
      %dma_wait3A_455 = arith.constant 0 : i32
      %dma_wait3A_456 = arith.constant 0 : i32
      %dma_wait3A_457 = tpu.memref_slice %arg7[%dma_wait3A_448, %dma_wait3A_455, %dma_wait3A_456] : memref<3x4x128xi32, #tpu.memory_space<vmem>> -> memref<1x4x128xi32, #tpu.memory_space<vmem>>
      %dma_wait3A_458 = tpu.memref_squeeze %dma_wait3A_457 : memref<1x4x128xi32, #tpu.memory_space<vmem>> -> memref<4x128xi32, #tpu.memory_space<vmem>>
      %dma_wait3A_459 = arith.constant 0 : i32
      %dma_wait3A_460 = tpu.memref_slice %arg3[%mul3A_4, %dma_wait3A_459] : memref<6656x128xi32, #tpu.memory_space<hbm>> -> memref<4x128xi32, #tpu.memory_space<hbm>>
      tpu.wait_dma2 semaphore(%arg14 : memref<!tpu.dma_semaphore, #tpu.memory_space<semaphore_mem>>) src(%dma_wait3A_460 : memref<4x128xi32, #tpu.memory_space<hbm>>) dst(%dma_wait3A_458 : memref<4x128xi32, #tpu.memory_space<vmem>>)
      %dma_wait3A_461 = arith.constant 0 : i32
      %dma_wait3A_462 = arith.constant 0 : i32
      %dma_wait3A_463 = arith.constant 0 : i32
      %dma_wait3A_464 = tpu.memref_slice %arg8[%dma_wait3A_461, %dma_wait3A_462, %dma_wait3A_463] : memref<3x4x128xi32, #tpu.memory_space<vmem>> -> memref<1x4x128xi32, #tpu.memory_space<vmem>>
      %dma_wait3A_465 = tpu.memref_squeeze %dma_wait3A_464 : memref<1x4x128xi32, #tpu.memory_space<vmem>> -> memref<4x128xi32, #tpu.memory_space<vmem>>
      %dma_wait3A_466 = arith.constant 0 : i32
      %dma_wait3A_467 = tpu.memref_slice %arg4[%mul3A_4, %dma_wait3A_466] : memref<6656x128xi32, #tpu.memory_space<hbm>> -> memref<4x128xi32, #tpu.memory_space<hbm>>
      %dma_wait3A_468 = arith.constant 0 : i32
      %dma_wait3A_469 = arith.constant 0 : i32
      %dma_wait3A_470 = tpu.memref_slice %arg8[%dma_wait3A_461, %dma_wait3A_468, %dma_wait3A_469] : memref<3x4x128xi32, #tpu.memory_space<vmem>> -> memref<1x4x128xi32, #tpu.memory_space<vmem>>
      %dma_wait3A_471 = tpu.memref_squeeze %dma_wait3A_470 : memref<1x4x128xi32, #tpu.memory_space<vmem>> -> memref<4x128xi32, #tpu.memory_space<vmem>>
      %dma_wait3A_472 = arith.constant 0 : i32
      %dma_wait3A_473 = tpu.memref_slice %arg4[%mul3A_4, %dma_wait3A_472] : memref<6656x128xi32, #tpu.memory_space<hbm>> -> memref<4x128xi32, #tpu.memory_space<hbm>>
      tpu.wait_dma2 semaphore(%arg14 : memref<!tpu.dma_semaphore, #tpu.memory_space<semaphore_mem>>) src(%dma_wait3A_473 : memref<4x128xi32, #tpu.memory_space<hbm>>) dst(%dma_wait3A_471 : memref<4x128xi32, #tpu.memory_space<vmem>>)
      %dma_wait3A_474 = arith.constant 0 : i32
      %dma_wait3A_475 = arith.constant 0 : i32
      %dma_wait3A_476 = arith.constant 0 : i32
      %dma_wait3A_477 = tpu.memref_slice %arg9[%dma_wait3A_474, %dma_wait3A_475, %dma_wait3A_476] : memref<3x4x128xf32, #tpu.memory_space<vmem>> -> memref<1x4x128xf32, #tpu.memory_space<vmem>>
      %dma_wait3A_478 = tpu.memref_squeeze %dma_wait3A_477 : memref<1x4x128xf32, #tpu.memory_space<vmem>> -> memref<4x128xf32, #tpu.memory_space<vmem>>
      %dma_wait3A_479 = arith.constant 0 : i32
      %dma_wait3A_480 = tpu.memref_slice %arg5[%mul3A_4, %dma_wait3A_479] : memref<6656x128xf32, #tpu.memory_space<hbm>> -> memref<4x128xf32, #tpu.memory_space<hbm>>
      %dma_wait3A_481 = arith.constant 0 : i32
      %dma_wait3A_482 = arith.constant 0 : i32
      %dma_wait3A_483 = tpu.memref_slice %arg9[%dma_wait3A_474, %dma_wait3A_481, %dma_wait3A_482] : memref<3x4x128xf32, #tpu.memory_space<vmem>> -> memref<1x4x128xf32, #tpu.memory_space<vmem>>
      %dma_wait3A_484 = tpu.memref_squeeze %dma_wait3A_483 : memref<1x4x128xf32, #tpu.memory_space<vmem>> -> memref<4x128xf32, #tpu.memory_space<vmem>>
      %dma_wait3A_485 = arith.constant 0 : i32
      %dma_wait3A_486 = tpu.memref_slice %arg5[%mul3A_4, %dma_wait3A_485] : memref<6656x128xf32, #tpu.memory_space<hbm>> -> memref<4x128xf32, #tpu.memory_space<hbm>>
      tpu.wait_dma2 semaphore(%arg14 : memref<!tpu.dma_semaphore, #tpu.memory_space<semaphore_mem>>) src(%dma_wait3A_486 : memref<4x128xf32, #tpu.memory_space<hbm>>) dst(%dma_wait3A_484 : memref<4x128xf32, #tpu.memory_space<vmem>>)
      %add3A_487 = arith.constant 1 : i32
      %add3A_488 = arith.addi %scan3A_398, %add3A_487 : i32
      %rem3A_489 = arith.constant 3 : i32
      %rem3A_490 = arith.remsi %add3A_488, %rem3A_489 : i32
      %rem3A_491 = arith.constant 2 : i32
      %rem3A_492 = arith.remsi %add3A_488, %rem3A_491 : i32
      %dma_start3A_493 = arith.constant 0 : i32
      %dma_start3A_494 = arith.constant 0 : i32
      %dma_start3A_495 = arith.constant 0 : i32
      %dma_start3A_496 = arith.constant 0 : i32
      %dma_start3A_497 = tpu.memref_slice %arg11[%rem3A_492, %dma_start3A_494, %dma_start3A_495, %dma_start3A_496] : memref<2x4x128x32xbf16, #tpu.memory_space<vmem>> -> memref<1x1x128x32xbf16, #tpu.memory_space<vmem>>
      %dma_start3A_498 = tpu.memref_squeeze %dma_start3A_497 : memref<1x1x128x32xbf16, #tpu.memory_space<vmem>> -> memref<128x32xbf16, #tpu.memory_space<vmem>>
      %dma_start3A_499 = arith.constant 0 : i32
      %dma_start3A_500 = tpu.memref_slice %arg7[%rem3A_490, %dma_start3A_493, %dma_start3A_499] : memref<3x4x128xi32, #tpu.memory_space<vmem>> -> memref<1x1x128xi32, #tpu.memory_space<vmem>>
      %dma_start3A_501 = tpu.memref_squeeze %dma_start3A_500 : memref<1x1x128xi32, #tpu.memory_space<vmem>> -> memref<128xi32, #tpu.memory_space<vmem>>
      %dma_start3A_502 = arith.constant 0 : i32
      %dma_start3A_503 = arith.constant 0 : i32
      %dma_start3A_504 = tpu.memref_slice %arg10[%dma_start3A_502, %dma_start3A_503] : memref<50000x32xbf16, #tpu.memory_space<vmem_shared>> -> memref<50000x32xbf16, #tpu.memory_space<vmem_shared>>
      tpu.enqueue_indirect_dma source(%dma_start3A_504 : memref<50000x32xbf16, #tpu.memory_space<vmem_shared>>) target(%dma_start3A_498 : memref<128x32xbf16, #tpu.memory_space<vmem>>) offsets(%dma_start3A_501 : memref<128xi32, #tpu.memory_space<vmem>>) semaphore(%arg15 : memref<!tpu.dma_semaphore, #tpu.memory_space<semaphore_mem>>)
      %dma_start3A_505 = arith.constant 0 : i32
      %dma_start3A_506 = arith.constant 0 : i32
      %dma_start3A_507 = arith.constant 0 : i32
      %dma_start3A_508 = arith.constant 0 : i32
      %dma_start3A_509 = tpu.memref_slice %arg12[%rem3A_492, %dma_start3A_506, %dma_start3A_507, %dma_start3A_508] : memref<2x4x128x32xbf16, #tpu.memory_space<vmem>> -> memref<1x1x128x32xbf16, #tpu.memory_space<vmem>>
      %dma_start3A_510 = tpu.memref_squeeze %dma_start3A_509 : memref<1x1x128x32xbf16, #tpu.memory_space<vmem>> -> memref<128x32xbf16, #tpu.memory_space<vmem>>
      %dma_start3A_511 = arith.constant 0 : i32
      %dma_start3A_512 = tpu.memref_slice %arg8[%rem3A_490, %dma_start3A_505, %dma_start3A_511] : memref<3x4x128xi32, #tpu.memory_space<vmem>> -> memref<1x1x128xi32, #tpu.memory_space<vmem>>
      %dma_start3A_513 = tpu.memref_squeeze %dma_start3A_512 : memref<1x1x128xi32, #tpu.memory_space<vmem>> -> memref<128xi32, #tpu.memory_space<vmem>>
      %dma_start3A_514 = arith.constant 0 : i32
      %dma_start3A_515 = arith.constant 0 : i32
      %dma_start3A_516 = tpu.memref_slice %arg10[%dma_start3A_514, %dma_start3A_515] : memref<50000x32xbf16, #tpu.memory_space<vmem_shared>> -> memref<50000x32xbf16, #tpu.memory_space<vmem_shared>>
      tpu.enqueue_indirect_dma source(%dma_start3A_516 : memref<50000x32xbf16, #tpu.memory_space<vmem_shared>>) target(%dma_start3A_510 : memref<128x32xbf16, #tpu.memory_space<vmem>>) offsets(%dma_start3A_513 : memref<128xi32, #tpu.memory_space<vmem>>) semaphore(%arg15 : memref<!tpu.dma_semaphore, #tpu.memory_space<semaphore_mem>>)
      %dma_start3A_517 = arith.constant 1 : i32
      %dma_start3A_518 = arith.constant 1 : i32
      %dma_start3A_519 = arith.constant 0 : i32
      %dma_start3A_520 = arith.constant 0 : i32
      %dma_start3A_521 = tpu.memref_slice %arg11[%rem3A_492, %dma_start3A_518, %dma_start3A_519, %dma_start3A_520] : memref<2x4x128x32xbf16, #tpu.memory_space<vmem>> -> memref<1x1x128x32xbf16, #tpu.memory_space<vmem>>
      %dma_start3A_522 = tpu.memref_squeeze %dma_start3A_521 : memref<1x1x128x32xbf16, #tpu.memory_space<vmem>> -> memref<128x32xbf16, #tpu.memory_space<vmem>>
      %dma_start3A_523 = arith.constant 0 : i32
      %dma_start3A_524 = tpu.memref_slice %arg7[%rem3A_490, %dma_start3A_517, %dma_start3A_523] : memref<3x4x128xi32, #tpu.memory_space<vmem>> -> memref<1x1x128xi32, #tpu.memory_space<vmem>>
      %dma_start3A_525 = tpu.memref_squeeze %dma_start3A_524 : memref<1x1x128xi32, #tpu.memory_space<vmem>> -> memref<128xi32, #tpu.memory_space<vmem>>
      %dma_start3A_526 = arith.constant 0 : i32
      %dma_start3A_527 = arith.constant 0 : i32
      %dma_start3A_528 = tpu.memref_slice %arg10[%dma_start3A_526, %dma_start3A_527] : memref<50000x32xbf16, #tpu.memory_space<vmem_shared>> -> memref<50000x32xbf16, #tpu.memory_space<vmem_shared>>
      tpu.enqueue_indirect_dma source(%dma_start3A_528 : memref<50000x32xbf16, #tpu.memory_space<vmem_shared>>) target(%dma_start3A_522 : memref<128x32xbf16, #tpu.memory_space<vmem>>) offsets(%dma_start3A_525 : memref<128xi32, #tpu.memory_space<vmem>>) semaphore(%arg15 : memref<!tpu.dma_semaphore, #tpu.memory_space<semaphore_mem>>)
      %dma_start3A_529 = arith.constant 1 : i32
      %dma_start3A_530 = arith.constant 1 : i32
      %dma_start3A_531 = arith.constant 0 : i32
      %dma_start3A_532 = arith.constant 0 : i32
      %dma_start3A_533 = tpu.memref_slice %arg12[%rem3A_492, %dma_start3A_530, %dma_start3A_531, %dma_start3A_532] : memref<2x4x128x32xbf16, #tpu.memory_space<vmem>> -> memref<1x1x128x32xbf16, #tpu.memory_space<vmem>>
      %dma_start3A_534 = tpu.memref_squeeze %dma_start3A_533 : memref<1x1x128x32xbf16, #tpu.memory_space<vmem>> -> memref<128x32xbf16, #tpu.memory_space<vmem>>
      %dma_start3A_535 = arith.constant 0 : i32
      %dma_start3A_536 = tpu.memref_slice %arg8[%rem3A_490, %dma_start3A_529, %dma_start3A_535] : memref<3x4x128xi32, #tpu.memory_space<vmem>> -> memref<1x1x128xi32, #tpu.memory_space<vmem>>
      %dma_start3A_537 = tpu.memref_squeeze %dma_start3A_536 : memref<1x1x128xi32, #tpu.memory_space<vmem>> -> memref<128xi32, #tpu.memory_space<vmem>>
      %dma_start3A_538 = arith.constant 0 : i32
      %dma_start3A_539 = arith.constant 0 : i32
      %dma_start3A_540 = tpu.memref_slice %arg10[%dma_start3A_538, %dma_start3A_539] : memref<50000x32xbf16, #tpu.memory_space<vmem_shared>> -> memref<50000x32xbf16, #tpu.memory_space<vmem_shared>>
      tpu.enqueue_indirect_dma source(%dma_start3A_540 : memref<50000x32xbf16, #tpu.memory_space<vmem_shared>>) target(%dma_start3A_534 : memref<128x32xbf16, #tpu.memory_space<vmem>>) offsets(%dma_start3A_537 : memref<128xi32, #tpu.memory_space<vmem>>) semaphore(%arg15 : memref<!tpu.dma_semaphore, #tpu.memory_space<semaphore_mem>>)
      %dma_start3A_541 = arith.constant 2 : i32
      %dma_start3A_542 = arith.constant 2 : i32
      %dma_start3A_543 = arith.constant 0 : i32
      %dma_start3A_544 = arith.constant 0 : i32
      %dma_start3A_545 = tpu.memref_slice %arg11[%rem3A_492, %dma_start3A_542, %dma_start3A_543, %dma_start3A_544] : memref<2x4x128x32xbf16, #tpu.memory_space<vmem>> -> memref<1x1x128x32xbf16, #tpu.memory_space<vmem>>
      %dma_start3A_546 = tpu.memref_squeeze %dma_start3A_545 : memref<1x1x128x32xbf16, #tpu.memory_space<vmem>> -> memref<128x32xbf16, #tpu.memory_space<vmem>>
      %dma_start3A_547 = arith.constant 0 : i32
      %dma_start3A_548 = tpu.memref_slice %arg7[%rem3A_490, %dma_start3A_541, %dma_start3A_547] : memref<3x4x128xi32, #tpu.memory_space<vmem>> -> memref<1x1x128xi32, #tpu.memory_space<vmem>>
      %dma_start3A_549 = tpu.memref_squeeze %dma_start3A_548 : memref<1x1x128xi32, #tpu.memory_space<vmem>> -> memref<128xi32, #tpu.memory_space<vmem>>
      %dma_start3A_550 = arith.constant 0 : i32
      %dma_start3A_551 = arith.constant 0 : i32
      %dma_start3A_552 = tpu.memref_slice %arg10[%dma_start3A_550, %dma_start3A_551] : memref<50000x32xbf16, #tpu.memory_space<vmem_shared>> -> memref<50000x32xbf16, #tpu.memory_space<vmem_shared>>
      tpu.enqueue_indirect_dma source(%dma_start3A_552 : memref<50000x32xbf16, #tpu.memory_space<vmem_shared>>) target(%dma_start3A_546 : memref<128x32xbf16, #tpu.memory_space<vmem>>) offsets(%dma_start3A_549 : memref<128xi32, #tpu.memory_space<vmem>>) semaphore(%arg15 : memref<!tpu.dma_semaphore, #tpu.memory_space<semaphore_mem>>)
      %dma_start3A_553 = arith.constant 2 : i32
      %dma_start3A_554 = arith.constant 2 : i32
      %dma_start3A_555 = arith.constant 0 : i32
      %dma_start3A_556 = arith.constant 0 : i32
      %dma_start3A_557 = tpu.memref_slice %arg12[%rem3A_492, %dma_start3A_554, %dma_start3A_555, %dma_start3A_556] : memref<2x4x128x32xbf16, #tpu.memory_space<vmem>> -> memref<1x1x128x32xbf16, #tpu.memory_space<vmem>>
      %dma_start3A_558 = tpu.memref_squeeze %dma_start3A_557 : memref<1x1x128x32xbf16, #tpu.memory_space<vmem>> -> memref<128x32xbf16, #tpu.memory_space<vmem>>
      %dma_start3A_559 = arith.constant 0 : i32
      %dma_start3A_560 = tpu.memref_slice %arg8[%rem3A_490, %dma_start3A_553, %dma_start3A_559] : memref<3x4x128xi32, #tpu.memory_space<vmem>> -> memref<1x1x128xi32, #tpu.memory_space<vmem>>
      %dma_start3A_561 = tpu.memref_squeeze %dma_start3A_560 : memref<1x1x128xi32, #tpu.memory_space<vmem>> -> memref<128xi32, #tpu.memory_space<vmem>>
      %dma_start3A_562 = arith.constant 0 : i32
      %dma_start3A_563 = arith.constant 0 : i32
      %dma_start3A_564 = tpu.memref_slice %arg10[%dma_start3A_562, %dma_start3A_563] : memref<50000x32xbf16, #tpu.memory_space<vmem_shared>> -> memref<50000x32xbf16, #tpu.memory_space<vmem_shared>>
      tpu.enqueue_indirect_dma source(%dma_start3A_564 : memref<50000x32xbf16, #tpu.memory_space<vmem_shared>>) target(%dma_start3A_558 : memref<128x32xbf16, #tpu.memory_space<vmem>>) offsets(%dma_start3A_561 : memref<128xi32, #tpu.memory_space<vmem>>) semaphore(%arg15 : memref<!tpu.dma_semaphore, #tpu.memory_space<semaphore_mem>>)
      %dma_start3A_565 = arith.constant 3 : i32
      %dma_start3A_566 = arith.constant 3 : i32
      %dma_start3A_567 = arith.constant 0 : i32
      %dma_start3A_568 = arith.constant 0 : i32
      %dma_start3A_569 = tpu.memref_slice %arg11[%rem3A_492, %dma_start3A_566, %dma_start3A_567, %dma_start3A_568] : memref<2x4x128x32xbf16, #tpu.memory_space<vmem>> -> memref<1x1x128x32xbf16, #tpu.memory_space<vmem>>
      %dma_start3A_570 = tpu.memref_squeeze %dma_start3A_569 : memref<1x1x128x32xbf16, #tpu.memory_space<vmem>> -> memref<128x32xbf16, #tpu.memory_space<vmem>>
      %dma_start3A_571 = arith.constant 0 : i32
      %dma_start3A_572 = tpu.memref_slice %arg7[%rem3A_490, %dma_start3A_565, %dma_start3A_571] : memref<3x4x128xi32, #tpu.memory_space<vmem>> -> memref<1x1x128xi32, #tpu.memory_space<vmem>>
      %dma_start3A_573 = tpu.memref_squeeze %dma_start3A_572 : memref<1x1x128xi32, #tpu.memory_space<vmem>> -> memref<128xi32, #tpu.memory_space<vmem>>
      %dma_start3A_574 = arith.constant 0 : i32
      %dma_start3A_575 = arith.constant 0 : i32
      %dma_start3A_576 = tpu.memref_slice %arg10[%dma_start3A_574, %dma_start3A_575] : memref<50000x32xbf16, #tpu.memory_space<vmem_shared>> -> memref<50000x32xbf16, #tpu.memory_space<vmem_shared>>
      tpu.enqueue_indirect_dma source(%dma_start3A_576 : memref<50000x32xbf16, #tpu.memory_space<vmem_shared>>) target(%dma_start3A_570 : memref<128x32xbf16, #tpu.memory_space<vmem>>) offsets(%dma_start3A_573 : memref<128xi32, #tpu.memory_space<vmem>>) semaphore(%arg15 : memref<!tpu.dma_semaphore, #tpu.memory_space<semaphore_mem>>)
      %dma_start3A_577 = arith.constant 3 : i32
      %dma_start3A_578 = arith.constant 3 : i32
      %dma_start3A_579 = arith.constant 0 : i32
      %dma_start3A_580 = arith.constant 0 : i32
      %dma_start3A_581 = tpu.memref_slice %arg12[%rem3A_492, %dma_start3A_578, %dma_start3A_579, %dma_start3A_580] : memref<2x4x128x32xbf16, #tpu.memory_space<vmem>> -> memref<1x1x128x32xbf16, #tpu.memory_space<vmem>>
      %dma_start3A_582 = tpu.memref_squeeze %dma_start3A_581 : memref<1x1x128x32xbf16, #tpu.memory_space<vmem>> -> memref<128x32xbf16, #tpu.memory_space<vmem>>
      %dma_start3A_583 = arith.constant 0 : i32
      %dma_start3A_584 = tpu.memref_slice %arg8[%rem3A_490, %dma_start3A_577, %dma_start3A_583] : memref<3x4x128xi32, #tpu.memory_space<vmem>> -> memref<1x1x128xi32, #tpu.memory_space<vmem>>
      %dma_start3A_585 = tpu.memref_squeeze %dma_start3A_584 : memref<1x1x128xi32, #tpu.memory_space<vmem>> -> memref<128xi32, #tpu.memory_space<vmem>>
      %dma_start3A_586 = arith.constant 0 : i32
      %dma_start3A_587 = arith.constant 0 : i32
      %dma_start3A_588 = tpu.memref_slice %arg10[%dma_start3A_586, %dma_start3A_587] : memref<50000x32xbf16, #tpu.memory_space<vmem_shared>> -> memref<50000x32xbf16, #tpu.memory_space<vmem_shared>>
      tpu.enqueue_indirect_dma source(%dma_start3A_588 : memref<50000x32xbf16, #tpu.memory_space<vmem_shared>>) target(%dma_start3A_582 : memref<128x32xbf16, #tpu.memory_space<vmem>>) offsets(%dma_start3A_585 : memref<128xi32, #tpu.memory_space<vmem>>) semaphore(%arg15 : memref<!tpu.dma_semaphore, #tpu.memory_space<semaphore_mem>>)
      %dma_wait3A_589 = arith.constant 0 : i32
      %dma_wait3A_590 = arith.constant 0 : i32
      %dma_wait3A_591 = arith.constant 0 : i32
      %dma_wait3A_592 = arith.constant 0 : i32
      %dma_wait3A_593 = arith.constant 0 : i32
      %dma_wait3A_594 = arith.constant 0 : i32
      %dma_wait3A_595 = tpu.memref_slice %arg11[%dma_wait3A_591, %dma_wait3A_592, %dma_wait3A_593, %dma_wait3A_594] : memref<2x4x128x32xbf16, #tpu.memory_space<vmem>> -> memref<1x1x128x32xbf16, #tpu.memory_space<vmem>>
      %dma_wait3A_596 = tpu.memref_squeeze %dma_wait3A_595 : memref<1x1x128x32xbf16, #tpu.memory_space<vmem>> -> memref<128x32xbf16, #tpu.memory_space<vmem>>
      %dma_wait3A_597 = arith.constant 0 : i32
      %dma_wait3A_598 = tpu.memref_slice %arg7[%dma_wait3A_589, %dma_wait3A_590, %dma_wait3A_597] : memref<3x4x128xi32, #tpu.memory_space<vmem>> -> memref<1x1x128xi32, #tpu.memory_space<vmem>>
      %dma_wait3A_599 = tpu.memref_squeeze %dma_wait3A_598 : memref<1x1x128xi32, #tpu.memory_space<vmem>> -> memref<128xi32, #tpu.memory_space<vmem>>
      %dma_wait3A_600 = arith.constant 0 : i32
      %dma_wait3A_601 = arith.constant 0 : i32
      %dma_wait3A_602 = tpu.memref_slice %arg10[%dma_wait3A_600, %dma_wait3A_601] : memref<50000x32xbf16, #tpu.memory_space<vmem_shared>> -> memref<50000x32xbf16, #tpu.memory_space<vmem_shared>>
      tpu.wait_indirect_dma semaphore(%arg15 : memref<!tpu.dma_semaphore, #tpu.memory_space<semaphore_mem>>) src(%dma_wait3A_602 : memref<50000x32xbf16, #tpu.memory_space<vmem_shared>>) dst(%dma_wait3A_596 : memref<128x32xbf16, #tpu.memory_space<vmem>>)
      %dma_wait3A_603 = arith.constant 0 : i32
      %dma_wait3A_604 = arith.constant 0 : i32
      %dma_wait3A_605 = arith.constant 0 : i32
      %dma_wait3A_606 = arith.constant 0 : i32
      %dma_wait3A_607 = arith.constant 0 : i32
      %dma_wait3A_608 = arith.constant 0 : i32
      %dma_wait3A_609 = tpu.memref_slice %arg12[%dma_wait3A_605, %dma_wait3A_606, %dma_wait3A_607, %dma_wait3A_608] : memref<2x4x128x32xbf16, #tpu.memory_space<vmem>> -> memref<1x1x128x32xbf16, #tpu.memory_space<vmem>>
      %dma_wait3A_610 = tpu.memref_squeeze %dma_wait3A_609 : memref<1x1x128x32xbf16, #tpu.memory_space<vmem>> -> memref<128x32xbf16, #tpu.memory_space<vmem>>
      %dma_wait3A_611 = arith.constant 0 : i32
      %dma_wait3A_612 = tpu.memref_slice %arg8[%dma_wait3A_603, %dma_wait3A_604, %dma_wait3A_611] : memref<3x4x128xi32, #tpu.memory_space<vmem>> -> memref<1x1x128xi32, #tpu.memory_space<vmem>>
      %dma_wait3A_613 = tpu.memref_squeeze %dma_wait3A_612 : memref<1x1x128xi32, #tpu.memory_space<vmem>> -> memref<128xi32, #tpu.memory_space<vmem>>
      %dma_wait3A_614 = arith.constant 0 : i32
      %dma_wait3A_615 = arith.constant 0 : i32
      %dma_wait3A_616 = tpu.memref_slice %arg10[%dma_wait3A_614, %dma_wait3A_615] : memref<50000x32xbf16, #tpu.memory_space<vmem_shared>> -> memref<50000x32xbf16, #tpu.memory_space<vmem_shared>>
      tpu.wait_indirect_dma semaphore(%arg15 : memref<!tpu.dma_semaphore, #tpu.memory_space<semaphore_mem>>) src(%dma_wait3A_616 : memref<50000x32xbf16, #tpu.memory_space<vmem_shared>>) dst(%dma_wait3A_610 : memref<128x32xbf16, #tpu.memory_space<vmem>>)
      %dma_wait3A_617 = arith.constant 0 : i32
      %dma_wait3A_618 = arith.constant 1 : i32
      %dma_wait3A_619 = arith.constant 0 : i32
      %dma_wait3A_620 = arith.constant 1 : i32
      %dma_wait3A_621 = arith.constant 0 : i32
      %dma_wait3A_622 = arith.constant 0 : i32
      %dma_wait3A_623 = tpu.memref_slice %arg11[%dma_wait3A_619, %dma_wait3A_620, %dma_wait3A_621, %dma_wait3A_622] : memref<2x4x128x32xbf16, #tpu.memory_space<vmem>> -> memref<1x1x128x32xbf16, #tpu.memory_space<vmem>>
      %dma_wait3A_624 = tpu.memref_squeeze %dma_wait3A_623 : memref<1x1x128x32xbf16, #tpu.memory_space<vmem>> -> memref<128x32xbf16, #tpu.memory_space<vmem>>
      %dma_wait3A_625 = arith.constant 0 : i32
      %dma_wait3A_626 = tpu.memref_slice %arg7[%dma_wait3A_617, %dma_wait3A_618, %dma_wait3A_625] : memref<3x4x128xi32, #tpu.memory_space<vmem>> -> memref<1x1x128xi32, #tpu.memory_space<vmem>>
      %dma_wait3A_627 = tpu.memref_squeeze %dma_wait3A_626 : memref<1x1x128xi32, #tpu.memory_space<vmem>> -> memref<128xi32, #tpu.memory_space<vmem>>
      %dma_wait3A_628 = arith.constant 0 : i32
      %dma_wait3A_629 = arith.constant 0 : i32
      %dma_wait3A_630 = tpu.memref_slice %arg10[%dma_wait3A_628, %dma_wait3A_629] : memref<50000x32xbf16, #tpu.memory_space<vmem_shared>> -> memref<50000x32xbf16, #tpu.memory_space<vmem_shared>>
      tpu.wait_indirect_dma semaphore(%arg15 : memref<!tpu.dma_semaphore, #tpu.memory_space<semaphore_mem>>) src(%dma_wait3A_630 : memref<50000x32xbf16, #tpu.memory_space<vmem_shared>>) dst(%dma_wait3A_624 : memref<128x32xbf16, #tpu.memory_space<vmem>>)
      %dma_wait3A_631 = arith.constant 0 : i32
      %dma_wait3A_632 = arith.constant 1 : i32
      %dma_wait3A_633 = arith.constant 0 : i32
      %dma_wait3A_634 = arith.constant 1 : i32
      %dma_wait3A_635 = arith.constant 0 : i32
      %dma_wait3A_636 = arith.constant 0 : i32
      %dma_wait3A_637 = tpu.memref_slice %arg12[%dma_wait3A_633, %dma_wait3A_634, %dma_wait3A_635, %dma_wait3A_636] : memref<2x4x128x32xbf16, #tpu.memory_space<vmem>> -> memref<1x1x128x32xbf16, #tpu.memory_space<vmem>>
      %dma_wait3A_638 = tpu.memref_squeeze %dma_wait3A_637 : memref<1x1x128x32xbf16, #tpu.memory_space<vmem>> -> memref<128x32xbf16, #tpu.memory_space<vmem>>
      %dma_wait3A_639 = arith.constant 0 : i32
      %dma_wait3A_640 = tpu.memref_slice %arg8[%dma_wait3A_631, %dma_wait3A_632, %dma_wait3A_639] : memref<3x4x128xi32, #tpu.memory_space<vmem>> -> memref<1x1x128xi32, #tpu.memory_space<vmem>>
      %dma_wait3A_641 = tpu.memref_squeeze %dma_wait3A_640 : memref<1x1x128xi32, #tpu.memory_space<vmem>> -> memref<128xi32, #tpu.memory_space<vmem>>
      %dma_wait3A_642 = arith.constant 0 : i32
      %dma_wait3A_643 = arith.constant 0 : i32
      %dma_wait3A_644 = tpu.memref_slice %arg10[%dma_wait3A_642, %dma_wait3A_643] : memref<50000x32xbf16, #tpu.memory_space<vmem_shared>> -> memref<50000x32xbf16, #tpu.memory_space<vmem_shared>>
      tpu.wait_indirect_dma semaphore(%arg15 : memref<!tpu.dma_semaphore, #tpu.memory_space<semaphore_mem>>) src(%dma_wait3A_644 : memref<50000x32xbf16, #tpu.memory_space<vmem_shared>>) dst(%dma_wait3A_638 : memref<128x32xbf16, #tpu.memory_space<vmem>>)
      %dma_wait3A_645 = arith.constant 0 : i32
      %dma_wait3A_646 = arith.constant 2 : i32
      %dma_wait3A_647 = arith.constant 0 : i32
      %dma_wait3A_648 = arith.constant 2 : i32
      %dma_wait3A_649 = arith.constant 0 : i32
      %dma_wait3A_650 = arith.constant 0 : i32
      %dma_wait3A_651 = tpu.memref_slice %arg11[%dma_wait3A_647, %dma_wait3A_648, %dma_wait3A_649, %dma_wait3A_650] : memref<2x4x128x32xbf16, #tpu.memory_space<vmem>> -> memref<1x1x128x32xbf16, #tpu.memory_space<vmem>>
      %dma_wait3A_652 = tpu.memref_squeeze %dma_wait3A_651 : memref<1x1x128x32xbf16, #tpu.memory_space<vmem>> -> memref<128x32xbf16, #tpu.memory_space<vmem>>
      %dma_wait3A_653 = arith.constant 0 : i32
      %dma_wait3A_654 = tpu.memref_slice %arg7[%dma_wait3A_645, %dma_wait3A_646, %dma_wait3A_653] : memref<3x4x128xi32, #tpu.memory_space<vmem>> -> memref<1x1x128xi32, #tpu.memory_space<vmem>>
      %dma_wait3A_655 = tpu.memref_squeeze %dma_wait3A_654 : memref<1x1x128xi32, #tpu.memory_space<vmem>> -> memref<128xi32, #tpu.memory_space<vmem>>
      %dma_wait3A_656 = arith.constant 0 : i32
      %dma_wait3A_657 = arith.constant 0 : i32
      %dma_wait3A_658 = tpu.memref_slice %arg10[%dma_wait3A_656, %dma_wait3A_657] : memref<50000x32xbf16, #tpu.memory_space<vmem_shared>> -> memref<50000x32xbf16, #tpu.memory_space<vmem_shared>>
      tpu.wait_indirect_dma semaphore(%arg15 : memref<!tpu.dma_semaphore, #tpu.memory_space<semaphore_mem>>) src(%dma_wait3A_658 : memref<50000x32xbf16, #tpu.memory_space<vmem_shared>>) dst(%dma_wait3A_652 : memref<128x32xbf16, #tpu.memory_space<vmem>>)
      %dma_wait3A_659 = arith.constant 0 : i32
      %dma_wait3A_660 = arith.constant 2 : i32
      %dma_wait3A_661 = arith.constant 0 : i32
      %dma_wait3A_662 = arith.constant 2 : i32
      %dma_wait3A_663 = arith.constant 0 : i32
      %dma_wait3A_664 = arith.constant 0 : i32
      %dma_wait3A_665 = tpu.memref_slice %arg12[%dma_wait3A_661, %dma_wait3A_662, %dma_wait3A_663, %dma_wait3A_664] : memref<2x4x128x32xbf16, #tpu.memory_space<vmem>> -> memref<1x1x128x32xbf16, #tpu.memory_space<vmem>>
      %dma_wait3A_666 = tpu.memref_squeeze %dma_wait3A_665 : memref<1x1x128x32xbf16, #tpu.memory_space<vmem>> -> memref<128x32xbf16, #tpu.memory_space<vmem>>
      %dma_wait3A_667 = arith.constant 0 : i32
      %dma_wait3A_668 = tpu.memref_slice %arg8[%dma_wait3A_659, %dma_wait3A_660, %dma_wait3A_667] : memref<3x4x128xi32, #tpu.memory_space<vmem>> -> memref<1x1x128xi32, #tpu.memory_space<vmem>>
      %dma_wait3A_669 = tpu.memref_squeeze %dma_wait3A_668 : memref<1x1x128xi32, #tpu.memory_space<vmem>> -> memref<128xi32, #tpu.memory_space<vmem>>
      %dma_wait3A_670 = arith.constant 0 : i32
      %dma_wait3A_671 = arith.constant 0 : i32
      %dma_wait3A_672 = tpu.memref_slice %arg10[%dma_wait3A_670, %dma_wait3A_671] : memref<50000x32xbf16, #tpu.memory_space<vmem_shared>> -> memref<50000x32xbf16, #tpu.memory_space<vmem_shared>>
      tpu.wait_indirect_dma semaphore(%arg15 : memref<!tpu.dma_semaphore, #tpu.memory_space<semaphore_mem>>) src(%dma_wait3A_672 : memref<50000x32xbf16, #tpu.memory_space<vmem_shared>>) dst(%dma_wait3A_666 : memref<128x32xbf16, #tpu.memory_space<vmem>>)
      %dma_wait3A_673 = arith.constant 0 : i32
      %dma_wait3A_674 = arith.constant 3 : i32
      %dma_wait3A_675 = arith.constant 0 : i32
      %dma_wait3A_676 = arith.constant 3 : i32
      %dma_wait3A_677 = arith.constant 0 : i32
      %dma_wait3A_678 = arith.constant 0 : i32
      %dma_wait3A_679 = tpu.memref_slice %arg11[%dma_wait3A_675, %dma_wait3A_676, %dma_wait3A_677, %dma_wait3A_678] : memref<2x4x128x32xbf16, #tpu.memory_space<vmem>> -> memref<1x1x128x32xbf16, #tpu.memory_space<vmem>>
      %dma_wait3A_680 = tpu.memref_squeeze %dma_wait3A_679 : memref<1x1x128x32xbf16, #tpu.memory_space<vmem>> -> memref<128x32xbf16, #tpu.memory_space<vmem>>
      %dma_wait3A_681 = arith.constant 0 : i32
      %dma_wait3A_682 = tpu.memref_slice %arg7[%dma_wait3A_673, %dma_wait3A_674, %dma_wait3A_681] : memref<3x4x128xi32, #tpu.memory_space<vmem>> -> memref<1x1x128xi32, #tpu.memory_space<vmem>>
      %dma_wait3A_683 = tpu.memref_squeeze %dma_wait3A_682 : memref<1x1x128xi32, #tpu.memory_space<vmem>> -> memref<128xi32, #tpu.memory_space<vmem>>
      %dma_wait3A_684 = arith.constant 0 : i32
      %dma_wait3A_685 = arith.constant 0 : i32
      %dma_wait3A_686 = tpu.memref_slice %arg10[%dma_wait3A_684, %dma_wait3A_685] : memref<50000x32xbf16, #tpu.memory_space<vmem_shared>> -> memref<50000x32xbf16, #tpu.memory_space<vmem_shared>>
      tpu.wait_indirect_dma semaphore(%arg15 : memref<!tpu.dma_semaphore, #tpu.memory_space<semaphore_mem>>) src(%dma_wait3A_686 : memref<50000x32xbf16, #tpu.memory_space<vmem_shared>>) dst(%dma_wait3A_680 : memref<128x32xbf16, #tpu.memory_space<vmem>>)
      %dma_wait3A_687 = arith.constant 0 : i32
      %dma_wait3A_688 = arith.constant 3 : i32
      %dma_wait3A_689 = arith.constant 0 : i32
      %dma_wait3A_690 = arith.constant 3 : i32
      %dma_wait3A_691 = arith.constant 0 : i32
      %dma_wait3A_692 = arith.constant 0 : i32
      %dma_wait3A_693 = tpu.memref_slice %arg12[%dma_wait3A_689, %dma_wait3A_690, %dma_wait3A_691, %dma_wait3A_692] : memref<2x4x128x32xbf16, #tpu.memory_space<vmem>> -> memref<1x1x128x32xbf16, #tpu.memory_space<vmem>>
      %dma_wait3A_694 = tpu.memref_squeeze %dma_wait3A_693 : memref<1x1x128x32xbf16, #tpu.memory_space<vmem>> -> memref<128x32xbf16, #tpu.memory_space<vmem>>
      %dma_wait3A_695 = arith.constant 0 : i32
      %dma_wait3A_696 = tpu.memref_slice %arg8[%dma_wait3A_687, %dma_wait3A_688, %dma_wait3A_695] : memref<3x4x128xi32, #tpu.memory_space<vmem>> -> memref<1x1x128xi32, #tpu.memory_space<vmem>>
      %dma_wait3A_697 = tpu.memref_squeeze %dma_wait3A_696 : memref<1x1x128xi32, #tpu.memory_space<vmem>> -> memref<128xi32, #tpu.memory_space<vmem>>
      %dma_wait3A_698 = arith.constant 0 : i32
      %dma_wait3A_699 = arith.constant 0 : i32
      %dma_wait3A_700 = tpu.memref_slice %arg10[%dma_wait3A_698, %dma_wait3A_699] : memref<50000x32xbf16, #tpu.memory_space<vmem_shared>> -> memref<50000x32xbf16, #tpu.memory_space<vmem_shared>>
      tpu.wait_indirect_dma semaphore(%arg15 : memref<!tpu.dma_semaphore, #tpu.memory_space<semaphore_mem>>) src(%dma_wait3A_700 : memref<50000x32xbf16, #tpu.memory_space<vmem_shared>>) dst(%dma_wait3A_694 : memref<128x32xbf16, #tpu.memory_space<vmem>>)
      %rem3A_701 = arith.constant 3 : i32
      %rem3A_702 = arith.remsi %scan3A_398, %rem3A_701 : i32
      %rem3A_703 = arith.constant 2 : i32
      %rem3A_704 = arith.remsi %scan3A_398, %rem3A_703 : i32
      %scan3A_705 = arith.constant 0 : i32
      %scan3A_706 = arith.constant 8 : i32
      %scan3A_707 = arith.addi %scan3A_705, %scan3A_706 : i32
      %scan3A_708 = arith.constant 1 : i32
      %scan3A_709:4 = scf.for %scan3A_729 = %scan3A_705 to %scan3A_707 step %scan3A_708 iter_args(%scan3A_730 = %scan3A_399, %scan3A_731 = %scan3A_400, %scan3A_732 = %scan3A_401, %scan3A_733 = %scan3A_402) -> (vector<16xf32>, vector<16xf32>, vector<16xf32>, vector<16xf32>)  : i32 {
        %mul3A_734 = arith.constant 16 : i32
        %mul3A_735 = arith.muli %scan3A_729, %mul3A_734 : i32
        %get3A = arith.constant 0 : i32
        %get3A_736 = arith.index_cast %rem3A_702 : i32 to index
        %get3A_737 = arith.index_cast %get3A : i32 to index
        %get3A_738 = arith.index_cast %mul3A_735 : i32 to index
        %get3A_739 = tpu.vector_load %arg9[%get3A_736, %get3A_737, %get3A_738] {strides = array<i32>} : memref<3x4x128xf32, #tpu.memory_space<vmem>>, vector<16xf32>,
        %add3A_740 = arith.constant 0 : i32
        %add3A_741 = arith.addi %mul3A_735, %add3A_740 : i32
        %get3A_742 = arith.constant 0 : i32
        %get3A_743 = arith.index_cast %rem3A_704 : i32 to index
        %get3A_744 = arith.index_cast %get3A_742 : i32 to index
        %get3A_745 = arith.index_cast %add3A_741 : i32 to index
        %get3A_746 = arith.constant 0 : index
        %get3A_747 = tpu.vector_load %arg11[%get3A_743, %get3A_744, %get3A_745, %get3A_746] {strides = array<i32>} : memref<2x4x128x32xbf16, #tpu.memory_space<vmem>>, vector<32xbf16>,
        %get3A_748 = arith.constant 0 : i32
        %get3A_749 = arith.index_cast %rem3A_704 : i32 to index
        %get3A_750 = arith.index_cast %get3A_748 : i32 to index
        %get3A_751 = arith.index_cast %add3A_741 : i32 to index
        %get3A_752 = arith.constant 0 : index
        %get3A_753 = tpu.vector_load %arg12[%get3A_749, %get3A_750, %get3A_751, %get3A_752] {strides = array<i32>} : memref<2x4x128x32xbf16, #tpu.memory_space<vmem>>, vector<32xbf16>,
        %mul3A_754 = arith.mulf %get3A_747, %get3A_753 : vector<32xbf16>
        %unpack3A = tpu.unpack_subelements %mul3A_754, 0 {pack_format = #tpu.pack_format<interleaved>} : vector<32xbf16> -> vector<16xf32>
        %unpack3A_755 = tpu.unpack_subelements %mul3A_754, 1 {pack_format = #tpu.pack_format<interleaved>} : vector<32xbf16> -> vector<16xf32>
        %add3A_756 = arith.addf %unpack3A, %unpack3A_755 : vector<16xf32>
        %slice3A = vector.extract_strided_slice %get3A_739 {offsets = [0], sizes = [1], strides = [1]} : vector<16xf32> to vector<1xf32>
        %squeeze3A = vector.extract %slice3A[0] : f32 from vector<1xf32>
        %mul3A_757 = vector.broadcast %squeeze3A : f32 to vector<16xf32>
        %mul3A_758 = arith.mulf %mul3A_757, %add3A_756 : vector<16xf32>
        %add3A_759 = arith.addf %scan3A_730, %mul3A_758 : vector<16xf32>
        %add3A_760 = arith.constant 1 : i32
        %add3A_761 = arith.addi %mul3A_735, %add3A_760 : i32
        %get3A_762 = arith.constant 0 : i32
        %get3A_763 = arith.index_cast %rem3A_704 : i32 to index
        %get3A_764 = arith.index_cast %get3A_762 : i32 to index
        %get3A_765 = arith.index_cast %add3A_761 : i32 to index
        %get3A_766 = arith.constant 0 : index
        %get3A_767 = tpu.vector_load %arg11[%get3A_763, %get3A_764, %get3A_765, %get3A_766] {strides = array<i32>} : memref<2x4x128x32xbf16, #tpu.memory_space<vmem>>, vector<32xbf16>,
        %get3A_768 = arith.constant 0 : i32
        %get3A_769 = arith.index_cast %rem3A_704 : i32 to index
        %get3A_770 = arith.index_cast %get3A_768 : i32 to index
        %get3A_771 = arith.index_cast %add3A_761 : i32 to index
        %get3A_772 = arith.constant 0 : index
        %get3A_773 = tpu.vector_load %arg12[%get3A_769, %get3A_770, %get3A_771, %get3A_772] {strides = array<i32>} : memref<2x4x128x32xbf16, #tpu.memory_space<vmem>>, vector<32xbf16>,
        %mul3A_774 = arith.mulf %get3A_767, %get3A_773 : vector<32xbf16>
        %unpack3A_775 = tpu.unpack_subelements %mul3A_774, 0 {pack_format = #tpu.pack_format<interleaved>} : vector<32xbf16> -> vector<16xf32>
        %unpack3A_776 = tpu.unpack_subelements %mul3A_774, 1 {pack_format = #tpu.pack_format<interleaved>} : vector<32xbf16> -> vector<16xf32>
        %add3A_777 = arith.addf %unpack3A_775, %unpack3A_776 : vector<16xf32>
        %slice3A_778 = vector.extract_strided_slice %get3A_739 {offsets = [1], sizes = [1], strides = [1]} : vector<16xf32> to vector<1xf32>
        %squeeze3A_779 = vector.extract %slice3A_778[0] : f32 from vector<1xf32>
        %mul3A_780 = vector.broadcast %squeeze3A_779 : f32 to vector<16xf32>
        %mul3A_781 = arith.mulf %mul3A_780, %add3A_777 : vector<16xf32>
        %add3A_782 = arith.addf %scan3A_731, %mul3A_781 : vector<16xf32>
        %add3A_783 = arith.constant 2 : i32
        %add3A_784 = arith.addi %mul3A_735, %add3A_783 : i32
        %get3A_785 = arith.constant 0 : i32
        %get3A_786 = arith.index_cast %rem3A_704 : i32 to index
        %get3A_787 = arith.index_cast %get3A_785 : i32 to index
        %get3A_788 = arith.index_cast %add3A_784 : i32 to index
        %get3A_789 = arith.constant 0 : index
        %get3A_790 = tpu.vector_load %arg11[%get3A_786, %get3A_787, %get3A_788, %get3A_789] {strides = array<i32>} : memref<2x4x128x32xbf16, #tpu.memory_space<vmem>>, vector<32xbf16>,
        %get3A_791 = arith.constant 0 : i32
        %get3A_792 = arith.index_cast %rem3A_704 : i32 to index
        %get3A_793 = arith.index_cast %get3A_791 : i32 to index
        %get3A_794 = arith.index_cast %add3A_784 : i32 to index
        %get3A_795 = arith.constant 0 : index
        %get3A_796 = tpu.vector_load %arg12[%get3A_792, %get3A_793, %get3A_794, %get3A_795] {strides = array<i32>} : memref<2x4x128x32xbf16, #tpu.memory_space<vmem>>, vector<32xbf16>,
        %mul3A_797 = arith.mulf %get3A_790, %get3A_796 : vector<32xbf16>
        %unpack3A_798 = tpu.unpack_subelements %mul3A_797, 0 {pack_format = #tpu.pack_format<interleaved>} : vector<32xbf16> -> vector<16xf32>
        %unpack3A_799 = tpu.unpack_subelements %mul3A_797, 1 {pack_format = #tpu.pack_format<interleaved>} : vector<32xbf16> -> vector<16xf32>
        %add3A_800 = arith.addf %unpack3A_798, %unpack3A_799 : vector<16xf32>
        %slice3A_801 = vector.extract_strided_slice %get3A_739 {offsets = [2], sizes = [1], strides = [1]} : vector<16xf32> to vector<1xf32>
        %squeeze3A_802 = vector.extract %slice3A_801[0] : f32 from vector<1xf32>
        %mul3A_803 = vector.broadcast %squeeze3A_802 : f32 to vector<16xf32>
        %mul3A_804 = arith.mulf %mul3A_803, %add3A_800 : vector<16xf32>
        %add3A_805 = arith.addf %scan3A_732, %mul3A_804 : vector<16xf32>
        %add3A_806 = arith.constant 3 : i32
        %add3A_807 = arith.addi %mul3A_735, %add3A_806 : i32
        %get3A_808 = arith.constant 0 : i32
        %get3A_809 = arith.index_cast %rem3A_704 : i32 to index
        %get3A_810 = arith.index_cast %get3A_808 : i32 to index
        %get3A_811 = arith.index_cast %add3A_807 : i32 to index
        %get3A_812 = arith.constant 0 : index
        %get3A_813 = tpu.vector_load %arg11[%get3A_809, %get3A_810, %get3A_811, %get3A_812] {strides = array<i32>} : memref<2x4x128x32xbf16, #tpu.memory_space<vmem>>, vector<32xbf16>,
        %get3A_814 = arith.constant 0 : i32
        %get3A_815 = arith.index_cast %rem3A_704 : i32 to index
        %get3A_816 = arith.index_cast %get3A_814 : i32 to index
        %get3A_817 = arith.index_cast %add3A_807 : i32 to index
        %get3A_818 = arith.constant 0 : index
        %get3A_819 = tpu.vector_load %arg12[%get3A_815, %get3A_816, %get3A_817, %get3A_818] {strides = array<i32>} : memref<2x4x128x32xbf16, #tpu.memory_space<vmem>>, vector<32xbf16>,
        %mul3A_820 = arith.mulf %get3A_813, %get3A_819 : vector<32xbf16>
        %unpack3A_821 = tpu.unpack_subelements %mul3A_820, 0 {pack_format = #tpu.pack_format<interleaved>} : vector<32xbf16> -> vector<16xf32>
        %unpack3A_822 = tpu.unpack_subelements %mul3A_820, 1 {pack_format = #tpu.pack_format<interleaved>} : vector<32xbf16> -> vector<16xf32>
        %add3A_823 = arith.addf %unpack3A_821, %unpack3A_822 : vector<16xf32>
        %slice3A_824 = vector.extract_strided_slice %get3A_739 {offsets = [3], sizes = [1], strides = [1]} : vector<16xf32> to vector<1xf32>
        %squeeze3A_825 = vector.extract %slice3A_824[0] : f32 from vector<1xf32>
        %mul3A_826 = vector.broadcast %squeeze3A_825 : f32 to vector<16xf32>
        %mul3A_827 = arith.mulf %mul3A_826, %add3A_823 : vector<16xf32>
        %add3A_828 = arith.addf %scan3A_733, %mul3A_827 : vector<16xf32>
        %add3A_829 = arith.constant 4 : i32
        %add3A_830 = arith.addi %mul3A_735, %add3A_829 : i32
        %get3A_831 = arith.constant 0 : i32
        %get3A_832 = arith.index_cast %rem3A_704 : i32 to index
        %get3A_833 = arith.index_cast %get3A_831 : i32 to index
        %get3A_834 = arith.index_cast %add3A_830 : i32 to index
        %get3A_835 = arith.constant 0 : index
        %get3A_836 = tpu.vector_load %arg11[%get3A_832, %get3A_833, %get3A_834, %get3A_835] {strides = array<i32>} : memref<2x4x128x32xbf16, #tpu.memory_space<vmem>>, vector<32xbf16>,
        %get3A_837 = arith.constant 0 : i32
        %get3A_838 = arith.index_cast %rem3A_704 : i32 to index
        %get3A_839 = arith.index_cast %get3A_837 : i32 to index
        %get3A_840 = arith.index_cast %add3A_830 : i32 to index
        %get3A_841 = arith.constant 0 : index
        %get3A_842 = tpu.vector_load %arg12[%get3A_838, %get3A_839, %get3A_840, %get3A_841] {strides = array<i32>} : memref<2x4x128x32xbf16, #tpu.memory_space<vmem>>, vector<32xbf16>,
        %mul3A_843 = arith.mulf %get3A_836, %get3A_842 : vector<32xbf16>
        %unpack3A_844 = tpu.unpack_subelements %mul3A_843, 0 {pack_format = #tpu.pack_format<interleaved>} : vector<32xbf16> -> vector<16xf32>
        %unpack3A_845 = tpu.unpack_subelements %mul3A_843, 1 {pack_format = #tpu.pack_format<interleaved>} : vector<32xbf16> -> vector<16xf32>
        %add3A_846 = arith.addf %unpack3A_844, %unpack3A_845 : vector<16xf32>
        %slice3A_847 = vector.extract_strided_slice %get3A_739 {offsets = [4], sizes = [1], strides = [1]} : vector<16xf32> to vector<1xf32>
        %squeeze3A_848 = vector.extract %slice3A_847[0] : f32 from vector<1xf32>
        %mul3A_849 = vector.broadcast %squeeze3A_848 : f32 to vector<16xf32>
        %mul3A_850 = arith.mulf %mul3A_849, %add3A_846 : vector<16xf32>
        %add3A_851 = arith.addf %add3A_759, %mul3A_850 : vector<16xf32>
        %add3A_852 = arith.constant 5 : i32
        %add3A_853 = arith.addi %mul3A_735, %add3A_852 : i32
        %get3A_854 = arith.constant 0 : i32
        %get3A_855 = arith.index_cast %rem3A_704 : i32 to index
        %get3A_856 = arith.index_cast %get3A_854 : i32 to index
        %get3A_857 = arith.index_cast %add3A_853 : i32 to index
        %get3A_858 = arith.constant 0 : index
        %get3A_859 = tpu.vector_load %arg11[%get3A_855, %get3A_856, %get3A_857, %get3A_858] {strides = array<i32>} : memref<2x4x128x32xbf16, #tpu.memory_space<vmem>>, vector<32xbf16>,
        %get3A_860 = arith.constant 0 : i32
        %get3A_861 = arith.index_cast %rem3A_704 : i32 to index
        %get3A_862 = arith.index_cast %get3A_860 : i32 to index
        %get3A_863 = arith.index_cast %add3A_853 : i32 to index
        %get3A_864 = arith.constant 0 : index
        %get3A_865 = tpu.vector_load %arg12[%get3A_861, %get3A_862, %get3A_863, %get3A_864] {strides = array<i32>} : memref<2x4x128x32xbf16, #tpu.memory_space<vmem>>, vector<32xbf16>,
        %mul3A_866 = arith.mulf %get3A_859, %get3A_865 : vector<32xbf16>
        %unpack3A_867 = tpu.unpack_subelements %mul3A_866, 0 {pack_format = #tpu.pack_format<interleaved>} : vector<32xbf16> -> vector<16xf32>
        %unpack3A_868 = tpu.unpack_subelements %mul3A_866, 1 {pack_format = #tpu.pack_format<interleaved>} : vector<32xbf16> -> vector<16xf32>
        %add3A_869 = arith.addf %unpack3A_867, %unpack3A_868 : vector<16xf32>
        %slice3A_870 = vector.extract_strided_slice %get3A_739 {offsets = [5], sizes = [1], strides = [1]} : vector<16xf32> to vector<1xf32>
        %squeeze3A_871 = vector.extract %slice3A_870[0] : f32 from vector<1xf32>
        %mul3A_872 = vector.broadcast %squeeze3A_871 : f32 to vector<16xf32>
        %mul3A_873 = arith.mulf %mul3A_872, %add3A_869 : vector<16xf32>
        %add3A_874 = arith.addf %add3A_782, %mul3A_873 : vector<16xf32>
        %add3A_875 = arith.constant 6 : i32
        %add3A_876 = arith.addi %mul3A_735, %add3A_875 : i32
        %get3A_877 = arith.constant 0 : i32
        %get3A_878 = arith.index_cast %rem3A_704 : i32 to index
        %get3A_879 = arith.index_cast %get3A_877 : i32 to index
        %get3A_880 = arith.index_cast %add3A_876 : i32 to index
        %get3A_881 = arith.constant 0 : index
        %get3A_882 = tpu.vector_load %arg11[%get3A_878, %get3A_879, %get3A_880, %get3A_881] {strides = array<i32>} : memref<2x4x128x32xbf16, #tpu.memory_space<vmem>>, vector<32xbf16>,
        %get3A_883 = arith.constant 0 : i32
        %get3A_884 = arith.index_cast %rem3A_704 : i32 to index
        %get3A_885 = arith.index_cast %get3A_883 : i32 to index
        %get3A_886 = arith.index_cast %add3A_876 : i32 to index
        %get3A_887 = arith.constant 0 : index
        %get3A_888 = tpu.vector_load %arg12[%get3A_884, %get3A_885, %get3A_886, %get3A_887] {strides = array<i32>} : memref<2x4x128x32xbf16, #tpu.memory_space<vmem>>, vector<32xbf16>,
        %mul3A_889 = arith.mulf %get3A_882, %get3A_888 : vector<32xbf16>
        %unpack3A_890 = tpu.unpack_subelements %mul3A_889, 0 {pack_format = #tpu.pack_format<interleaved>} : vector<32xbf16> -> vector<16xf32>
        %unpack3A_891 = tpu.unpack_subelements %mul3A_889, 1 {pack_format = #tpu.pack_format<interleaved>} : vector<32xbf16> -> vector<16xf32>
        %add3A_892 = arith.addf %unpack3A_890, %unpack3A_891 : vector<16xf32>
        %slice3A_893 = vector.extract_strided_slice %get3A_739 {offsets = [6], sizes = [1], strides = [1]} : vector<16xf32> to vector<1xf32>
        %squeeze3A_894 = vector.extract %slice3A_893[0] : f32 from vector<1xf32>
        %mul3A_895 = vector.broadcast %squeeze3A_894 : f32 to vector<16xf32>
        %mul3A_896 = arith.mulf %mul3A_895, %add3A_892 : vector<16xf32>
        %add3A_897 = arith.addf %add3A_805, %mul3A_896 : vector<16xf32>
        %add3A_898 = arith.constant 7 : i32
        %add3A_899 = arith.addi %mul3A_735, %add3A_898 : i32
        %get3A_900 = arith.constant 0 : i32
        %get3A_901 = arith.index_cast %rem3A_704 : i32 to index
        %get3A_902 = arith.index_cast %get3A_900 : i32 to index
        %get3A_903 = arith.index_cast %add3A_899 : i32 to index
        %get3A_904 = arith.constant 0 : index
        %get3A_905 = tpu.vector_load %arg11[%get3A_901, %get3A_902, %get3A_903, %get3A_904] {strides = array<i32>} : memref<2x4x128x32xbf16, #tpu.memory_space<vmem>>, vector<32xbf16>,
        %get3A_906 = arith.constant 0 : i32
        %get3A_907 = arith.index_cast %rem3A_704 : i32 to index
        %get3A_908 = arith.index_cast %get3A_906 : i32 to index
        %get3A_909 = arith.index_cast %add3A_899 : i32 to index
        %get3A_910 = arith.constant 0 : index
        %get3A_911 = tpu.vector_load %arg12[%get3A_907, %get3A_908, %get3A_909, %get3A_910] {strides = array<i32>} : memref<2x4x128x32xbf16, #tpu.memory_space<vmem>>, vector<32xbf16>,
        %mul3A_912 = arith.mulf %get3A_905, %get3A_911 : vector<32xbf16>
        %unpack3A_913 = tpu.unpack_subelements %mul3A_912, 0 {pack_format = #tpu.pack_format<interleaved>} : vector<32xbf16> -> vector<16xf32>
        %unpack3A_914 = tpu.unpack_subelements %mul3A_912, 1 {pack_format = #tpu.pack_format<interleaved>} : vector<32xbf16> -> vector<16xf32>
        %add3A_915 = arith.addf %unpack3A_913, %unpack3A_914 : vector<16xf32>
        %slice3A_916 = vector.extract_strided_slice %get3A_739 {offsets = [7], sizes = [1], strides = [1]} : vector<16xf32> to vector<1xf32>
        %squeeze3A_917 = vector.extract %slice3A_916[0] : f32 from vector<1xf32>
        %mul3A_918 = vector.broadcast %squeeze3A_917 : f32 to vector<16xf32>
        %mul3A_919 = arith.mulf %mul3A_918, %add3A_915 : vector<16xf32>
        %add3A_920 = arith.addf %add3A_828, %mul3A_919 : vector<16xf32>
        %add3A_921 = arith.constant 8 : i32
        %add3A_922 = arith.addi %mul3A_735, %add3A_921 : i32
        %get3A_923 = arith.constant 0 : i32
        %get3A_924 = arith.index_cast %rem3A_704 : i32 to index
        %get3A_925 = arith.index_cast %get3A_923 : i32 to index
        %get3A_926 = arith.index_cast %add3A_922 : i32 to index
        %get3A_927 = arith.constant 0 : index
        %get3A_928 = tpu.vector_load %arg11[%get3A_924, %get3A_925, %get3A_926, %get3A_927] {strides = array<i32>} : memref<2x4x128x32xbf16, #tpu.memory_space<vmem>>, vector<32xbf16>,
        %get3A_929 = arith.constant 0 : i32
        %get3A_930 = arith.index_cast %rem3A_704 : i32 to index
        %get3A_931 = arith.index_cast %get3A_929 : i32 to index
        %get3A_932 = arith.index_cast %add3A_922 : i32 to index
        %get3A_933 = arith.constant 0 : index
        %get3A_934 = tpu.vector_load %arg12[%get3A_930, %get3A_931, %get3A_932, %get3A_933] {strides = array<i32>} : memref<2x4x128x32xbf16, #tpu.memory_space<vmem>>, vector<32xbf16>,
        %mul3A_935 = arith.mulf %get3A_928, %get3A_934 : vector<32xbf16>
        %unpack3A_936 = tpu.unpack_subelements %mul3A_935, 0 {pack_format = #tpu.pack_format<interleaved>} : vector<32xbf16> -> vector<16xf32>
        %unpack3A_937 = tpu.unpack_subelements %mul3A_935, 1 {pack_format = #tpu.pack_format<interleaved>} : vector<32xbf16> -> vector<16xf32>
        %add3A_938 = arith.addf %unpack3A_936, %unpack3A_937 : vector<16xf32>
        %slice3A_939 = vector.extract_strided_slice %get3A_739 {offsets = [8], sizes = [1], strides = [1]} : vector<16xf32> to vector<1xf32>
        %squeeze3A_940 = vector.extract %slice3A_939[0] : f32 from vector<1xf32>
        %mul3A_941 = vector.broadcast %squeeze3A_940 : f32 to vector<16xf32>
        %mul3A_942 = arith.mulf %mul3A_941, %add3A_938 : vector<16xf32>
        %add3A_943 = arith.addf %add3A_851, %mul3A_942 : vector<16xf32>
        %add3A_944 = arith.constant 9 : i32
        %add3A_945 = arith.addi %mul3A_735, %add3A_944 : i32
        %get3A_946 = arith.constant 0 : i32
        %get3A_947 = arith.index_cast %rem3A_704 : i32 to index
        %get3A_948 = arith.index_cast %get3A_946 : i32 to index
        %get3A_949 = arith.index_cast %add3A_945 : i32 to index
        %get3A_950 = arith.constant 0 : index
        %get3A_951 = tpu.vector_load %arg11[%get3A_947, %get3A_948, %get3A_949, %get3A_950] {strides = array<i32>} : memref<2x4x128x32xbf16, #tpu.memory_space<vmem>>, vector<32xbf16>,
        %get3A_952 = arith.constant 0 : i32
        %get3A_953 = arith.index_cast %rem3A_704 : i32 to index
        %get3A_954 = arith.index_cast %get3A_952 : i32 to index
        %get3A_955 = arith.index_cast %add3A_945 : i32 to index
        %get3A_956 = arith.constant 0 : index
        %get3A_957 = tpu.vector_load %arg12[%get3A_953, %get3A_954, %get3A_955, %get3A_956] {strides = array<i32>} : memref<2x4x128x32xbf16, #tpu.memory_space<vmem>>, vector<32xbf16>,
        %mul3A_958 = arith.mulf %get3A_951, %get3A_957 : vector<32xbf16>
        %unpack3A_959 = tpu.unpack_subelements %mul3A_958, 0 {pack_format = #tpu.pack_format<interleaved>} : vector<32xbf16> -> vector<16xf32>
        %unpack3A_960 = tpu.unpack_subelements %mul3A_958, 1 {pack_format = #tpu.pack_format<interleaved>} : vector<32xbf16> -> vector<16xf32>
        %add3A_961 = arith.addf %unpack3A_959, %unpack3A_960 : vector<16xf32>
        %slice3A_962 = vector.extract_strided_slice %get3A_739 {offsets = [9], sizes = [1], strides = [1]} : vector<16xf32> to vector<1xf32>
        %squeeze3A_963 = vector.extract %slice3A_962[0] : f32 from vector<1xf32>
        %mul3A_964 = vector.broadcast %squeeze3A_963 : f32 to vector<16xf32>
        %mul3A_965 = arith.mulf %mul3A_964, %add3A_961 : vector<16xf32>
        %add3A_966 = arith.addf %add3A_874, %mul3A_965 : vector<16xf32>
        %add3A_967 = arith.constant 10 : i32
        %add3A_968 = arith.addi %mul3A_735, %add3A_967 : i32
        %get3A_969 = arith.constant 0 : i32
        %get3A_970 = arith.index_cast %rem3A_704 : i32 to index
        %get3A_971 = arith.index_cast %get3A_969 : i32 to index
        %get3A_972 = arith.index_cast %add3A_968 : i32 to index
        %get3A_973 = arith.constant 0 : index
        %get3A_974 = tpu.vector_load %arg11[%get3A_970, %get3A_971, %get3A_972, %get3A_973] {strides = array<i32>} : memref<2x4x128x32xbf16, #tpu.memory_space<vmem>>, vector<32xbf16>,
        %get3A_975 = arith.constant 0 : i32
        %get3A_976 = arith.index_cast %rem3A_704 : i32 to index
        %get3A_977 = arith.index_cast %get3A_975 : i32 to index
        %get3A_978 = arith.index_cast %add3A_968 : i32 to index
        %get3A_979 = arith.constant 0 : index
        %get3A_980 = tpu.vector_load %arg12[%get3A_976, %get3A_977, %get3A_978, %get3A_979] {strides = array<i32>} : memref<2x4x128x32xbf16, #tpu.memory_space<vmem>>, vector<32xbf16>,
        %mul3A_981 = arith.mulf %get3A_974, %get3A_980 : vector<32xbf16>
        %unpack3A_982 = tpu.unpack_subelements %mul3A_981, 0 {pack_format = #tpu.pack_format<interleaved>} : vector<32xbf16> -> vector<16xf32>
        %unpack3A_983 = tpu.unpack_subelements %mul3A_981, 1 {pack_format = #tpu.pack_format<interleaved>} : vector<32xbf16> -> vector<16xf32>
        %add3A_984 = arith.addf %unpack3A_982, %unpack3A_983 : vector<16xf32>
        %slice3A_985 = vector.extract_strided_slice %get3A_739 {offsets = [10], sizes = [1], strides = [1]} : vector<16xf32> to vector<1xf32>
        %squeeze3A_986 = vector.extract %slice3A_985[0] : f32 from vector<1xf32>
        %mul3A_987 = vector.broadcast %squeeze3A_986 : f32 to vector<16xf32>
        %mul3A_988 = arith.mulf %mul3A_987, %add3A_984 : vector<16xf32>
        %add3A_989 = arith.addf %add3A_897, %mul3A_988 : vector<16xf32>
        %add3A_990 = arith.constant 11 : i32
        %add3A_991 = arith.addi %mul3A_735, %add3A_990 : i32
        %get3A_992 = arith.constant 0 : i32
        %get3A_993 = arith.index_cast %rem3A_704 : i32 to index
        %get3A_994 = arith.index_cast %get3A_992 : i32 to index
        %get3A_995 = arith.index_cast %add3A_991 : i32 to index
        %get3A_996 = arith.constant 0 : index
        %get3A_997 = tpu.vector_load %arg11[%get3A_993, %get3A_994, %get3A_995, %get3A_996] {strides = array<i32>} : memref<2x4x128x32xbf16, #tpu.memory_space<vmem>>, vector<32xbf16>,
        %get3A_998 = arith.constant 0 : i32
        %get3A_999 = arith.index_cast %rem3A_704 : i32 to index
        %get3A_1000 = arith.index_cast %get3A_998 : i32 to index
        %get3A_1001 = arith.index_cast %add3A_991 : i32 to index
        %get3A_1002 = arith.constant 0 : index
        %get3A_1003 = tpu.vector_load %arg12[%get3A_999, %get3A_1000, %get3A_1001, %get3A_1002] {strides = array<i32>} : memref<2x4x128x32xbf16, #tpu.memory_space<vmem>>, vector<32xbf16>,
        %mul3A_1004 = arith.mulf %get3A_997, %get3A_1003 : vector<32xbf16>
        %unpack3A_1005 = tpu.unpack_subelements %mul3A_1004, 0 {pack_format = #tpu.pack_format<interleaved>} : vector<32xbf16> -> vector<16xf32>
        %unpack3A_1006 = tpu.unpack_subelements %mul3A_1004, 1 {pack_format = #tpu.pack_format<interleaved>} : vector<32xbf16> -> vector<16xf32>
        %add3A_1007 = arith.addf %unpack3A_1005, %unpack3A_1006 : vector<16xf32>
        %slice3A_1008 = vector.extract_strided_slice %get3A_739 {offsets = [11], sizes = [1], strides = [1]} : vector<16xf32> to vector<1xf32>
        %squeeze3A_1009 = vector.extract %slice3A_1008[0] : f32 from vector<1xf32>
        %mul3A_1010 = vector.broadcast %squeeze3A_1009 : f32 to vector<16xf32>
        %mul3A_1011 = arith.mulf %mul3A_1010, %add3A_1007 : vector<16xf32>
        %add3A_1012 = arith.addf %add3A_920, %mul3A_1011 : vector<16xf32>
        %add3A_1013 = arith.constant 12 : i32
        %add3A_1014 = arith.addi %mul3A_735, %add3A_1013 : i32
        %get3A_1015 = arith.constant 0 : i32
        %get3A_1016 = arith.index_cast %rem3A_704 : i32 to index
        %get3A_1017 = arith.index_cast %get3A_1015 : i32 to index
        %get3A_1018 = arith.index_cast %add3A_1014 : i32 to index
        %get3A_1019 = arith.constant 0 : index
        %get3A_1020 = tpu.vector_load %arg11[%get3A_1016, %get3A_1017, %get3A_1018, %get3A_1019] {strides = array<i32>} : memref<2x4x128x32xbf16, #tpu.memory_space<vmem>>, vector<32xbf16>,
        %get3A_1021 = arith.constant 0 : i32
        %get3A_1022 = arith.index_cast %rem3A_704 : i32 to index
        %get3A_1023 = arith.index_cast %get3A_1021 : i32 to index
        %get3A_1024 = arith.index_cast %add3A_1014 : i32 to index
        %get3A_1025 = arith.constant 0 : index
        %get3A_1026 = tpu.vector_load %arg12[%get3A_1022, %get3A_1023, %get3A_1024, %get3A_1025] {strides = array<i32>} : memref<2x4x128x32xbf16, #tpu.memory_space<vmem>>, vector<32xbf16>,
        %mul3A_1027 = arith.mulf %get3A_1020, %get3A_1026 : vector<32xbf16>
        %unpack3A_1028 = tpu.unpack_subelements %mul3A_1027, 0 {pack_format = #tpu.pack_format<interleaved>} : vector<32xbf16> -> vector<16xf32>
        %unpack3A_1029 = tpu.unpack_subelements %mul3A_1027, 1 {pack_format = #tpu.pack_format<interleaved>} : vector<32xbf16> -> vector<16xf32>
        %add3A_1030 = arith.addf %unpack3A_1028, %unpack3A_1029 : vector<16xf32>
        %slice3A_1031 = vector.extract_strided_slice %get3A_739 {offsets = [12], sizes = [1], strides = [1]} : vector<16xf32> to vector<1xf32>
        %squeeze3A_1032 = vector.extract %slice3A_1031[0] : f32 from vector<1xf32>
        %mul3A_1033 = vector.broadcast %squeeze3A_1032 : f32 to vector<16xf32>
        %mul3A_1034 = arith.mulf %mul3A_1033, %add3A_1030 : vector<16xf32>
        %add3A_1035 = arith.addf %add3A_943, %mul3A_1034 : vector<16xf32>
        %add3A_1036 = arith.constant 13 : i32
        %add3A_1037 = arith.addi %mul3A_735, %add3A_1036 : i32
        %get3A_1038 = arith.constant 0 : i32
        %get3A_1039 = arith.index_cast %rem3A_704 : i32 to index
        %get3A_1040 = arith.index_cast %get3A_1038 : i32 to index
        %get3A_1041 = arith.index_cast %add3A_1037 : i32 to index
        %get3A_1042 = arith.constant 0 : index
        %get3A_1043 = tpu.vector_load %arg11[%get3A_1039, %get3A_1040, %get3A_1041, %get3A_1042] {strides = array<i32>} : memref<2x4x128x32xbf16, #tpu.memory_space<vmem>>, vector<32xbf16>,
        %get3A_1044 = arith.constant 0 : i32
        %get3A_1045 = arith.index_cast %rem3A_704 : i32 to index
        %get3A_1046 = arith.index_cast %get3A_1044 : i32 to index
        %get3A_1047 = arith.index_cast %add3A_1037 : i32 to index
        %get3A_1048 = arith.constant 0 : index
        %get3A_1049 = tpu.vector_load %arg12[%get3A_1045, %get3A_1046, %get3A_1047, %get3A_1048] {strides = array<i32>} : memref<2x4x128x32xbf16, #tpu.memory_space<vmem>>, vector<32xbf16>,
        %mul3A_1050 = arith.mulf %get3A_1043, %get3A_1049 : vector<32xbf16>
        %unpack3A_1051 = tpu.unpack_subelements %mul3A_1050, 0 {pack_format = #tpu.pack_format<interleaved>} : vector<32xbf16> -> vector<16xf32>
        %unpack3A_1052 = tpu.unpack_subelements %mul3A_1050, 1 {pack_format = #tpu.pack_format<interleaved>} : vector<32xbf16> -> vector<16xf32>
        %add3A_1053 = arith.addf %unpack3A_1051, %unpack3A_1052 : vector<16xf32>
        %slice3A_1054 = vector.extract_strided_slice %get3A_739 {offsets = [13], sizes = [1], strides = [1]} : vector<16xf32> to vector<1xf32>
        %squeeze3A_1055 = vector.extract %slice3A_1054[0] : f32 from vector<1xf32>
        %mul3A_1056 = vector.broadcast %squeeze3A_1055 : f32 to vector<16xf32>
        %mul3A_1057 = arith.mulf %mul3A_1056, %add3A_1053 : vector<16xf32>
        %add3A_1058 = arith.addf %add3A_966, %mul3A_1057 : vector<16xf32>
        %add3A_1059 = arith.constant 14 : i32
        %add3A_1060 = arith.addi %mul3A_735, %add3A_1059 : i32
        %get3A_1061 = arith.constant 0 : i32
        %get3A_1062 = arith.index_cast %rem3A_704 : i32 to index
        %get3A_1063 = arith.index_cast %get3A_1061 : i32 to index
        %get3A_1064 = arith.index_cast %add3A_1060 : i32 to index
        %get3A_1065 = arith.constant 0 : index
        %get3A_1066 = tpu.vector_load %arg11[%get3A_1062, %get3A_1063, %get3A_1064, %get3A_1065] {strides = array<i32>} : memref<2x4x128x32xbf16, #tpu.memory_space<vmem>>, vector<32xbf16>,
        %get3A_1067 = arith.constant 0 : i32
        %get3A_1068 = arith.index_cast %rem3A_704 : i32 to index
        %get3A_1069 = arith.index_cast %get3A_1067 : i32 to index
        %get3A_1070 = arith.index_cast %add3A_1060 : i32 to index
        %get3A_1071 = arith.constant 0 : index
        %get3A_1072 = tpu.vector_load %arg12[%get3A_1068, %get3A_1069, %get3A_1070, %get3A_1071] {strides = array<i32>} : memref<2x4x128x32xbf16, #tpu.memory_space<vmem>>, vector<32xbf16>,
        %mul3A_1073 = arith.mulf %get3A_1066, %get3A_1072 : vector<32xbf16>
        %unpack3A_1074 = tpu.unpack_subelements %mul3A_1073, 0 {pack_format = #tpu.pack_format<interleaved>} : vector<32xbf16> -> vector<16xf32>
        %unpack3A_1075 = tpu.unpack_subelements %mul3A_1073, 1 {pack_format = #tpu.pack_format<interleaved>} : vector<32xbf16> -> vector<16xf32>
        %add3A_1076 = arith.addf %unpack3A_1074, %unpack3A_1075 : vector<16xf32>
        %slice3A_1077 = vector.extract_strided_slice %get3A_739 {offsets = [14], sizes = [1], strides = [1]} : vector<16xf32> to vector<1xf32>
        %squeeze3A_1078 = vector.extract %slice3A_1077[0] : f32 from vector<1xf32>
        %mul3A_1079 = vector.broadcast %squeeze3A_1078 : f32 to vector<16xf32>
        %mul3A_1080 = arith.mulf %mul3A_1079, %add3A_1076 : vector<16xf32>
        %add3A_1081 = arith.addf %add3A_989, %mul3A_1080 : vector<16xf32>
        %add3A_1082 = arith.constant 15 : i32
        %add3A_1083 = arith.addi %mul3A_735, %add3A_1082 : i32
        %get3A_1084 = arith.constant 0 : i32
        %get3A_1085 = arith.index_cast %rem3A_704 : i32 to index
        %get3A_1086 = arith.index_cast %get3A_1084 : i32 to index
        %get3A_1087 = arith.index_cast %add3A_1083 : i32 to index
        %get3A_1088 = arith.constant 0 : index
        %get3A_1089 = tpu.vector_load %arg11[%get3A_1085, %get3A_1086, %get3A_1087, %get3A_1088] {strides = array<i32>} : memref<2x4x128x32xbf16, #tpu.memory_space<vmem>>, vector<32xbf16>,
        %get3A_1090 = arith.constant 0 : i32
        %get3A_1091 = arith.index_cast %rem3A_704 : i32 to index
        %get3A_1092 = arith.index_cast %get3A_1090 : i32 to index
        %get3A_1093 = arith.index_cast %add3A_1083 : i32 to index
        %get3A_1094 = arith.constant 0 : index
        %get3A_1095 = tpu.vector_load %arg12[%get3A_1091, %get3A_1092, %get3A_1093, %get3A_1094] {strides = array<i32>} : memref<2x4x128x32xbf16, #tpu.memory_space<vmem>>, vector<32xbf16>,
        %mul3A_1096 = arith.mulf %get3A_1089, %get3A_1095 : vector<32xbf16>
        %unpack3A_1097 = tpu.unpack_subelements %mul3A_1096, 0 {pack_format = #tpu.pack_format<interleaved>} : vector<32xbf16> -> vector<16xf32>
        %unpack3A_1098 = tpu.unpack_subelements %mul3A_1096, 1 {pack_format = #tpu.pack_format<interleaved>} : vector<32xbf16> -> vector<16xf32>
        %add3A_1099 = arith.addf %unpack3A_1097, %unpack3A_1098 : vector<16xf32>
        %slice3A_1100 = vector.extract_strided_slice %get3A_739 {offsets = [15], sizes = [1], strides = [1]} : vector<16xf32> to vector<1xf32>
        %squeeze3A_1101 = vector.extract %slice3A_1100[0] : f32 from vector<1xf32>
        %mul3A_1102 = vector.broadcast %squeeze3A_1101 : f32 to vector<16xf32>
        %mul3A_1103 = arith.mulf %mul3A_1102, %add3A_1099 : vector<16xf32>
        %add3A_1104 = arith.addf %add3A_1012, %mul3A_1103 : vector<16xf32>
        scf.yield %add3A_1035, %add3A_1058, %add3A_1081, %add3A_1104 : vector<16xf32>, vector<16xf32>, vector<16xf32>, vector<16xf32>
      }
      %scan3A_710 = arith.constant 8 : i32
      %scan3A_711 = arith.constant 0 : i32
      %scan3A_712 = arith.constant 8 : i32
      %scan3A_713 = arith.addi %scan3A_711, %scan3A_712 : i32
      %scan3A_714 = arith.constant 1 : i32
      %scan3A_715:4 = scf.for %scan3A_729 = %scan3A_711 to %scan3A_713 step %scan3A_714 iter_args(%scan3A_730 = %scan3A_709#0, %scan3A_731 = %scan3A_709#1, %scan3A_732 = %scan3A_709#2, %scan3A_733 = %scan3A_709#3) -> (vector<16xf32>, vector<16xf32>, vector<16xf32>, vector<16xf32>)  : i32 {
        %mul3A_734 = arith.constant 16 : i32
        %mul3A_735 = arith.muli %scan3A_729, %mul3A_734 : i32
        %get3A = arith.constant 1 : i32
        %get3A_736 = arith.index_cast %rem3A_702 : i32 to index
        %get3A_737 = arith.index_cast %get3A : i32 to index
        %get3A_738 = arith.index_cast %mul3A_735 : i32 to index
        %get3A_739 = tpu.vector_load %arg9[%get3A_736, %get3A_737, %get3A_738] {strides = array<i32>} : memref<3x4x128xf32, #tpu.memory_space<vmem>>, vector<16xf32>,
        %add3A_740 = arith.constant 0 : i32
        %add3A_741 = arith.addi %mul3A_735, %add3A_740 : i32
        %get3A_742 = arith.constant 1 : i32
        %get3A_743 = arith.index_cast %rem3A_704 : i32 to index
        %get3A_744 = arith.index_cast %get3A_742 : i32 to index
        %get3A_745 = arith.index_cast %add3A_741 : i32 to index
        %get3A_746 = arith.constant 0 : index
        %get3A_747 = tpu.vector_load %arg11[%get3A_743, %get3A_744, %get3A_745, %get3A_746] {strides = array<i32>} : memref<2x4x128x32xbf16, #tpu.memory_space<vmem>>, vector<32xbf16>,
        %get3A_748 = arith.constant 1 : i32
        %get3A_749 = arith.index_cast %rem3A_704 : i32 to index
        %get3A_750 = arith.index_cast %get3A_748 : i32 to index
        %get3A_751 = arith.index_cast %add3A_741 : i32 to index
        %get3A_752 = arith.constant 0 : index
        %get3A_753 = tpu.vector_load %arg12[%get3A_749, %get3A_750, %get3A_751, %get3A_752] {strides = array<i32>} : memref<2x4x128x32xbf16, #tpu.memory_space<vmem>>, vector<32xbf16>,
        %mul3A_754 = arith.mulf %get3A_747, %get3A_753 : vector<32xbf16>
        %unpack3A = tpu.unpack_subelements %mul3A_754, 0 {pack_format = #tpu.pack_format<interleaved>} : vector<32xbf16> -> vector<16xf32>
        %unpack3A_755 = tpu.unpack_subelements %mul3A_754, 1 {pack_format = #tpu.pack_format<interleaved>} : vector<32xbf16> -> vector<16xf32>
        %add3A_756 = arith.addf %unpack3A, %unpack3A_755 : vector<16xf32>
        %slice3A = vector.extract_strided_slice %get3A_739 {offsets = [0], sizes = [1], strides = [1]} : vector<16xf32> to vector<1xf32>
        %squeeze3A = vector.extract %slice3A[0] : f32 from vector<1xf32>
        %mul3A_757 = vector.broadcast %squeeze3A : f32 to vector<16xf32>
        %mul3A_758 = arith.mulf %mul3A_757, %add3A_756 : vector<16xf32>
        %add3A_759 = arith.addf %scan3A_730, %mul3A_758 : vector<16xf32>
        %add3A_760 = arith.constant 1 : i32
        %add3A_761 = arith.addi %mul3A_735, %add3A_760 : i32
        %get3A_762 = arith.constant 1 : i32
        %get3A_763 = arith.index_cast %rem3A_704 : i32 to index
        %get3A_764 = arith.index_cast %get3A_762 : i32 to index
        %get3A_765 = arith.index_cast %add3A_761 : i32 to index
        %get3A_766 = arith.constant 0 : index
        %get3A_767 = tpu.vector_load %arg11[%get3A_763, %get3A_764, %get3A_765, %get3A_766] {strides = array<i32>} : memref<2x4x128x32xbf16, #tpu.memory_space<vmem>>, vector<32xbf16>,
        %get3A_768 = arith.constant 1 : i32
        %get3A_769 = arith.index_cast %rem3A_704 : i32 to index
        %get3A_770 = arith.index_cast %get3A_768 : i32 to index
        %get3A_771 = arith.index_cast %add3A_761 : i32 to index
        %get3A_772 = arith.constant 0 : index
        %get3A_773 = tpu.vector_load %arg12[%get3A_769, %get3A_770, %get3A_771, %get3A_772] {strides = array<i32>} : memref<2x4x128x32xbf16, #tpu.memory_space<vmem>>, vector<32xbf16>,
        %mul3A_774 = arith.mulf %get3A_767, %get3A_773 : vector<32xbf16>
        %unpack3A_775 = tpu.unpack_subelements %mul3A_774, 0 {pack_format = #tpu.pack_format<interleaved>} : vector<32xbf16> -> vector<16xf32>
        %unpack3A_776 = tpu.unpack_subelements %mul3A_774, 1 {pack_format = #tpu.pack_format<interleaved>} : vector<32xbf16> -> vector<16xf32>
        %add3A_777 = arith.addf %unpack3A_775, %unpack3A_776 : vector<16xf32>
        %slice3A_778 = vector.extract_strided_slice %get3A_739 {offsets = [1], sizes = [1], strides = [1]} : vector<16xf32> to vector<1xf32>
        %squeeze3A_779 = vector.extract %slice3A_778[0] : f32 from vector<1xf32>
        %mul3A_780 = vector.broadcast %squeeze3A_779 : f32 to vector<16xf32>
        %mul3A_781 = arith.mulf %mul3A_780, %add3A_777 : vector<16xf32>
        %add3A_782 = arith.addf %scan3A_731, %mul3A_781 : vector<16xf32>
        %add3A_783 = arith.constant 2 : i32
        %add3A_784 = arith.addi %mul3A_735, %add3A_783 : i32
        %get3A_785 = arith.constant 1 : i32
        %get3A_786 = arith.index_cast %rem3A_704 : i32 to index
        %get3A_787 = arith.index_cast %get3A_785 : i32 to index
        %get3A_788 = arith.index_cast %add3A_784 : i32 to index
        %get3A_789 = arith.constant 0 : index
        %get3A_790 = tpu.vector_load %arg11[%get3A_786, %get3A_787, %get3A_788, %get3A_789] {strides = array<i32>} : memref<2x4x128x32xbf16, #tpu.memory_space<vmem>>, vector<32xbf16>,
        %get3A_791 = arith.constant 1 : i32
        %get3A_792 = arith.index_cast %rem3A_704 : i32 to index
        %get3A_793 = arith.index_cast %get3A_791 : i32 to index
        %get3A_794 = arith.index_cast %add3A_784 : i32 to index
        %get3A_795 = arith.constant 0 : index
        %get3A_796 = tpu.vector_load %arg12[%get3A_792, %get3A_793, %get3A_794, %get3A_795] {strides = array<i32>} : memref<2x4x128x32xbf16, #tpu.memory_space<vmem>>, vector<32xbf16>,
        %mul3A_797 = arith.mulf %get3A_790, %get3A_796 : vector<32xbf16>
        %unpack3A_798 = tpu.unpack_subelements %mul3A_797, 0 {pack_format = #tpu.pack_format<interleaved>} : vector<32xbf16> -> vector<16xf32>
        %unpack3A_799 = tpu.unpack_subelements %mul3A_797, 1 {pack_format = #tpu.pack_format<interleaved>} : vector<32xbf16> -> vector<16xf32>
        %add3A_800 = arith.addf %unpack3A_798, %unpack3A_799 : vector<16xf32>
        %slice3A_801 = vector.extract_strided_slice %get3A_739 {offsets = [2], sizes = [1], strides = [1]} : vector<16xf32> to vector<1xf32>
        %squeeze3A_802 = vector.extract %slice3A_801[0] : f32 from vector<1xf32>
        %mul3A_803 = vector.broadcast %squeeze3A_802 : f32 to vector<16xf32>
        %mul3A_804 = arith.mulf %mul3A_803, %add3A_800 : vector<16xf32>
        %add3A_805 = arith.addf %scan3A_732, %mul3A_804 : vector<16xf32>
        %add3A_806 = arith.constant 3 : i32
        %add3A_807 = arith.addi %mul3A_735, %add3A_806 : i32
        %get3A_808 = arith.constant 1 : i32
        %get3A_809 = arith.index_cast %rem3A_704 : i32 to index
        %get3A_810 = arith.index_cast %get3A_808 : i32 to index
        %get3A_811 = arith.index_cast %add3A_807 : i32 to index
        %get3A_812 = arith.constant 0 : index
        %get3A_813 = tpu.vector_load %arg11[%get3A_809, %get3A_810, %get3A_811, %get3A_812] {strides = array<i32>} : memref<2x4x128x32xbf16, #tpu.memory_space<vmem>>, vector<32xbf16>,
        %get3A_814 = arith.constant 1 : i32
        %get3A_815 = arith.index_cast %rem3A_704 : i32 to index
        %get3A_816 = arith.index_cast %get3A_814 : i32 to index
        %get3A_817 = arith.index_cast %add3A_807 : i32 to index
        %get3A_818 = arith.constant 0 : index
        %get3A_819 = tpu.vector_load %arg12[%get3A_815, %get3A_816, %get3A_817, %get3A_818] {strides = array<i32>} : memref<2x4x128x32xbf16, #tpu.memory_space<vmem>>, vector<32xbf16>,
        %mul3A_820 = arith.mulf %get3A_813, %get3A_819 : vector<32xbf16>
        %unpack3A_821 = tpu.unpack_subelements %mul3A_820, 0 {pack_format = #tpu.pack_format<interleaved>} : vector<32xbf16> -> vector<16xf32>
        %unpack3A_822 = tpu.unpack_subelements %mul3A_820, 1 {pack_format = #tpu.pack_format<interleaved>} : vector<32xbf16> -> vector<16xf32>
        %add3A_823 = arith.addf %unpack3A_821, %unpack3A_822 : vector<16xf32>
        %slice3A_824 = vector.extract_strided_slice %get3A_739 {offsets = [3], sizes = [1], strides = [1]} : vector<16xf32> to vector<1xf32>
        %squeeze3A_825 = vector.extract %slice3A_824[0] : f32 from vector<1xf32>
        %mul3A_826 = vector.broadcast %squeeze3A_825 : f32 to vector<16xf32>
        %mul3A_827 = arith.mulf %mul3A_826, %add3A_823 : vector<16xf32>
        %add3A_828 = arith.addf %scan3A_733, %mul3A_827 : vector<16xf32>
        %add3A_829 = arith.constant 4 : i32
        %add3A_830 = arith.addi %mul3A_735, %add3A_829 : i32
        %get3A_831 = arith.constant 1 : i32
        %get3A_832 = arith.index_cast %rem3A_704 : i32 to index
        %get3A_833 = arith.index_cast %get3A_831 : i32 to index
        %get3A_834 = arith.index_cast %add3A_830 : i32 to index
        %get3A_835 = arith.constant 0 : index
        %get3A_836 = tpu.vector_load %arg11[%get3A_832, %get3A_833, %get3A_834, %get3A_835] {strides = array<i32>} : memref<2x4x128x32xbf16, #tpu.memory_space<vmem>>, vector<32xbf16>,
        %get3A_837 = arith.constant 1 : i32
        %get3A_838 = arith.index_cast %rem3A_704 : i32 to index
        %get3A_839 = arith.index_cast %get3A_837 : i32 to index
        %get3A_840 = arith.index_cast %add3A_830 : i32 to index
        %get3A_841 = arith.constant 0 : index
        %get3A_842 = tpu.vector_load %arg12[%get3A_838, %get3A_839, %get3A_840, %get3A_841] {strides = array<i32>} : memref<2x4x128x32xbf16, #tpu.memory_space<vmem>>, vector<32xbf16>,
        %mul3A_843 = arith.mulf %get3A_836, %get3A_842 : vector<32xbf16>
        %unpack3A_844 = tpu.unpack_subelements %mul3A_843, 0 {pack_format = #tpu.pack_format<interleaved>} : vector<32xbf16> -> vector<16xf32>
        %unpack3A_845 = tpu.unpack_subelements %mul3A_843, 1 {pack_format = #tpu.pack_format<interleaved>} : vector<32xbf16> -> vector<16xf32>
        %add3A_846 = arith.addf %unpack3A_844, %unpack3A_845 : vector<16xf32>
        %slice3A_847 = vector.extract_strided_slice %get3A_739 {offsets = [4], sizes = [1], strides = [1]} : vector<16xf32> to vector<1xf32>
        %squeeze3A_848 = vector.extract %slice3A_847[0] : f32 from vector<1xf32>
        %mul3A_849 = vector.broadcast %squeeze3A_848 : f32 to vector<16xf32>
        %mul3A_850 = arith.mulf %mul3A_849, %add3A_846 : vector<16xf32>
        %add3A_851 = arith.addf %add3A_759, %mul3A_850 : vector<16xf32>
        %add3A_852 = arith.constant 5 : i32
        %add3A_853 = arith.addi %mul3A_735, %add3A_852 : i32
        %get3A_854 = arith.constant 1 : i32
        %get3A_855 = arith.index_cast %rem3A_704 : i32 to index
        %get3A_856 = arith.index_cast %get3A_854 : i32 to index
        %get3A_857 = arith.index_cast %add3A_853 : i32 to index
        %get3A_858 = arith.constant 0 : index
        %get3A_859 = tpu.vector_load %arg11[%get3A_855, %get3A_856, %get3A_857, %get3A_858] {strides = array<i32>} : memref<2x4x128x32xbf16, #tpu.memory_space<vmem>>, vector<32xbf16>,
        %get3A_860 = arith.constant 1 : i32
        %get3A_861 = arith.index_cast %rem3A_704 : i32 to index
        %get3A_862 = arith.index_cast %get3A_860 : i32 to index
        %get3A_863 = arith.index_cast %add3A_853 : i32 to index
        %get3A_864 = arith.constant 0 : index
        %get3A_865 = tpu.vector_load %arg12[%get3A_861, %get3A_862, %get3A_863, %get3A_864] {strides = array<i32>} : memref<2x4x128x32xbf16, #tpu.memory_space<vmem>>, vector<32xbf16>,
        %mul3A_866 = arith.mulf %get3A_859, %get3A_865 : vector<32xbf16>
        %unpack3A_867 = tpu.unpack_subelements %mul3A_866, 0 {pack_format = #tpu.pack_format<interleaved>} : vector<32xbf16> -> vector<16xf32>
        %unpack3A_868 = tpu.unpack_subelements %mul3A_866, 1 {pack_format = #tpu.pack_format<interleaved>} : vector<32xbf16> -> vector<16xf32>
        %add3A_869 = arith.addf %unpack3A_867, %unpack3A_868 : vector<16xf32>
        %slice3A_870 = vector.extract_strided_slice %get3A_739 {offsets = [5], sizes = [1], strides = [1]} : vector<16xf32> to vector<1xf32>
        %squeeze3A_871 = vector.extract %slice3A_870[0] : f32 from vector<1xf32>
        %mul3A_872 = vector.broadcast %squeeze3A_871 : f32 to vector<16xf32>
        %mul3A_873 = arith.mulf %mul3A_872, %add3A_869 : vector<16xf32>
        %add3A_874 = arith.addf %add3A_782, %mul3A_873 : vector<16xf32>
        %add3A_875 = arith.constant 6 : i32
        %add3A_876 = arith.addi %mul3A_735, %add3A_875 : i32
        %get3A_877 = arith.constant 1 : i32
        %get3A_878 = arith.index_cast %rem3A_704 : i32 to index
        %get3A_879 = arith.index_cast %get3A_877 : i32 to index
        %get3A_880 = arith.index_cast %add3A_876 : i32 to index
        %get3A_881 = arith.constant 0 : index
        %get3A_882 = tpu.vector_load %arg11[%get3A_878, %get3A_879, %get3A_880, %get3A_881] {strides = array<i32>} : memref<2x4x128x32xbf16, #tpu.memory_space<vmem>>, vector<32xbf16>,
        %get3A_883 = arith.constant 1 : i32
        %get3A_884 = arith.index_cast %rem3A_704 : i32 to index
        %get3A_885 = arith.index_cast %get3A_883 : i32 to index
        %get3A_886 = arith.index_cast %add3A_876 : i32 to index
        %get3A_887 = arith.constant 0 : index
        %get3A_888 = tpu.vector_load %arg12[%get3A_884, %get3A_885, %get3A_886, %get3A_887] {strides = array<i32>} : memref<2x4x128x32xbf16, #tpu.memory_space<vmem>>, vector<32xbf16>,
        %mul3A_889 = arith.mulf %get3A_882, %get3A_888 : vector<32xbf16>
        %unpack3A_890 = tpu.unpack_subelements %mul3A_889, 0 {pack_format = #tpu.pack_format<interleaved>} : vector<32xbf16> -> vector<16xf32>
        %unpack3A_891 = tpu.unpack_subelements %mul3A_889, 1 {pack_format = #tpu.pack_format<interleaved>} : vector<32xbf16> -> vector<16xf32>
        %add3A_892 = arith.addf %unpack3A_890, %unpack3A_891 : vector<16xf32>
        %slice3A_893 = vector.extract_strided_slice %get3A_739 {offsets = [6], sizes = [1], strides = [1]} : vector<16xf32> to vector<1xf32>
        %squeeze3A_894 = vector.extract %slice3A_893[0] : f32 from vector<1xf32>
        %mul3A_895 = vector.broadcast %squeeze3A_894 : f32 to vector<16xf32>
        %mul3A_896 = arith.mulf %mul3A_895, %add3A_892 : vector<16xf32>
        %add3A_897 = arith.addf %add3A_805, %mul3A_896 : vector<16xf32>
        %add3A_898 = arith.constant 7 : i32
        %add3A_899 = arith.addi %mul3A_735, %add3A_898 : i32
        %get3A_900 = arith.constant 1 : i32
        %get3A_901 = arith.index_cast %rem3A_704 : i32 to index
        %get3A_902 = arith.index_cast %get3A_900 : i32 to index
        %get3A_903 = arith.index_cast %add3A_899 : i32 to index
        %get3A_904 = arith.constant 0 : index
        %get3A_905 = tpu.vector_load %arg11[%get3A_901, %get3A_902, %get3A_903, %get3A_904] {strides = array<i32>} : memref<2x4x128x32xbf16, #tpu.memory_space<vmem>>, vector<32xbf16>,
        %get3A_906 = arith.constant 1 : i32
        %get3A_907 = arith.index_cast %rem3A_704 : i32 to index
        %get3A_908 = arith.index_cast %get3A_906 : i32 to index
        %get3A_909 = arith.index_cast %add3A_899 : i32 to index
        %get3A_910 = arith.constant 0 : index
        %get3A_911 = tpu.vector_load %arg12[%get3A_907, %get3A_908, %get3A_909, %get3A_910] {strides = array<i32>} : memref<2x4x128x32xbf16, #tpu.memory_space<vmem>>, vector<32xbf16>,
        %mul3A_912 = arith.mulf %get3A_905, %get3A_911 : vector<32xbf16>
        %unpack3A_913 = tpu.unpack_subelements %mul3A_912, 0 {pack_format = #tpu.pack_format<interleaved>} : vector<32xbf16> -> vector<16xf32>
        %unpack3A_914 = tpu.unpack_subelements %mul3A_912, 1 {pack_format = #tpu.pack_format<interleaved>} : vector<32xbf16> -> vector<16xf32>
        %add3A_915 = arith.addf %unpack3A_913, %unpack3A_914 : vector<16xf32>
        %slice3A_916 = vector.extract_strided_slice %get3A_739 {offsets = [7], sizes = [1], strides = [1]} : vector<16xf32> to vector<1xf32>
        %squeeze3A_917 = vector.extract %slice3A_916[0] : f32 from vector<1xf32>
        %mul3A_918 = vector.broadcast %squeeze3A_917 : f32 to vector<16xf32>
        %mul3A_919 = arith.mulf %mul3A_918, %add3A_915 : vector<16xf32>
        %add3A_920 = arith.addf %add3A_828, %mul3A_919 : vector<16xf32>
        %add3A_921 = arith.constant 8 : i32
        %add3A_922 = arith.addi %mul3A_735, %add3A_921 : i32
        %get3A_923 = arith.constant 1 : i32
        %get3A_924 = arith.index_cast %rem3A_704 : i32 to index
        %get3A_925 = arith.index_cast %get3A_923 : i32 to index
        %get3A_926 = arith.index_cast %add3A_922 : i32 to index
        %get3A_927 = arith.constant 0 : index
        %get3A_928 = tpu.vector_load %arg11[%get3A_924, %get3A_925, %get3A_926, %get3A_927] {strides = array<i32>} : memref<2x4x128x32xbf16, #tpu.memory_space<vmem>>, vector<32xbf16>,
        %get3A_929 = arith.constant 1 : i32
        %get3A_930 = arith.index_cast %rem3A_704 : i32 to index
        %get3A_931 = arith.index_cast %get3A_929 : i32 to index
        %get3A_932 = arith.index_cast %add3A_922 : i32 to index
        %get3A_933 = arith.constant 0 : index
        %get3A_934 = tpu.vector_load %arg12[%get3A_930, %get3A_931, %get3A_932, %get3A_933] {strides = array<i32>} : memref<2x4x128x32xbf16, #tpu.memory_space<vmem>>, vector<32xbf16>,
        %mul3A_935 = arith.mulf %get3A_928, %get3A_934 : vector<32xbf16>
        %unpack3A_936 = tpu.unpack_subelements %mul3A_935, 0 {pack_format = #tpu.pack_format<interleaved>} : vector<32xbf16> -> vector<16xf32>
        %unpack3A_937 = tpu.unpack_subelements %mul3A_935, 1 {pack_format = #tpu.pack_format<interleaved>} : vector<32xbf16> -> vector<16xf32>
        %add3A_938 = arith.addf %unpack3A_936, %unpack3A_937 : vector<16xf32>
        %slice3A_939 = vector.extract_strided_slice %get3A_739 {offsets = [8], sizes = [1], strides = [1]} : vector<16xf32> to vector<1xf32>
        %squeeze3A_940 = vector.extract %slice3A_939[0] : f32 from vector<1xf32>
        %mul3A_941 = vector.broadcast %squeeze3A_940 : f32 to vector<16xf32>
        %mul3A_942 = arith.mulf %mul3A_941, %add3A_938 : vector<16xf32>
        %add3A_943 = arith.addf %add3A_851, %mul3A_942 : vector<16xf32>
        %add3A_944 = arith.constant 9 : i32
        %add3A_945 = arith.addi %mul3A_735, %add3A_944 : i32
        %get3A_946 = arith.constant 1 : i32
        %get3A_947 = arith.index_cast %rem3A_704 : i32 to index
        %get3A_948 = arith.index_cast %get3A_946 : i32 to index
        %get3A_949 = arith.index_cast %add3A_945 : i32 to index
        %get3A_950 = arith.constant 0 : index
        %get3A_951 = tpu.vector_load %arg11[%get3A_947, %get3A_948, %get3A_949, %get3A_950] {strides = array<i32>} : memref<2x4x128x32xbf16, #tpu.memory_space<vmem>>, vector<32xbf16>,
        %get3A_952 = arith.constant 1 : i32
        %get3A_953 = arith.index_cast %rem3A_704 : i32 to index
        %get3A_954 = arith.index_cast %get3A_952 : i32 to index
        %get3A_955 = arith.index_cast %add3A_945 : i32 to index
        %get3A_956 = arith.constant 0 : index
        %get3A_957 = tpu.vector_load %arg12[%get3A_953, %get3A_954, %get3A_955, %get3A_956] {strides = array<i32>} : memref<2x4x128x32xbf16, #tpu.memory_space<vmem>>, vector<32xbf16>,
        %mul3A_958 = arith.mulf %get3A_951, %get3A_957 : vector<32xbf16>
        %unpack3A_959 = tpu.unpack_subelements %mul3A_958, 0 {pack_format = #tpu.pack_format<interleaved>} : vector<32xbf16> -> vector<16xf32>
        %unpack3A_960 = tpu.unpack_subelements %mul3A_958, 1 {pack_format = #tpu.pack_format<interleaved>} : vector<32xbf16> -> vector<16xf32>
        %add3A_961 = arith.addf %unpack3A_959, %unpack3A_960 : vector<16xf32>
        %slice3A_962 = vector.extract_strided_slice %get3A_739 {offsets = [9], sizes = [1], strides = [1]} : vector<16xf32> to vector<1xf32>
        %squeeze3A_963 = vector.extract %slice3A_962[0] : f32 from vector<1xf32>
        %mul3A_964 = vector.broadcast %squeeze3A_963 : f32 to vector<16xf32>
        %mul3A_965 = arith.mulf %mul3A_964, %add3A_961 : vector<16xf32>
        %add3A_966 = arith.addf %add3A_874, %mul3A_965 : vector<16xf32>
        %add3A_967 = arith.constant 10 : i32
        %add3A_968 = arith.addi %mul3A_735, %add3A_967 : i32
        %get3A_969 = arith.constant 1 : i32
        %get3A_970 = arith.index_cast %rem3A_704 : i32 to index
        %get3A_971 = arith.index_cast %get3A_969 : i32 to index
        %get3A_972 = arith.index_cast %add3A_968 : i32 to index
        %get3A_973 = arith.constant 0 : index
        %get3A_974 = tpu.vector_load %arg11[%get3A_970, %get3A_971, %get3A_972, %get3A_973] {strides = array<i32>} : memref<2x4x128x32xbf16, #tpu.memory_space<vmem>>, vector<32xbf16>,
        %get3A_975 = arith.constant 1 : i32
        %get3A_976 = arith.index_cast %rem3A_704 : i32 to index
        %get3A_977 = arith.index_cast %get3A_975 : i32 to index
        %get3A_978 = arith.index_cast %add3A_968 : i32 to index
        %get3A_979 = arith.constant 0 : index
        %get3A_980 = tpu.vector_load %arg12[%get3A_976, %get3A_977, %get3A_978, %get3A_979] {strides = array<i32>} : memref<2x4x128x32xbf16, #tpu.memory_space<vmem>>, vector<32xbf16>,
        %mul3A_981 = arith.mulf %get3A_974, %get3A_980 : vector<32xbf16>
        %unpack3A_982 = tpu.unpack_subelements %mul3A_981, 0 {pack_format = #tpu.pack_format<interleaved>} : vector<32xbf16> -> vector<16xf32>
        %unpack3A_983 = tpu.unpack_subelements %mul3A_981, 1 {pack_format = #tpu.pack_format<interleaved>} : vector<32xbf16> -> vector<16xf32>
        %add3A_984 = arith.addf %unpack3A_982, %unpack3A_983 : vector<16xf32>
        %slice3A_985 = vector.extract_strided_slice %get3A_739 {offsets = [10], sizes = [1], strides = [1]} : vector<16xf32> to vector<1xf32>
        %squeeze3A_986 = vector.extract %slice3A_985[0] : f32 from vector<1xf32>
        %mul3A_987 = vector.broadcast %squeeze3A_986 : f32 to vector<16xf32>
        %mul3A_988 = arith.mulf %mul3A_987, %add3A_984 : vector<16xf32>
        %add3A_989 = arith.addf %add3A_897, %mul3A_988 : vector<16xf32>
        %add3A_990 = arith.constant 11 : i32
        %add3A_991 = arith.addi %mul3A_735, %add3A_990 : i32
        %get3A_992 = arith.constant 1 : i32
        %get3A_993 = arith.index_cast %rem3A_704 : i32 to index
        %get3A_994 = arith.index_cast %get3A_992 : i32 to index
        %get3A_995 = arith.index_cast %add3A_991 : i32 to index
        %get3A_996 = arith.constant 0 : index
        %get3A_997 = tpu.vector_load %arg11[%get3A_993, %get3A_994, %get3A_995, %get3A_996] {strides = array<i32>} : memref<2x4x128x32xbf16, #tpu.memory_space<vmem>>, vector<32xbf16>,
        %get3A_998 = arith.constant 1 : i32
        %get3A_999 = arith.index_cast %rem3A_704 : i32 to index
        %get3A_1000 = arith.index_cast %get3A_998 : i32 to index
        %get3A_1001 = arith.index_cast %add3A_991 : i32 to index
        %get3A_1002 = arith.constant 0 : index
        %get3A_1003 = tpu.vector_load %arg12[%get3A_999, %get3A_1000, %get3A_1001, %get3A_1002] {strides = array<i32>} : memref<2x4x128x32xbf16, #tpu.memory_space<vmem>>, vector<32xbf16>,
        %mul3A_1004 = arith.mulf %get3A_997, %get3A_1003 : vector<32xbf16>
        %unpack3A_1005 = tpu.unpack_subelements %mul3A_1004, 0 {pack_format = #tpu.pack_format<interleaved>} : vector<32xbf16> -> vector<16xf32>
        %unpack3A_1006 = tpu.unpack_subelements %mul3A_1004, 1 {pack_format = #tpu.pack_format<interleaved>} : vector<32xbf16> -> vector<16xf32>
        %add3A_1007 = arith.addf %unpack3A_1005, %unpack3A_1006 : vector<16xf32>
        %slice3A_1008 = vector.extract_strided_slice %get3A_739 {offsets = [11], sizes = [1], strides = [1]} : vector<16xf32> to vector<1xf32>
        %squeeze3A_1009 = vector.extract %slice3A_1008[0] : f32 from vector<1xf32>
        %mul3A_1010 = vector.broadcast %squeeze3A_1009 : f32 to vector<16xf32>
        %mul3A_1011 = arith.mulf %mul3A_1010, %add3A_1007 : vector<16xf32>
        %add3A_1012 = arith.addf %add3A_920, %mul3A_1011 : vector<16xf32>
        %add3A_1013 = arith.constant 12 : i32
        %add3A_1014 = arith.addi %mul3A_735, %add3A_1013 : i32
        %get3A_1015 = arith.constant 1 : i32
        %get3A_1016 = arith.index_cast %rem3A_704 : i32 to index
        %get3A_1017 = arith.index_cast %get3A_1015 : i32 to index
        %get3A_1018 = arith.index_cast %add3A_1014 : i32 to index
        %get3A_1019 = arith.constant 0 : index
        %get3A_1020 = tpu.vector_load %arg11[%get3A_1016, %get3A_1017, %get3A_1018, %get3A_1019] {strides = array<i32>} : memref<2x4x128x32xbf16, #tpu.memory_space<vmem>>, vector<32xbf16>,
        %get3A_1021 = arith.constant 1 : i32
        %get3A_1022 = arith.index_cast %rem3A_704 : i32 to index
        %get3A_1023 = arith.index_cast %get3A_1021 : i32 to index
        %get3A_1024 = arith.index_cast %add3A_1014 : i32 to index
        %get3A_1025 = arith.constant 0 : index
        %get3A_1026 = tpu.vector_load %arg12[%get3A_1022, %get3A_1023, %get3A_1024, %get3A_1025] {strides = array<i32>} : memref<2x4x128x32xbf16, #tpu.memory_space<vmem>>, vector<32xbf16>,
        %mul3A_1027 = arith.mulf %get3A_1020, %get3A_1026 : vector<32xbf16>
        %unpack3A_1028 = tpu.unpack_subelements %mul3A_1027, 0 {pack_format = #tpu.pack_format<interleaved>} : vector<32xbf16> -> vector<16xf32>
        %unpack3A_1029 = tpu.unpack_subelements %mul3A_1027, 1 {pack_format = #tpu.pack_format<interleaved>} : vector<32xbf16> -> vector<16xf32>
        %add3A_1030 = arith.addf %unpack3A_1028, %unpack3A_1029 : vector<16xf32>
        %slice3A_1031 = vector.extract_strided_slice %get3A_739 {offsets = [12], sizes = [1], strides = [1]} : vector<16xf32> to vector<1xf32>
        %squeeze3A_1032 = vector.extract %slice3A_1031[0] : f32 from vector<1xf32>
        %mul3A_1033 = vector.broadcast %squeeze3A_1032 : f32 to vector<16xf32>
        %mul3A_1034 = arith.mulf %mul3A_1033, %add3A_1030 : vector<16xf32>
        %add3A_1035 = arith.addf %add3A_943, %mul3A_1034 : vector<16xf32>
        %add3A_1036 = arith.constant 13 : i32
        %add3A_1037 = arith.addi %mul3A_735, %add3A_1036 : i32
        %get3A_1038 = arith.constant 1 : i32
        %get3A_1039 = arith.index_cast %rem3A_704 : i32 to index
        %get3A_1040 = arith.index_cast %get3A_1038 : i32 to index
        %get3A_1041 = arith.index_cast %add3A_1037 : i32 to index
        %get3A_1042 = arith.constant 0 : index
        %get3A_1043 = tpu.vector_load %arg11[%get3A_1039, %get3A_1040, %get3A_1041, %get3A_1042] {strides = array<i32>} : memref<2x4x128x32xbf16, #tpu.memory_space<vmem>>, vector<32xbf16>,
        %get3A_1044 = arith.constant 1 : i32
        %get3A_1045 = arith.index_cast %rem3A_704 : i32 to index
        %get3A_1046 = arith.index_cast %get3A_1044 : i32 to index
        %get3A_1047 = arith.index_cast %add3A_1037 : i32 to index
        %get3A_1048 = arith.constant 0 : index
        %get3A_1049 = tpu.vector_load %arg12[%get3A_1045, %get3A_1046, %get3A_1047, %get3A_1048] {strides = array<i32>} : memref<2x4x128x32xbf16, #tpu.memory_space<vmem>>, vector<32xbf16>,
        %mul3A_1050 = arith.mulf %get3A_1043, %get3A_1049 : vector<32xbf16>
        %unpack3A_1051 = tpu.unpack_subelements %mul3A_1050, 0 {pack_format = #tpu.pack_format<interleaved>} : vector<32xbf16> -> vector<16xf32>
        %unpack3A_1052 = tpu.unpack_subelements %mul3A_1050, 1 {pack_format = #tpu.pack_format<interleaved>} : vector<32xbf16> -> vector<16xf32>
        %add3A_1053 = arith.addf %unpack3A_1051, %unpack3A_1052 : vector<16xf32>
        %slice3A_1054 = vector.extract_strided_slice %get3A_739 {offsets = [13], sizes = [1], strides = [1]} : vector<16xf32> to vector<1xf32>
        %squeeze3A_1055 = vector.extract %slice3A_1054[0] : f32 from vector<1xf32>
        %mul3A_1056 = vector.broadcast %squeeze3A_1055 : f32 to vector<16xf32>
        %mul3A_1057 = arith.mulf %mul3A_1056, %add3A_1053 : vector<16xf32>
        %add3A_1058 = arith.addf %add3A_966, %mul3A_1057 : vector<16xf32>
        %add3A_1059 = arith.constant 14 : i32
        %add3A_1060 = arith.addi %mul3A_735, %add3A_1059 : i32
        %get3A_1061 = arith.constant 1 : i32
        %get3A_1062 = arith.index_cast %rem3A_704 : i32 to index
        %get3A_1063 = arith.index_cast %get3A_1061 : i32 to index
        %get3A_1064 = arith.index_cast %add3A_1060 : i32 to index
        %get3A_1065 = arith.constant 0 : index
        %get3A_1066 = tpu.vector_load %arg11[%get3A_1062, %get3A_1063, %get3A_1064, %get3A_1065] {strides = array<i32>} : memref<2x4x128x32xbf16, #tpu.memory_space<vmem>>, vector<32xbf16>,
        %get3A_1067 = arith.constant 1 : i32
        %get3A_1068 = arith.index_cast %rem3A_704 : i32 to index
        %get3A_1069 = arith.index_cast %get3A_1067 : i32 to index
        %get3A_1070 = arith.index_cast %add3A_1060 : i32 to index
        %get3A_1071 = arith.constant 0 : index
        %get3A_1072 = tpu.vector_load %arg12[%get3A_1068, %get3A_1069, %get3A_1070, %get3A_1071] {strides = array<i32>} : memref<2x4x128x32xbf16, #tpu.memory_space<vmem>>, vector<32xbf16>,
        %mul3A_1073 = arith.mulf %get3A_1066, %get3A_1072 : vector<32xbf16>
        %unpack3A_1074 = tpu.unpack_subelements %mul3A_1073, 0 {pack_format = #tpu.pack_format<interleaved>} : vector<32xbf16> -> vector<16xf32>
        %unpack3A_1075 = tpu.unpack_subelements %mul3A_1073, 1 {pack_format = #tpu.pack_format<interleaved>} : vector<32xbf16> -> vector<16xf32>
        %add3A_1076 = arith.addf %unpack3A_1074, %unpack3A_1075 : vector<16xf32>
        %slice3A_1077 = vector.extract_strided_slice %get3A_739 {offsets = [14], sizes = [1], strides = [1]} : vector<16xf32> to vector<1xf32>
        %squeeze3A_1078 = vector.extract %slice3A_1077[0] : f32 from vector<1xf32>
        %mul3A_1079 = vector.broadcast %squeeze3A_1078 : f32 to vector<16xf32>
        %mul3A_1080 = arith.mulf %mul3A_1079, %add3A_1076 : vector<16xf32>
        %add3A_1081 = arith.addf %add3A_989, %mul3A_1080 : vector<16xf32>
        %add3A_1082 = arith.constant 15 : i32
        %add3A_1083 = arith.addi %mul3A_735, %add3A_1082 : i32
        %get3A_1084 = arith.constant 1 : i32
        %get3A_1085 = arith.index_cast %rem3A_704 : i32 to index
        %get3A_1086 = arith.index_cast %get3A_1084 : i32 to index
        %get3A_1087 = arith.index_cast %add3A_1083 : i32 to index
        %get3A_1088 = arith.constant 0 : index
        %get3A_1089 = tpu.vector_load %arg11[%get3A_1085, %get3A_1086, %get3A_1087, %get3A_1088] {strides = array<i32>} : memref<2x4x128x32xbf16, #tpu.memory_space<vmem>>, vector<32xbf16>,
        %get3A_1090 = arith.constant 1 : i32
        %get3A_1091 = arith.index_cast %rem3A_704 : i32 to index
        %get3A_1092 = arith.index_cast %get3A_1090 : i32 to index
        %get3A_1093 = arith.index_cast %add3A_1083 : i32 to index
        %get3A_1094 = arith.constant 0 : index
        %get3A_1095 = tpu.vector_load %arg12[%get3A_1091, %get3A_1092, %get3A_1093, %get3A_1094] {strides = array<i32>} : memref<2x4x128x32xbf16, #tpu.memory_space<vmem>>, vector<32xbf16>,
        %mul3A_1096 = arith.mulf %get3A_1089, %get3A_1095 : vector<32xbf16>
        %unpack3A_1097 = tpu.unpack_subelements %mul3A_1096, 0 {pack_format = #tpu.pack_format<interleaved>} : vector<32xbf16> -> vector<16xf32>
        %unpack3A_1098 = tpu.unpack_subelements %mul3A_1096, 1 {pack_format = #tpu.pack_format<interleaved>} : vector<32xbf16> -> vector<16xf32>
        %add3A_1099 = arith.addf %unpack3A_1097, %unpack3A_1098 : vector<16xf32>
        %slice3A_1100 = vector.extract_strided_slice %get3A_739 {offsets = [15], sizes = [1], strides = [1]} : vector<16xf32> to vector<1xf32>
        %squeeze3A_1101 = vector.extract %slice3A_1100[0] : f32 from vector<1xf32>
        %mul3A_1102 = vector.broadcast %squeeze3A_1101 : f32 to vector<16xf32>
        %mul3A_1103 = arith.mulf %mul3A_1102, %add3A_1099 : vector<16xf32>
        %add3A_1104 = arith.addf %add3A_1012, %mul3A_1103 : vector<16xf32>
        scf.yield %add3A_1035, %add3A_1058, %add3A_1081, %add3A_1104 : vector<16xf32>, vector<16xf32>, vector<16xf32>, vector<16xf32>
      }
      %scan3A_716 = arith.constant 8 : i32
      %scan3A_717 = arith.constant 0 : i32
      %scan3A_718 = arith.constant 8 : i32
      %scan3A_719 = arith.addi %scan3A_717, %scan3A_718 : i32
      %scan3A_720 = arith.constant 1 : i32
      %scan3A_721:4 = scf.for %scan3A_729 = %scan3A_717 to %scan3A_719 step %scan3A_720 iter_args(%scan3A_730 = %scan3A_715#0, %scan3A_731 = %scan3A_715#1, %scan3A_732 = %scan3A_715#2, %scan3A_733 = %scan3A_715#3) -> (vector<16xf32>, vector<16xf32>, vector<16xf32>, vector<16xf32>)  : i32 {
        %mul3A_734 = arith.constant 16 : i32
        %mul3A_735 = arith.muli %scan3A_729, %mul3A_734 : i32
        %get3A = arith.constant 2 : i32
        %get3A_736 = arith.index_cast %rem3A_702 : i32 to index
        %get3A_737 = arith.index_cast %get3A : i32 to index
        %get3A_738 = arith.index_cast %mul3A_735 : i32 to index
        %get3A_739 = tpu.vector_load %arg9[%get3A_736, %get3A_737, %get3A_738] {strides = array<i32>} : memref<3x4x128xf32, #tpu.memory_space<vmem>>, vector<16xf32>,
        %add3A_740 = arith.constant 0 : i32
        %add3A_741 = arith.addi %mul3A_735, %add3A_740 : i32
        %get3A_742 = arith.constant 2 : i32
        %get3A_743 = arith.index_cast %rem3A_704 : i32 to index
        %get3A_744 = arith.index_cast %get3A_742 : i32 to index
        %get3A_745 = arith.index_cast %add3A_741 : i32 to index
        %get3A_746 = arith.constant 0 : index
        %get3A_747 = tpu.vector_load %arg11[%get3A_743, %get3A_744, %get3A_745, %get3A_746] {strides = array<i32>} : memref<2x4x128x32xbf16, #tpu.memory_space<vmem>>, vector<32xbf16>,
        %get3A_748 = arith.constant 2 : i32
        %get3A_749 = arith.index_cast %rem3A_704 : i32 to index
        %get3A_750 = arith.index_cast %get3A_748 : i32 to index
        %get3A_751 = arith.index_cast %add3A_741 : i32 to index
        %get3A_752 = arith.constant 0 : index
        %get3A_753 = tpu.vector_load %arg12[%get3A_749, %get3A_750, %get3A_751, %get3A_752] {strides = array<i32>} : memref<2x4x128x32xbf16, #tpu.memory_space<vmem>>, vector<32xbf16>,
        %mul3A_754 = arith.mulf %get3A_747, %get3A_753 : vector<32xbf16>
        %unpack3A = tpu.unpack_subelements %mul3A_754, 0 {pack_format = #tpu.pack_format<interleaved>} : vector<32xbf16> -> vector<16xf32>
        %unpack3A_755 = tpu.unpack_subelements %mul3A_754, 1 {pack_format = #tpu.pack_format<interleaved>} : vector<32xbf16> -> vector<16xf32>
        %add3A_756 = arith.addf %unpack3A, %unpack3A_755 : vector<16xf32>
        %slice3A = vector.extract_strided_slice %get3A_739 {offsets = [0], sizes = [1], strides = [1]} : vector<16xf32> to vector<1xf32>
        %squeeze3A = vector.extract %slice3A[0] : f32 from vector<1xf32>
        %mul3A_757 = vector.broadcast %squeeze3A : f32 to vector<16xf32>
        %mul3A_758 = arith.mulf %mul3A_757, %add3A_756 : vector<16xf32>
        %add3A_759 = arith.addf %scan3A_730, %mul3A_758 : vector<16xf32>
        %add3A_760 = arith.constant 1 : i32
        %add3A_761 = arith.addi %mul3A_735, %add3A_760 : i32
        %get3A_762 = arith.constant 2 : i32
        %get3A_763 = arith.index_cast %rem3A_704 : i32 to index
        %get3A_764 = arith.index_cast %get3A_762 : i32 to index
        %get3A_765 = arith.index_cast %add3A_761 : i32 to index
        %get3A_766 = arith.constant 0 : index
        %get3A_767 = tpu.vector_load %arg11[%get3A_763, %get3A_764, %get3A_765, %get3A_766] {strides = array<i32>} : memref<2x4x128x32xbf16, #tpu.memory_space<vmem>>, vector<32xbf16>,
        %get3A_768 = arith.constant 2 : i32
        %get3A_769 = arith.index_cast %rem3A_704 : i32 to index
        %get3A_770 = arith.index_cast %get3A_768 : i32 to index
        %get3A_771 = arith.index_cast %add3A_761 : i32 to index
        %get3A_772 = arith.constant 0 : index
        %get3A_773 = tpu.vector_load %arg12[%get3A_769, %get3A_770, %get3A_771, %get3A_772] {strides = array<i32>} : memref<2x4x128x32xbf16, #tpu.memory_space<vmem>>, vector<32xbf16>,
        %mul3A_774 = arith.mulf %get3A_767, %get3A_773 : vector<32xbf16>
        %unpack3A_775 = tpu.unpack_subelements %mul3A_774, 0 {pack_format = #tpu.pack_format<interleaved>} : vector<32xbf16> -> vector<16xf32>
        %unpack3A_776 = tpu.unpack_subelements %mul3A_774, 1 {pack_format = #tpu.pack_format<interleaved>} : vector<32xbf16> -> vector<16xf32>
        %add3A_777 = arith.addf %unpack3A_775, %unpack3A_776 : vector<16xf32>
        %slice3A_778 = vector.extract_strided_slice %get3A_739 {offsets = [1], sizes = [1], strides = [1]} : vector<16xf32> to vector<1xf32>
        %squeeze3A_779 = vector.extract %slice3A_778[0] : f32 from vector<1xf32>
        %mul3A_780 = vector.broadcast %squeeze3A_779 : f32 to vector<16xf32>
        %mul3A_781 = arith.mulf %mul3A_780, %add3A_777 : vector<16xf32>
        %add3A_782 = arith.addf %scan3A_731, %mul3A_781 : vector<16xf32>
        %add3A_783 = arith.constant 2 : i32
        %add3A_784 = arith.addi %mul3A_735, %add3A_783 : i32
        %get3A_785 = arith.constant 2 : i32
        %get3A_786 = arith.index_cast %rem3A_704 : i32 to index
        %get3A_787 = arith.index_cast %get3A_785 : i32 to index
        %get3A_788 = arith.index_cast %add3A_784 : i32 to index
        %get3A_789 = arith.constant 0 : index
        %get3A_790 = tpu.vector_load %arg11[%get3A_786, %get3A_787, %get3A_788, %get3A_789] {strides = array<i32>} : memref<2x4x128x32xbf16, #tpu.memory_space<vmem>>, vector<32xbf16>,
        %get3A_791 = arith.constant 2 : i32
        %get3A_792 = arith.index_cast %rem3A_704 : i32 to index
        %get3A_793 = arith.index_cast %get3A_791 : i32 to index
        %get3A_794 = arith.index_cast %add3A_784 : i32 to index
        %get3A_795 = arith.constant 0 : index
        %get3A_796 = tpu.vector_load %arg12[%get3A_792, %get3A_793, %get3A_794, %get3A_795] {strides = array<i32>} : memref<2x4x128x32xbf16, #tpu.memory_space<vmem>>, vector<32xbf16>,
        %mul3A_797 = arith.mulf %get3A_790, %get3A_796 : vector<32xbf16>
        %unpack3A_798 = tpu.unpack_subelements %mul3A_797, 0 {pack_format = #tpu.pack_format<interleaved>} : vector<32xbf16> -> vector<16xf32>
        %unpack3A_799 = tpu.unpack_subelements %mul3A_797, 1 {pack_format = #tpu.pack_format<interleaved>} : vector<32xbf16> -> vector<16xf32>
        %add3A_800 = arith.addf %unpack3A_798, %unpack3A_799 : vector<16xf32>
        %slice3A_801 = vector.extract_strided_slice %get3A_739 {offsets = [2], sizes = [1], strides = [1]} : vector<16xf32> to vector<1xf32>
        %squeeze3A_802 = vector.extract %slice3A_801[0] : f32 from vector<1xf32>
        %mul3A_803 = vector.broadcast %squeeze3A_802 : f32 to vector<16xf32>
        %mul3A_804 = arith.mulf %mul3A_803, %add3A_800 : vector<16xf32>
        %add3A_805 = arith.addf %scan3A_732, %mul3A_804 : vector<16xf32>
        %add3A_806 = arith.constant 3 : i32
        %add3A_807 = arith.addi %mul3A_735, %add3A_806 : i32
        %get3A_808 = arith.constant 2 : i32
        %get3A_809 = arith.index_cast %rem3A_704 : i32 to index
        %get3A_810 = arith.index_cast %get3A_808 : i32 to index
        %get3A_811 = arith.index_cast %add3A_807 : i32 to index
        %get3A_812 = arith.constant 0 : index
        %get3A_813 = tpu.vector_load %arg11[%get3A_809, %get3A_810, %get3A_811, %get3A_812] {strides = array<i32>} : memref<2x4x128x32xbf16, #tpu.memory_space<vmem>>, vector<32xbf16>,
        %get3A_814 = arith.constant 2 : i32
        %get3A_815 = arith.index_cast %rem3A_704 : i32 to index
        %get3A_816 = arith.index_cast %get3A_814 : i32 to index
        %get3A_817 = arith.index_cast %add3A_807 : i32 to index
        %get3A_818 = arith.constant 0 : index
        %get3A_819 = tpu.vector_load %arg12[%get3A_815, %get3A_816, %get3A_817, %get3A_818] {strides = array<i32>} : memref<2x4x128x32xbf16, #tpu.memory_space<vmem>>, vector<32xbf16>,
        %mul3A_820 = arith.mulf %get3A_813, %get3A_819 : vector<32xbf16>
        %unpack3A_821 = tpu.unpack_subelements %mul3A_820, 0 {pack_format = #tpu.pack_format<interleaved>} : vector<32xbf16> -> vector<16xf32>
        %unpack3A_822 = tpu.unpack_subelements %mul3A_820, 1 {pack_format = #tpu.pack_format<interleaved>} : vector<32xbf16> -> vector<16xf32>
        %add3A_823 = arith.addf %unpack3A_821, %unpack3A_822 : vector<16xf32>
        %slice3A_824 = vector.extract_strided_slice %get3A_739 {offsets = [3], sizes = [1], strides = [1]} : vector<16xf32> to vector<1xf32>
        %squeeze3A_825 = vector.extract %slice3A_824[0] : f32 from vector<1xf32>
        %mul3A_826 = vector.broadcast %squeeze3A_825 : f32 to vector<16xf32>
        %mul3A_827 = arith.mulf %mul3A_826, %add3A_823 : vector<16xf32>
        %add3A_828 = arith.addf %scan3A_733, %mul3A_827 : vector<16xf32>
        %add3A_829 = arith.constant 4 : i32
        %add3A_830 = arith.addi %mul3A_735, %add3A_829 : i32
        %get3A_831 = arith.constant 2 : i32
        %get3A_832 = arith.index_cast %rem3A_704 : i32 to index
        %get3A_833 = arith.index_cast %get3A_831 : i32 to index
        %get3A_834 = arith.index_cast %add3A_830 : i32 to index
        %get3A_835 = arith.constant 0 : index
        %get3A_836 = tpu.vector_load %arg11[%get3A_832, %get3A_833, %get3A_834, %get3A_835] {strides = array<i32>} : memref<2x4x128x32xbf16, #tpu.memory_space<vmem>>, vector<32xbf16>,
        %get3A_837 = arith.constant 2 : i32
        %get3A_838 = arith.index_cast %rem3A_704 : i32 to index
        %get3A_839 = arith.index_cast %get3A_837 : i32 to index
        %get3A_840 = arith.index_cast %add3A_830 : i32 to index
        %get3A_841 = arith.constant 0 : index
        %get3A_842 = tpu.vector_load %arg12[%get3A_838, %get3A_839, %get3A_840, %get3A_841] {strides = array<i32>} : memref<2x4x128x32xbf16, #tpu.memory_space<vmem>>, vector<32xbf16>,
        %mul3A_843 = arith.mulf %get3A_836, %get3A_842 : vector<32xbf16>
        %unpack3A_844 = tpu.unpack_subelements %mul3A_843, 0 {pack_format = #tpu.pack_format<interleaved>} : vector<32xbf16> -> vector<16xf32>
        %unpack3A_845 = tpu.unpack_subelements %mul3A_843, 1 {pack_format = #tpu.pack_format<interleaved>} : vector<32xbf16> -> vector<16xf32>
        %add3A_846 = arith.addf %unpack3A_844, %unpack3A_845 : vector<16xf32>
        %slice3A_847 = vector.extract_strided_slice %get3A_739 {offsets = [4], sizes = [1], strides = [1]} : vector<16xf32> to vector<1xf32>
        %squeeze3A_848 = vector.extract %slice3A_847[0] : f32 from vector<1xf32>
        %mul3A_849 = vector.broadcast %squeeze3A_848 : f32 to vector<16xf32>
        %mul3A_850 = arith.mulf %mul3A_849, %add3A_846 : vector<16xf32>
        %add3A_851 = arith.addf %add3A_759, %mul3A_850 : vector<16xf32>
        %add3A_852 = arith.constant 5 : i32
        %add3A_853 = arith.addi %mul3A_735, %add3A_852 : i32
        %get3A_854 = arith.constant 2 : i32
        %get3A_855 = arith.index_cast %rem3A_704 : i32 to index
        %get3A_856 = arith.index_cast %get3A_854 : i32 to index
        %get3A_857 = arith.index_cast %add3A_853 : i32 to index
        %get3A_858 = arith.constant 0 : index
        %get3A_859 = tpu.vector_load %arg11[%get3A_855, %get3A_856, %get3A_857, %get3A_858] {strides = array<i32>} : memref<2x4x128x32xbf16, #tpu.memory_space<vmem>>, vector<32xbf16>,
        %get3A_860 = arith.constant 2 : i32
        %get3A_861 = arith.index_cast %rem3A_704 : i32 to index
        %get3A_862 = arith.index_cast %get3A_860 : i32 to index
        %get3A_863 = arith.index_cast %add3A_853 : i32 to index
        %get3A_864 = arith.constant 0 : index
        %get3A_865 = tpu.vector_load %arg12[%get3A_861, %get3A_862, %get3A_863, %get3A_864] {strides = array<i32>} : memref<2x4x128x32xbf16, #tpu.memory_space<vmem>>, vector<32xbf16>,
        %mul3A_866 = arith.mulf %get3A_859, %get3A_865 : vector<32xbf16>
        %unpack3A_867 = tpu.unpack_subelements %mul3A_866, 0 {pack_format = #tpu.pack_format<interleaved>} : vector<32xbf16> -> vector<16xf32>
        %unpack3A_868 = tpu.unpack_subelements %mul3A_866, 1 {pack_format = #tpu.pack_format<interleaved>} : vector<32xbf16> -> vector<16xf32>
        %add3A_869 = arith.addf %unpack3A_867, %unpack3A_868 : vector<16xf32>
        %slice3A_870 = vector.extract_strided_slice %get3A_739 {offsets = [5], sizes = [1], strides = [1]} : vector<16xf32> to vector<1xf32>
        %squeeze3A_871 = vector.extract %slice3A_870[0] : f32 from vector<1xf32>
        %mul3A_872 = vector.broadcast %squeeze3A_871 : f32 to vector<16xf32>
        %mul3A_873 = arith.mulf %mul3A_872, %add3A_869 : vector<16xf32>
        %add3A_874 = arith.addf %add3A_782, %mul3A_873 : vector<16xf32>
        %add3A_875 = arith.constant 6 : i32
        %add3A_876 = arith.addi %mul3A_735, %add3A_875 : i32
        %get3A_877 = arith.constant 2 : i32
        %get3A_878 = arith.index_cast %rem3A_704 : i32 to index
        %get3A_879 = arith.index_cast %get3A_877 : i32 to index
        %get3A_880 = arith.index_cast %add3A_876 : i32 to index
        %get3A_881 = arith.constant 0 : index
        %get3A_882 = tpu.vector_load %arg11[%get3A_878, %get3A_879, %get3A_880, %get3A_881] {strides = array<i32>} : memref<2x4x128x32xbf16, #tpu.memory_space<vmem>>, vector<32xbf16>,
        %get3A_883 = arith.constant 2 : i32
        %get3A_884 = arith.index_cast %rem3A_704 : i32 to index
        %get3A_885 = arith.index_cast %get3A_883 : i32 to index
        %get3A_886 = arith.index_cast %add3A_876 : i32 to index
        %get3A_887 = arith.constant 0 : index
        %get3A_888 = tpu.vector_load %arg12[%get3A_884, %get3A_885, %get3A_886, %get3A_887] {strides = array<i32>} : memref<2x4x128x32xbf16, #tpu.memory_space<vmem>>, vector<32xbf16>,
        %mul3A_889 = arith.mulf %get3A_882, %get3A_888 : vector<32xbf16>
        %unpack3A_890 = tpu.unpack_subelements %mul3A_889, 0 {pack_format = #tpu.pack_format<interleaved>} : vector<32xbf16> -> vector<16xf32>
        %unpack3A_891 = tpu.unpack_subelements %mul3A_889, 1 {pack_format = #tpu.pack_format<interleaved>} : vector<32xbf16> -> vector<16xf32>
        %add3A_892 = arith.addf %unpack3A_890, %unpack3A_891 : vector<16xf32>
        %slice3A_893 = vector.extract_strided_slice %get3A_739 {offsets = [6], sizes = [1], strides = [1]} : vector<16xf32> to vector<1xf32>
        %squeeze3A_894 = vector.extract %slice3A_893[0] : f32 from vector<1xf32>
        %mul3A_895 = vector.broadcast %squeeze3A_894 : f32 to vector<16xf32>
        %mul3A_896 = arith.mulf %mul3A_895, %add3A_892 : vector<16xf32>
        %add3A_897 = arith.addf %add3A_805, %mul3A_896 : vector<16xf32>
        %add3A_898 = arith.constant 7 : i32
        %add3A_899 = arith.addi %mul3A_735, %add3A_898 : i32
        %get3A_900 = arith.constant 2 : i32
        %get3A_901 = arith.index_cast %rem3A_704 : i32 to index
        %get3A_902 = arith.index_cast %get3A_900 : i32 to index
        %get3A_903 = arith.index_cast %add3A_899 : i32 to index
        %get3A_904 = arith.constant 0 : index
        %get3A_905 = tpu.vector_load %arg11[%get3A_901, %get3A_902, %get3A_903, %get3A_904] {strides = array<i32>} : memref<2x4x128x32xbf16, #tpu.memory_space<vmem>>, vector<32xbf16>,
        %get3A_906 = arith.constant 2 : i32
        %get3A_907 = arith.index_cast %rem3A_704 : i32 to index
        %get3A_908 = arith.index_cast %get3A_906 : i32 to index
        %get3A_909 = arith.index_cast %add3A_899 : i32 to index
        %get3A_910 = arith.constant 0 : index
        %get3A_911 = tpu.vector_load %arg12[%get3A_907, %get3A_908, %get3A_909, %get3A_910] {strides = array<i32>} : memref<2x4x128x32xbf16, #tpu.memory_space<vmem>>, vector<32xbf16>,
        %mul3A_912 = arith.mulf %get3A_905, %get3A_911 : vector<32xbf16>
        %unpack3A_913 = tpu.unpack_subelements %mul3A_912, 0 {pack_format = #tpu.pack_format<interleaved>} : vector<32xbf16> -> vector<16xf32>
        %unpack3A_914 = tpu.unpack_subelements %mul3A_912, 1 {pack_format = #tpu.pack_format<interleaved>} : vector<32xbf16> -> vector<16xf32>
        %add3A_915 = arith.addf %unpack3A_913, %unpack3A_914 : vector<16xf32>
        %slice3A_916 = vector.extract_strided_slice %get3A_739 {offsets = [7], sizes = [1], strides = [1]} : vector<16xf32> to vector<1xf32>
        %squeeze3A_917 = vector.extract %slice3A_916[0] : f32 from vector<1xf32>
        %mul3A_918 = vector.broadcast %squeeze3A_917 : f32 to vector<16xf32>
        %mul3A_919 = arith.mulf %mul3A_918, %add3A_915 : vector<16xf32>
        %add3A_920 = arith.addf %add3A_828, %mul3A_919 : vector<16xf32>
        %add3A_921 = arith.constant 8 : i32
        %add3A_922 = arith.addi %mul3A_735, %add3A_921 : i32
        %get3A_923 = arith.constant 2 : i32
        %get3A_924 = arith.index_cast %rem3A_704 : i32 to index
        %get3A_925 = arith.index_cast %get3A_923 : i32 to index
        %get3A_926 = arith.index_cast %add3A_922 : i32 to index
        %get3A_927 = arith.constant 0 : index
        %get3A_928 = tpu.vector_load %arg11[%get3A_924, %get3A_925, %get3A_926, %get3A_927] {strides = array<i32>} : memref<2x4x128x32xbf16, #tpu.memory_space<vmem>>, vector<32xbf16>,
        %get3A_929 = arith.constant 2 : i32
        %get3A_930 = arith.index_cast %rem3A_704 : i32 to index
        %get3A_931 = arith.index_cast %get3A_929 : i32 to index
        %get3A_932 = arith.index_cast %add3A_922 : i32 to index
        %get3A_933 = arith.constant 0 : index
        %get3A_934 = tpu.vector_load %arg12[%get3A_930, %get3A_931, %get3A_932, %get3A_933] {strides = array<i32>} : memref<2x4x128x32xbf16, #tpu.memory_space<vmem>>, vector<32xbf16>,
        %mul3A_935 = arith.mulf %get3A_928, %get3A_934 : vector<32xbf16>
        %unpack3A_936 = tpu.unpack_subelements %mul3A_935, 0 {pack_format = #tpu.pack_format<interleaved>} : vector<32xbf16> -> vector<16xf32>
        %unpack3A_937 = tpu.unpack_subelements %mul3A_935, 1 {pack_format = #tpu.pack_format<interleaved>} : vector<32xbf16> -> vector<16xf32>
        %add3A_938 = arith.addf %unpack3A_936, %unpack3A_937 : vector<16xf32>
        %slice3A_939 = vector.extract_strided_slice %get3A_739 {offsets = [8], sizes = [1], strides = [1]} : vector<16xf32> to vector<1xf32>
        %squeeze3A_940 = vector.extract %slice3A_939[0] : f32 from vector<1xf32>
        %mul3A_941 = vector.broadcast %squeeze3A_940 : f32 to vector<16xf32>
        %mul3A_942 = arith.mulf %mul3A_941, %add3A_938 : vector<16xf32>
        %add3A_943 = arith.addf %add3A_851, %mul3A_942 : vector<16xf32>
        %add3A_944 = arith.constant 9 : i32
        %add3A_945 = arith.addi %mul3A_735, %add3A_944 : i32
        %get3A_946 = arith.constant 2 : i32
        %get3A_947 = arith.index_cast %rem3A_704 : i32 to index
        %get3A_948 = arith.index_cast %get3A_946 : i32 to index
        %get3A_949 = arith.index_cast %add3A_945 : i32 to index
        %get3A_950 = arith.constant 0 : index
        %get3A_951 = tpu.vector_load %arg11[%get3A_947, %get3A_948, %get3A_949, %get3A_950] {strides = array<i32>} : memref<2x4x128x32xbf16, #tpu.memory_space<vmem>>, vector<32xbf16>,
        %get3A_952 = arith.constant 2 : i32
        %get3A_953 = arith.index_cast %rem3A_704 : i32 to index
        %get3A_954 = arith.index_cast %get3A_952 : i32 to index
        %get3A_955 = arith.index_cast %add3A_945 : i32 to index
        %get3A_956 = arith.constant 0 : index
        %get3A_957 = tpu.vector_load %arg12[%get3A_953, %get3A_954, %get3A_955, %get3A_956] {strides = array<i32>} : memref<2x4x128x32xbf16, #tpu.memory_space<vmem>>, vector<32xbf16>,
        %mul3A_958 = arith.mulf %get3A_951, %get3A_957 : vector<32xbf16>
        %unpack3A_959 = tpu.unpack_subelements %mul3A_958, 0 {pack_format = #tpu.pack_format<interleaved>} : vector<32xbf16> -> vector<16xf32>
        %unpack3A_960 = tpu.unpack_subelements %mul3A_958, 1 {pack_format = #tpu.pack_format<interleaved>} : vector<32xbf16> -> vector<16xf32>
        %add3A_961 = arith.addf %unpack3A_959, %unpack3A_960 : vector<16xf32>
        %slice3A_962 = vector.extract_strided_slice %get3A_739 {offsets = [9], sizes = [1], strides = [1]} : vector<16xf32> to vector<1xf32>
        %squeeze3A_963 = vector.extract %slice3A_962[0] : f32 from vector<1xf32>
        %mul3A_964 = vector.broadcast %squeeze3A_963 : f32 to vector<16xf32>
        %mul3A_965 = arith.mulf %mul3A_964, %add3A_961 : vector<16xf32>
        %add3A_966 = arith.addf %add3A_874, %mul3A_965 : vector<16xf32>
        %add3A_967 = arith.constant 10 : i32
        %add3A_968 = arith.addi %mul3A_735, %add3A_967 : i32
        %get3A_969 = arith.constant 2 : i32
        %get3A_970 = arith.index_cast %rem3A_704 : i32 to index
        %get3A_971 = arith.index_cast %get3A_969 : i32 to index
        %get3A_972 = arith.index_cast %add3A_968 : i32 to index
        %get3A_973 = arith.constant 0 : index
        %get3A_974 = tpu.vector_load %arg11[%get3A_970, %get3A_971, %get3A_972, %get3A_973] {strides = array<i32>} : memref<2x4x128x32xbf16, #tpu.memory_space<vmem>>, vector<32xbf16>,
        %get3A_975 = arith.constant 2 : i32
        %get3A_976 = arith.index_cast %rem3A_704 : i32 to index
        %get3A_977 = arith.index_cast %get3A_975 : i32 to index
        %get3A_978 = arith.index_cast %add3A_968 : i32 to index
        %get3A_979 = arith.constant 0 : index
        %get3A_980 = tpu.vector_load %arg12[%get3A_976, %get3A_977, %get3A_978, %get3A_979] {strides = array<i32>} : memref<2x4x128x32xbf16, #tpu.memory_space<vmem>>, vector<32xbf16>,
        %mul3A_981 = arith.mulf %get3A_974, %get3A_980 : vector<32xbf16>
        %unpack3A_982 = tpu.unpack_subelements %mul3A_981, 0 {pack_format = #tpu.pack_format<interleaved>} : vector<32xbf16> -> vector<16xf32>
        %unpack3A_983 = tpu.unpack_subelements %mul3A_981, 1 {pack_format = #tpu.pack_format<interleaved>} : vector<32xbf16> -> vector<16xf32>
        %add3A_984 = arith.addf %unpack3A_982, %unpack3A_983 : vector<16xf32>
        %slice3A_985 = vector.extract_strided_slice %get3A_739 {offsets = [10], sizes = [1], strides = [1]} : vector<16xf32> to vector<1xf32>
        %squeeze3A_986 = vector.extract %slice3A_985[0] : f32 from vector<1xf32>
        %mul3A_987 = vector.broadcast %squeeze3A_986 : f32 to vector<16xf32>
        %mul3A_988 = arith.mulf %mul3A_987, %add3A_984 : vector<16xf32>
        %add3A_989 = arith.addf %add3A_897, %mul3A_988 : vector<16xf32>
        %add3A_990 = arith.constant 11 : i32
        %add3A_991 = arith.addi %mul3A_735, %add3A_990 : i32
        %get3A_992 = arith.constant 2 : i32
        %get3A_993 = arith.index_cast %rem3A_704 : i32 to index
        %get3A_994 = arith.index_cast %get3A_992 : i32 to index
        %get3A_995 = arith.index_cast %add3A_991 : i32 to index
        %get3A_996 = arith.constant 0 : index
        %get3A_997 = tpu.vector_load %arg11[%get3A_993, %get3A_994, %get3A_995, %get3A_996] {strides = array<i32>} : memref<2x4x128x32xbf16, #tpu.memory_space<vmem>>, vector<32xbf16>,
        %get3A_998 = arith.constant 2 : i32
        %get3A_999 = arith.index_cast %rem3A_704 : i32 to index
        %get3A_1000 = arith.index_cast %get3A_998 : i32 to index
        %get3A_1001 = arith.index_cast %add3A_991 : i32 to index
        %get3A_1002 = arith.constant 0 : index
        %get3A_1003 = tpu.vector_load %arg12[%get3A_999, %get3A_1000, %get3A_1001, %get3A_1002] {strides = array<i32>} : memref<2x4x128x32xbf16, #tpu.memory_space<vmem>>, vector<32xbf16>,
        %mul3A_1004 = arith.mulf %get3A_997, %get3A_1003 : vector<32xbf16>
        %unpack3A_1005 = tpu.unpack_subelements %mul3A_1004, 0 {pack_format = #tpu.pack_format<interleaved>} : vector<32xbf16> -> vector<16xf32>
        %unpack3A_1006 = tpu.unpack_subelements %mul3A_1004, 1 {pack_format = #tpu.pack_format<interleaved>} : vector<32xbf16> -> vector<16xf32>
        %add3A_1007 = arith.addf %unpack3A_1005, %unpack3A_1006 : vector<16xf32>
        %slice3A_1008 = vector.extract_strided_slice %get3A_739 {offsets = [11], sizes = [1], strides = [1]} : vector<16xf32> to vector<1xf32>
        %squeeze3A_1009 = vector.extract %slice3A_1008[0] : f32 from vector<1xf32>
        %mul3A_1010 = vector.broadcast %squeeze3A_1009 : f32 to vector<16xf32>
        %mul3A_1011 = arith.mulf %mul3A_1010, %add3A_1007 : vector<16xf32>
        %add3A_1012 = arith.addf %add3A_920, %mul3A_1011 : vector<16xf32>
        %add3A_1013 = arith.constant 12 : i32
        %add3A_1014 = arith.addi %mul3A_735, %add3A_1013 : i32
        %get3A_1015 = arith.constant 2 : i32
        %get3A_1016 = arith.index_cast %rem3A_704 : i32 to index
        %get3A_1017 = arith.index_cast %get3A_1015 : i32 to index
        %get3A_1018 = arith.index_cast %add3A_1014 : i32 to index
        %get3A_1019 = arith.constant 0 : index
        %get3A_1020 = tpu.vector_load %arg11[%get3A_1016, %get3A_1017, %get3A_1018, %get3A_1019] {strides = array<i32>} : memref<2x4x128x32xbf16, #tpu.memory_space<vmem>>, vector<32xbf16>,
        %get3A_1021 = arith.constant 2 : i32
        %get3A_1022 = arith.index_cast %rem3A_704 : i32 to index
        %get3A_1023 = arith.index_cast %get3A_1021 : i32 to index
        %get3A_1024 = arith.index_cast %add3A_1014 : i32 to index
        %get3A_1025 = arith.constant 0 : index
        %get3A_1026 = tpu.vector_load %arg12[%get3A_1022, %get3A_1023, %get3A_1024, %get3A_1025] {strides = array<i32>} : memref<2x4x128x32xbf16, #tpu.memory_space<vmem>>, vector<32xbf16>,
        %mul3A_1027 = arith.mulf %get3A_1020, %get3A_1026 : vector<32xbf16>
        %unpack3A_1028 = tpu.unpack_subelements %mul3A_1027, 0 {pack_format = #tpu.pack_format<interleaved>} : vector<32xbf16> -> vector<16xf32>
        %unpack3A_1029 = tpu.unpack_subelements %mul3A_1027, 1 {pack_format = #tpu.pack_format<interleaved>} : vector<32xbf16> -> vector<16xf32>
        %add3A_1030 = arith.addf %unpack3A_1028, %unpack3A_1029 : vector<16xf32>
        %slice3A_1031 = vector.extract_strided_slice %get3A_739 {offsets = [12], sizes = [1], strides = [1]} : vector<16xf32> to vector<1xf32>
        %squeeze3A_1032 = vector.extract %slice3A_1031[0] : f32 from vector<1xf32>
        %mul3A_1033 = vector.broadcast %squeeze3A_1032 : f32 to vector<16xf32>
        %mul3A_1034 = arith.mulf %mul3A_1033, %add3A_1030 : vector<16xf32>
        %add3A_1035 = arith.addf %add3A_943, %mul3A_1034 : vector<16xf32>
        %add3A_1036 = arith.constant 13 : i32
        %add3A_1037 = arith.addi %mul3A_735, %add3A_1036 : i32
        %get3A_1038 = arith.constant 2 : i32
        %get3A_1039 = arith.index_cast %rem3A_704 : i32 to index
        %get3A_1040 = arith.index_cast %get3A_1038 : i32 to index
        %get3A_1041 = arith.index_cast %add3A_1037 : i32 to index
        %get3A_1042 = arith.constant 0 : index
        %get3A_1043 = tpu.vector_load %arg11[%get3A_1039, %get3A_1040, %get3A_1041, %get3A_1042] {strides = array<i32>} : memref<2x4x128x32xbf16, #tpu.memory_space<vmem>>, vector<32xbf16>,
        %get3A_1044 = arith.constant 2 : i32
        %get3A_1045 = arith.index_cast %rem3A_704 : i32 to index
        %get3A_1046 = arith.index_cast %get3A_1044 : i32 to index
        %get3A_1047 = arith.index_cast %add3A_1037 : i32 to index
        %get3A_1048 = arith.constant 0 : index
        %get3A_1049 = tpu.vector_load %arg12[%get3A_1045, %get3A_1046, %get3A_1047, %get3A_1048] {strides = array<i32>} : memref<2x4x128x32xbf16, #tpu.memory_space<vmem>>, vector<32xbf16>,
        %mul3A_1050 = arith.mulf %get3A_1043, %get3A_1049 : vector<32xbf16>
        %unpack3A_1051 = tpu.unpack_subelements %mul3A_1050, 0 {pack_format = #tpu.pack_format<interleaved>} : vector<32xbf16> -> vector<16xf32>
        %unpack3A_1052 = tpu.unpack_subelements %mul3A_1050, 1 {pack_format = #tpu.pack_format<interleaved>} : vector<32xbf16> -> vector<16xf32>
        %add3A_1053 = arith.addf %unpack3A_1051, %unpack3A_1052 : vector<16xf32>
        %slice3A_1054 = vector.extract_strided_slice %get3A_739 {offsets = [13], sizes = [1], strides = [1]} : vector<16xf32> to vector<1xf32>
        %squeeze3A_1055 = vector.extract %slice3A_1054[0] : f32 from vector<1xf32>
        %mul3A_1056 = vector.broadcast %squeeze3A_1055 : f32 to vector<16xf32>
        %mul3A_1057 = arith.mulf %mul3A_1056, %add3A_1053 : vector<16xf32>
        %add3A_1058 = arith.addf %add3A_966, %mul3A_1057 : vector<16xf32>
        %add3A_1059 = arith.constant 14 : i32
        %add3A_1060 = arith.addi %mul3A_735, %add3A_1059 : i32
        %get3A_1061 = arith.constant 2 : i32
        %get3A_1062 = arith.index_cast %rem3A_704 : i32 to index
        %get3A_1063 = arith.index_cast %get3A_1061 : i32 to index
        %get3A_1064 = arith.index_cast %add3A_1060 : i32 to index
        %get3A_1065 = arith.constant 0 : index
        %get3A_1066 = tpu.vector_load %arg11[%get3A_1062, %get3A_1063, %get3A_1064, %get3A_1065] {strides = array<i32>} : memref<2x4x128x32xbf16, #tpu.memory_space<vmem>>, vector<32xbf16>,
        %get3A_1067 = arith.constant 2 : i32
        %get3A_1068 = arith.index_cast %rem3A_704 : i32 to index
        %get3A_1069 = arith.index_cast %get3A_1067 : i32 to index
        %get3A_1070 = arith.index_cast %add3A_1060 : i32 to index
        %get3A_1071 = arith.constant 0 : index
        %get3A_1072 = tpu.vector_load %arg12[%get3A_1068, %get3A_1069, %get3A_1070, %get3A_1071] {strides = array<i32>} : memref<2x4x128x32xbf16, #tpu.memory_space<vmem>>, vector<32xbf16>,
        %mul3A_1073 = arith.mulf %get3A_1066, %get3A_1072 : vector<32xbf16>
        %unpack3A_1074 = tpu.unpack_subelements %mul3A_1073, 0 {pack_format = #tpu.pack_format<interleaved>} : vector<32xbf16> -> vector<16xf32>
        %unpack3A_1075 = tpu.unpack_subelements %mul3A_1073, 1 {pack_format = #tpu.pack_format<interleaved>} : vector<32xbf16> -> vector<16xf32>
        %add3A_1076 = arith.addf %unpack3A_1074, %unpack3A_1075 : vector<16xf32>
        %slice3A_1077 = vector.extract_strided_slice %get3A_739 {offsets = [14], sizes = [1], strides = [1]} : vector<16xf32> to vector<1xf32>
        %squeeze3A_1078 = vector.extract %slice3A_1077[0] : f32 from vector<1xf32>
        %mul3A_1079 = vector.broadcast %squeeze3A_1078 : f32 to vector<16xf32>
        %mul3A_1080 = arith.mulf %mul3A_1079, %add3A_1076 : vector<16xf32>
        %add3A_1081 = arith.addf %add3A_989, %mul3A_1080 : vector<16xf32>
        %add3A_1082 = arith.constant 15 : i32
        %add3A_1083 = arith.addi %mul3A_735, %add3A_1082 : i32
        %get3A_1084 = arith.constant 2 : i32
        %get3A_1085 = arith.index_cast %rem3A_704 : i32 to index
        %get3A_1086 = arith.index_cast %get3A_1084 : i32 to index
        %get3A_1087 = arith.index_cast %add3A_1083 : i32 to index
        %get3A_1088 = arith.constant 0 : index
        %get3A_1089 = tpu.vector_load %arg11[%get3A_1085, %get3A_1086, %get3A_1087, %get3A_1088] {strides = array<i32>} : memref<2x4x128x32xbf16, #tpu.memory_space<vmem>>, vector<32xbf16>,
        %get3A_1090 = arith.constant 2 : i32
        %get3A_1091 = arith.index_cast %rem3A_704 : i32 to index
        %get3A_1092 = arith.index_cast %get3A_1090 : i32 to index
        %get3A_1093 = arith.index_cast %add3A_1083 : i32 to index
        %get3A_1094 = arith.constant 0 : index
        %get3A_1095 = tpu.vector_load %arg12[%get3A_1091, %get3A_1092, %get3A_1093, %get3A_1094] {strides = array<i32>} : memref<2x4x128x32xbf16, #tpu.memory_space<vmem>>, vector<32xbf16>,
        %mul3A_1096 = arith.mulf %get3A_1089, %get3A_1095 : vector<32xbf16>
        %unpack3A_1097 = tpu.unpack_subelements %mul3A_1096, 0 {pack_format = #tpu.pack_format<interleaved>} : vector<32xbf16> -> vector<16xf32>
        %unpack3A_1098 = tpu.unpack_subelements %mul3A_1096, 1 {pack_format = #tpu.pack_format<interleaved>} : vector<32xbf16> -> vector<16xf32>
        %add3A_1099 = arith.addf %unpack3A_1097, %unpack3A_1098 : vector<16xf32>
        %slice3A_1100 = vector.extract_strided_slice %get3A_739 {offsets = [15], sizes = [1], strides = [1]} : vector<16xf32> to vector<1xf32>
        %squeeze3A_1101 = vector.extract %slice3A_1100[0] : f32 from vector<1xf32>
        %mul3A_1102 = vector.broadcast %squeeze3A_1101 : f32 to vector<16xf32>
        %mul3A_1103 = arith.mulf %mul3A_1102, %add3A_1099 : vector<16xf32>
        %add3A_1104 = arith.addf %add3A_1012, %mul3A_1103 : vector<16xf32>
        scf.yield %add3A_1035, %add3A_1058, %add3A_1081, %add3A_1104 : vector<16xf32>, vector<16xf32>, vector<16xf32>, vector<16xf32>
      }
      %scan3A_722 = arith.constant 8 : i32
      %scan3A_723 = arith.constant 0 : i32
      %scan3A_724 = arith.constant 8 : i32
      %scan3A_725 = arith.addi %scan3A_723, %scan3A_724 : i32
      %scan3A_726 = arith.constant 1 : i32
      %scan3A_727:4 = scf.for %scan3A_729 = %scan3A_723 to %scan3A_725 step %scan3A_726 iter_args(%scan3A_730 = %scan3A_721#0, %scan3A_731 = %scan3A_721#1, %scan3A_732 = %scan3A_721#2, %scan3A_733 = %scan3A_721#3) -> (vector<16xf32>, vector<16xf32>, vector<16xf32>, vector<16xf32>)  : i32 {
        %mul3A_734 = arith.constant 16 : i32
        %mul3A_735 = arith.muli %scan3A_729, %mul3A_734 : i32
        %get3A = arith.constant 3 : i32
        %get3A_736 = arith.index_cast %rem3A_702 : i32 to index
        %get3A_737 = arith.index_cast %get3A : i32 to index
        %get3A_738 = arith.index_cast %mul3A_735 : i32 to index
        %get3A_739 = tpu.vector_load %arg9[%get3A_736, %get3A_737, %get3A_738] {strides = array<i32>} : memref<3x4x128xf32, #tpu.memory_space<vmem>>, vector<16xf32>,
        %add3A_740 = arith.constant 0 : i32
        %add3A_741 = arith.addi %mul3A_735, %add3A_740 : i32
        %get3A_742 = arith.constant 3 : i32
        %get3A_743 = arith.index_cast %rem3A_704 : i32 to index
        %get3A_744 = arith.index_cast %get3A_742 : i32 to index
        %get3A_745 = arith.index_cast %add3A_741 : i32 to index
        %get3A_746 = arith.constant 0 : index
        %get3A_747 = tpu.vector_load %arg11[%get3A_743, %get3A_744, %get3A_745, %get3A_746] {strides = array<i32>} : memref<2x4x128x32xbf16, #tpu.memory_space<vmem>>, vector<32xbf16>,
        %get3A_748 = arith.constant 3 : i32
        %get3A_749 = arith.index_cast %rem3A_704 : i32 to index
        %get3A_750 = arith.index_cast %get3A_748 : i32 to index
        %get3A_751 = arith.index_cast %add3A_741 : i32 to index
        %get3A_752 = arith.constant 0 : index
        %get3A_753 = tpu.vector_load %arg12[%get3A_749, %get3A_750, %get3A_751, %get3A_752] {strides = array<i32>} : memref<2x4x128x32xbf16, #tpu.memory_space<vmem>>, vector<32xbf16>,
        %mul3A_754 = arith.mulf %get3A_747, %get3A_753 : vector<32xbf16>
        %unpack3A = tpu.unpack_subelements %mul3A_754, 0 {pack_format = #tpu.pack_format<interleaved>} : vector<32xbf16> -> vector<16xf32>
        %unpack3A_755 = tpu.unpack_subelements %mul3A_754, 1 {pack_format = #tpu.pack_format<interleaved>} : vector<32xbf16> -> vector<16xf32>
        %add3A_756 = arith.addf %unpack3A, %unpack3A_755 : vector<16xf32>
        %slice3A = vector.extract_strided_slice %get3A_739 {offsets = [0], sizes = [1], strides = [1]} : vector<16xf32> to vector<1xf32>
        %squeeze3A = vector.extract %slice3A[0] : f32 from vector<1xf32>
        %mul3A_757 = vector.broadcast %squeeze3A : f32 to vector<16xf32>
        %mul3A_758 = arith.mulf %mul3A_757, %add3A_756 : vector<16xf32>
        %add3A_759 = arith.addf %scan3A_730, %mul3A_758 : vector<16xf32>
        %add3A_760 = arith.constant 1 : i32
        %add3A_761 = arith.addi %mul3A_735, %add3A_760 : i32
        %get3A_762 = arith.constant 3 : i32
        %get3A_763 = arith.index_cast %rem3A_704 : i32 to index
        %get3A_764 = arith.index_cast %get3A_762 : i32 to index
        %get3A_765 = arith.index_cast %add3A_761 : i32 to index
        %get3A_766 = arith.constant 0 : index
        %get3A_767 = tpu.vector_load %arg11[%get3A_763, %get3A_764, %get3A_765, %get3A_766] {strides = array<i32>} : memref<2x4x128x32xbf16, #tpu.memory_space<vmem>>, vector<32xbf16>,
        %get3A_768 = arith.constant 3 : i32
        %get3A_769 = arith.index_cast %rem3A_704 : i32 to index
        %get3A_770 = arith.index_cast %get3A_768 : i32 to index
        %get3A_771 = arith.index_cast %add3A_761 : i32 to index
        %get3A_772 = arith.constant 0 : index
        %get3A_773 = tpu.vector_load %arg12[%get3A_769, %get3A_770, %get3A_771, %get3A_772] {strides = array<i32>} : memref<2x4x128x32xbf16, #tpu.memory_space<vmem>>, vector<32xbf16>,
        %mul3A_774 = arith.mulf %get3A_767, %get3A_773 : vector<32xbf16>
        %unpack3A_775 = tpu.unpack_subelements %mul3A_774, 0 {pack_format = #tpu.pack_format<interleaved>} : vector<32xbf16> -> vector<16xf32>
        %unpack3A_776 = tpu.unpack_subelements %mul3A_774, 1 {pack_format = #tpu.pack_format<interleaved>} : vector<32xbf16> -> vector<16xf32>
        %add3A_777 = arith.addf %unpack3A_775, %unpack3A_776 : vector<16xf32>
        %slice3A_778 = vector.extract_strided_slice %get3A_739 {offsets = [1], sizes = [1], strides = [1]} : vector<16xf32> to vector<1xf32>
        %squeeze3A_779 = vector.extract %slice3A_778[0] : f32 from vector<1xf32>
        %mul3A_780 = vector.broadcast %squeeze3A_779 : f32 to vector<16xf32>
        %mul3A_781 = arith.mulf %mul3A_780, %add3A_777 : vector<16xf32>
        %add3A_782 = arith.addf %scan3A_731, %mul3A_781 : vector<16xf32>
        %add3A_783 = arith.constant 2 : i32
        %add3A_784 = arith.addi %mul3A_735, %add3A_783 : i32
        %get3A_785 = arith.constant 3 : i32
        %get3A_786 = arith.index_cast %rem3A_704 : i32 to index
        %get3A_787 = arith.index_cast %get3A_785 : i32 to index
        %get3A_788 = arith.index_cast %add3A_784 : i32 to index
        %get3A_789 = arith.constant 0 : index
        %get3A_790 = tpu.vector_load %arg11[%get3A_786, %get3A_787, %get3A_788, %get3A_789] {strides = array<i32>} : memref<2x4x128x32xbf16, #tpu.memory_space<vmem>>, vector<32xbf16>,
        %get3A_791 = arith.constant 3 : i32
        %get3A_792 = arith.index_cast %rem3A_704 : i32 to index
        %get3A_793 = arith.index_cast %get3A_791 : i32 to index
        %get3A_794 = arith.index_cast %add3A_784 : i32 to index
        %get3A_795 = arith.constant 0 : index
        %get3A_796 = tpu.vector_load %arg12[%get3A_792, %get3A_793, %get3A_794, %get3A_795] {strides = array<i32>} : memref<2x4x128x32xbf16, #tpu.memory_space<vmem>>, vector<32xbf16>,
        %mul3A_797 = arith.mulf %get3A_790, %get3A_796 : vector<32xbf16>
        %unpack3A_798 = tpu.unpack_subelements %mul3A_797, 0 {pack_format = #tpu.pack_format<interleaved>} : vector<32xbf16> -> vector<16xf32>
        %unpack3A_799 = tpu.unpack_subelements %mul3A_797, 1 {pack_format = #tpu.pack_format<interleaved>} : vector<32xbf16> -> vector<16xf32>
        %add3A_800 = arith.addf %unpack3A_798, %unpack3A_799 : vector<16xf32>
        %slice3A_801 = vector.extract_strided_slice %get3A_739 {offsets = [2], sizes = [1], strides = [1]} : vector<16xf32> to vector<1xf32>
        %squeeze3A_802 = vector.extract %slice3A_801[0] : f32 from vector<1xf32>
        %mul3A_803 = vector.broadcast %squeeze3A_802 : f32 to vector<16xf32>
        %mul3A_804 = arith.mulf %mul3A_803, %add3A_800 : vector<16xf32>
        %add3A_805 = arith.addf %scan3A_732, %mul3A_804 : vector<16xf32>
        %add3A_806 = arith.constant 3 : i32
        %add3A_807 = arith.addi %mul3A_735, %add3A_806 : i32
        %get3A_808 = arith.constant 3 : i32
        %get3A_809 = arith.index_cast %rem3A_704 : i32 to index
        %get3A_810 = arith.index_cast %get3A_808 : i32 to index
        %get3A_811 = arith.index_cast %add3A_807 : i32 to index
        %get3A_812 = arith.constant 0 : index
        %get3A_813 = tpu.vector_load %arg11[%get3A_809, %get3A_810, %get3A_811, %get3A_812] {strides = array<i32>} : memref<2x4x128x32xbf16, #tpu.memory_space<vmem>>, vector<32xbf16>,
        %get3A_814 = arith.constant 3 : i32
        %get3A_815 = arith.index_cast %rem3A_704 : i32 to index
        %get3A_816 = arith.index_cast %get3A_814 : i32 to index
        %get3A_817 = arith.index_cast %add3A_807 : i32 to index
        %get3A_818 = arith.constant 0 : index
        %get3A_819 = tpu.vector_load %arg12[%get3A_815, %get3A_816, %get3A_817, %get3A_818] {strides = array<i32>} : memref<2x4x128x32xbf16, #tpu.memory_space<vmem>>, vector<32xbf16>,
        %mul3A_820 = arith.mulf %get3A_813, %get3A_819 : vector<32xbf16>
        %unpack3A_821 = tpu.unpack_subelements %mul3A_820, 0 {pack_format = #tpu.pack_format<interleaved>} : vector<32xbf16> -> vector<16xf32>
        %unpack3A_822 = tpu.unpack_subelements %mul3A_820, 1 {pack_format = #tpu.pack_format<interleaved>} : vector<32xbf16> -> vector<16xf32>
        %add3A_823 = arith.addf %unpack3A_821, %unpack3A_822 : vector<16xf32>
        %slice3A_824 = vector.extract_strided_slice %get3A_739 {offsets = [3], sizes = [1], strides = [1]} : vector<16xf32> to vector<1xf32>
        %squeeze3A_825 = vector.extract %slice3A_824[0] : f32 from vector<1xf32>
        %mul3A_826 = vector.broadcast %squeeze3A_825 : f32 to vector<16xf32>
        %mul3A_827 = arith.mulf %mul3A_826, %add3A_823 : vector<16xf32>
        %add3A_828 = arith.addf %scan3A_733, %mul3A_827 : vector<16xf32>
        %add3A_829 = arith.constant 4 : i32
        %add3A_830 = arith.addi %mul3A_735, %add3A_829 : i32
        %get3A_831 = arith.constant 3 : i32
        %get3A_832 = arith.index_cast %rem3A_704 : i32 to index
        %get3A_833 = arith.index_cast %get3A_831 : i32 to index
        %get3A_834 = arith.index_cast %add3A_830 : i32 to index
        %get3A_835 = arith.constant 0 : index
        %get3A_836 = tpu.vector_load %arg11[%get3A_832, %get3A_833, %get3A_834, %get3A_835] {strides = array<i32>} : memref<2x4x128x32xbf16, #tpu.memory_space<vmem>>, vector<32xbf16>,
        %get3A_837 = arith.constant 3 : i32
        %get3A_838 = arith.index_cast %rem3A_704 : i32 to index
        %get3A_839 = arith.index_cast %get3A_837 : i32 to index
        %get3A_840 = arith.index_cast %add3A_830 : i32 to index
        %get3A_841 = arith.constant 0 : index
        %get3A_842 = tpu.vector_load %arg12[%get3A_838, %get3A_839, %get3A_840, %get3A_841] {strides = array<i32>} : memref<2x4x128x32xbf16, #tpu.memory_space<vmem>>, vector<32xbf16>,
        %mul3A_843 = arith.mulf %get3A_836, %get3A_842 : vector<32xbf16>
        %unpack3A_844 = tpu.unpack_subelements %mul3A_843, 0 {pack_format = #tpu.pack_format<interleaved>} : vector<32xbf16> -> vector<16xf32>
        %unpack3A_845 = tpu.unpack_subelements %mul3A_843, 1 {pack_format = #tpu.pack_format<interleaved>} : vector<32xbf16> -> vector<16xf32>
        %add3A_846 = arith.addf %unpack3A_844, %unpack3A_845 : vector<16xf32>
        %slice3A_847 = vector.extract_strided_slice %get3A_739 {offsets = [4], sizes = [1], strides = [1]} : vector<16xf32> to vector<1xf32>
        %squeeze3A_848 = vector.extract %slice3A_847[0] : f32 from vector<1xf32>
        %mul3A_849 = vector.broadcast %squeeze3A_848 : f32 to vector<16xf32>
        %mul3A_850 = arith.mulf %mul3A_849, %add3A_846 : vector<16xf32>
        %add3A_851 = arith.addf %add3A_759, %mul3A_850 : vector<16xf32>
        %add3A_852 = arith.constant 5 : i32
        %add3A_853 = arith.addi %mul3A_735, %add3A_852 : i32
        %get3A_854 = arith.constant 3 : i32
        %get3A_855 = arith.index_cast %rem3A_704 : i32 to index
        %get3A_856 = arith.index_cast %get3A_854 : i32 to index
        %get3A_857 = arith.index_cast %add3A_853 : i32 to index
        %get3A_858 = arith.constant 0 : index
        %get3A_859 = tpu.vector_load %arg11[%get3A_855, %get3A_856, %get3A_857, %get3A_858] {strides = array<i32>} : memref<2x4x128x32xbf16, #tpu.memory_space<vmem>>, vector<32xbf16>,
        %get3A_860 = arith.constant 3 : i32
        %get3A_861 = arith.index_cast %rem3A_704 : i32 to index
        %get3A_862 = arith.index_cast %get3A_860 : i32 to index
        %get3A_863 = arith.index_cast %add3A_853 : i32 to index
        %get3A_864 = arith.constant 0 : index
        %get3A_865 = tpu.vector_load %arg12[%get3A_861, %get3A_862, %get3A_863, %get3A_864] {strides = array<i32>} : memref<2x4x128x32xbf16, #tpu.memory_space<vmem>>, vector<32xbf16>,
        %mul3A_866 = arith.mulf %get3A_859, %get3A_865 : vector<32xbf16>
        %unpack3A_867 = tpu.unpack_subelements %mul3A_866, 0 {pack_format = #tpu.pack_format<interleaved>} : vector<32xbf16> -> vector<16xf32>
        %unpack3A_868 = tpu.unpack_subelements %mul3A_866, 1 {pack_format = #tpu.pack_format<interleaved>} : vector<32xbf16> -> vector<16xf32>
        %add3A_869 = arith.addf %unpack3A_867, %unpack3A_868 : vector<16xf32>
        %slice3A_870 = vector.extract_strided_slice %get3A_739 {offsets = [5], sizes = [1], strides = [1]} : vector<16xf32> to vector<1xf32>
        %squeeze3A_871 = vector.extract %slice3A_870[0] : f32 from vector<1xf32>
        %mul3A_872 = vector.broadcast %squeeze3A_871 : f32 to vector<16xf32>
        %mul3A_873 = arith.mulf %mul3A_872, %add3A_869 : vector<16xf32>
        %add3A_874 = arith.addf %add3A_782, %mul3A_873 : vector<16xf32>
        %add3A_875 = arith.constant 6 : i32
        %add3A_876 = arith.addi %mul3A_735, %add3A_875 : i32
        %get3A_877 = arith.constant 3 : i32
        %get3A_878 = arith.index_cast %rem3A_704 : i32 to index
        %get3A_879 = arith.index_cast %get3A_877 : i32 to index
        %get3A_880 = arith.index_cast %add3A_876 : i32 to index
        %get3A_881 = arith.constant 0 : index
        %get3A_882 = tpu.vector_load %arg11[%get3A_878, %get3A_879, %get3A_880, %get3A_881] {strides = array<i32>} : memref<2x4x128x32xbf16, #tpu.memory_space<vmem>>, vector<32xbf16>,
        %get3A_883 = arith.constant 3 : i32
        %get3A_884 = arith.index_cast %rem3A_704 : i32 to index
        %get3A_885 = arith.index_cast %get3A_883 : i32 to index
        %get3A_886 = arith.index_cast %add3A_876 : i32 to index
        %get3A_887 = arith.constant 0 : index
        %get3A_888 = tpu.vector_load %arg12[%get3A_884, %get3A_885, %get3A_886, %get3A_887] {strides = array<i32>} : memref<2x4x128x32xbf16, #tpu.memory_space<vmem>>, vector<32xbf16>,
        %mul3A_889 = arith.mulf %get3A_882, %get3A_888 : vector<32xbf16>
        %unpack3A_890 = tpu.unpack_subelements %mul3A_889, 0 {pack_format = #tpu.pack_format<interleaved>} : vector<32xbf16> -> vector<16xf32>
        %unpack3A_891 = tpu.unpack_subelements %mul3A_889, 1 {pack_format = #tpu.pack_format<interleaved>} : vector<32xbf16> -> vector<16xf32>
        %add3A_892 = arith.addf %unpack3A_890, %unpack3A_891 : vector<16xf32>
        %slice3A_893 = vector.extract_strided_slice %get3A_739 {offsets = [6], sizes = [1], strides = [1]} : vector<16xf32> to vector<1xf32>
        %squeeze3A_894 = vector.extract %slice3A_893[0] : f32 from vector<1xf32>
        %mul3A_895 = vector.broadcast %squeeze3A_894 : f32 to vector<16xf32>
        %mul3A_896 = arith.mulf %mul3A_895, %add3A_892 : vector<16xf32>
        %add3A_897 = arith.addf %add3A_805, %mul3A_896 : vector<16xf32>
        %add3A_898 = arith.constant 7 : i32
        %add3A_899 = arith.addi %mul3A_735, %add3A_898 : i32
        %get3A_900 = arith.constant 3 : i32
        %get3A_901 = arith.index_cast %rem3A_704 : i32 to index
        %get3A_902 = arith.index_cast %get3A_900 : i32 to index
        %get3A_903 = arith.index_cast %add3A_899 : i32 to index
        %get3A_904 = arith.constant 0 : index
        %get3A_905 = tpu.vector_load %arg11[%get3A_901, %get3A_902, %get3A_903, %get3A_904] {strides = array<i32>} : memref<2x4x128x32xbf16, #tpu.memory_space<vmem>>, vector<32xbf16>,
        %get3A_906 = arith.constant 3 : i32
        %get3A_907 = arith.index_cast %rem3A_704 : i32 to index
        %get3A_908 = arith.index_cast %get3A_906 : i32 to index
        %get3A_909 = arith.index_cast %add3A_899 : i32 to index
        %get3A_910 = arith.constant 0 : index
        %get3A_911 = tpu.vector_load %arg12[%get3A_907, %get3A_908, %get3A_909, %get3A_910] {strides = array<i32>} : memref<2x4x128x32xbf16, #tpu.memory_space<vmem>>, vector<32xbf16>,
        %mul3A_912 = arith.mulf %get3A_905, %get3A_911 : vector<32xbf16>
        %unpack3A_913 = tpu.unpack_subelements %mul3A_912, 0 {pack_format = #tpu.pack_format<interleaved>} : vector<32xbf16> -> vector<16xf32>
        %unpack3A_914 = tpu.unpack_subelements %mul3A_912, 1 {pack_format = #tpu.pack_format<interleaved>} : vector<32xbf16> -> vector<16xf32>
        %add3A_915 = arith.addf %unpack3A_913, %unpack3A_914 : vector<16xf32>
        %slice3A_916 = vector.extract_strided_slice %get3A_739 {offsets = [7], sizes = [1], strides = [1]} : vector<16xf32> to vector<1xf32>
        %squeeze3A_917 = vector.extract %slice3A_916[0] : f32 from vector<1xf32>
        %mul3A_918 = vector.broadcast %squeeze3A_917 : f32 to vector<16xf32>
        %mul3A_919 = arith.mulf %mul3A_918, %add3A_915 : vector<16xf32>
        %add3A_920 = arith.addf %add3A_828, %mul3A_919 : vector<16xf32>
        %add3A_921 = arith.constant 8 : i32
        %add3A_922 = arith.addi %mul3A_735, %add3A_921 : i32
        %get3A_923 = arith.constant 3 : i32
        %get3A_924 = arith.index_cast %rem3A_704 : i32 to index
        %get3A_925 = arith.index_cast %get3A_923 : i32 to index
        %get3A_926 = arith.index_cast %add3A_922 : i32 to index
        %get3A_927 = arith.constant 0 : index
        %get3A_928 = tpu.vector_load %arg11[%get3A_924, %get3A_925, %get3A_926, %get3A_927] {strides = array<i32>} : memref<2x4x128x32xbf16, #tpu.memory_space<vmem>>, vector<32xbf16>,
        %get3A_929 = arith.constant 3 : i32
        %get3A_930 = arith.index_cast %rem3A_704 : i32 to index
        %get3A_931 = arith.index_cast %get3A_929 : i32 to index
        %get3A_932 = arith.index_cast %add3A_922 : i32 to index
        %get3A_933 = arith.constant 0 : index
        %get3A_934 = tpu.vector_load %arg12[%get3A_930, %get3A_931, %get3A_932, %get3A_933] {strides = array<i32>} : memref<2x4x128x32xbf16, #tpu.memory_space<vmem>>, vector<32xbf16>,
        %mul3A_935 = arith.mulf %get3A_928, %get3A_934 : vector<32xbf16>
        %unpack3A_936 = tpu.unpack_subelements %mul3A_935, 0 {pack_format = #tpu.pack_format<interleaved>} : vector<32xbf16> -> vector<16xf32>
        %unpack3A_937 = tpu.unpack_subelements %mul3A_935, 1 {pack_format = #tpu.pack_format<interleaved>} : vector<32xbf16> -> vector<16xf32>
        %add3A_938 = arith.addf %unpack3A_936, %unpack3A_937 : vector<16xf32>
        %slice3A_939 = vector.extract_strided_slice %get3A_739 {offsets = [8], sizes = [1], strides = [1]} : vector<16xf32> to vector<1xf32>
        %squeeze3A_940 = vector.extract %slice3A_939[0] : f32 from vector<1xf32>
        %mul3A_941 = vector.broadcast %squeeze3A_940 : f32 to vector<16xf32>
        %mul3A_942 = arith.mulf %mul3A_941, %add3A_938 : vector<16xf32>
        %add3A_943 = arith.addf %add3A_851, %mul3A_942 : vector<16xf32>
        %add3A_944 = arith.constant 9 : i32
        %add3A_945 = arith.addi %mul3A_735, %add3A_944 : i32
        %get3A_946 = arith.constant 3 : i32
        %get3A_947 = arith.index_cast %rem3A_704 : i32 to index
        %get3A_948 = arith.index_cast %get3A_946 : i32 to index
        %get3A_949 = arith.index_cast %add3A_945 : i32 to index
        %get3A_950 = arith.constant 0 : index
        %get3A_951 = tpu.vector_load %arg11[%get3A_947, %get3A_948, %get3A_949, %get3A_950] {strides = array<i32>} : memref<2x4x128x32xbf16, #tpu.memory_space<vmem>>, vector<32xbf16>,
        %get3A_952 = arith.constant 3 : i32
        %get3A_953 = arith.index_cast %rem3A_704 : i32 to index
        %get3A_954 = arith.index_cast %get3A_952 : i32 to index
        %get3A_955 = arith.index_cast %add3A_945 : i32 to index
        %get3A_956 = arith.constant 0 : index
        %get3A_957 = tpu.vector_load %arg12[%get3A_953, %get3A_954, %get3A_955, %get3A_956] {strides = array<i32>} : memref<2x4x128x32xbf16, #tpu.memory_space<vmem>>, vector<32xbf16>,
        %mul3A_958 = arith.mulf %get3A_951, %get3A_957 : vector<32xbf16>
        %unpack3A_959 = tpu.unpack_subelements %mul3A_958, 0 {pack_format = #tpu.pack_format<interleaved>} : vector<32xbf16> -> vector<16xf32>
        %unpack3A_960 = tpu.unpack_subelements %mul3A_958, 1 {pack_format = #tpu.pack_format<interleaved>} : vector<32xbf16> -> vector<16xf32>
        %add3A_961 = arith.addf %unpack3A_959, %unpack3A_960 : vector<16xf32>
        %slice3A_962 = vector.extract_strided_slice %get3A_739 {offsets = [9], sizes = [1], strides = [1]} : vector<16xf32> to vector<1xf32>
        %squeeze3A_963 = vector.extract %slice3A_962[0] : f32 from vector<1xf32>
        %mul3A_964 = vector.broadcast %squeeze3A_963 : f32 to vector<16xf32>
        %mul3A_965 = arith.mulf %mul3A_964, %add3A_961 : vector<16xf32>
        %add3A_966 = arith.addf %add3A_874, %mul3A_965 : vector<16xf32>
        %add3A_967 = arith.constant 10 : i32
        %add3A_968 = arith.addi %mul3A_735, %add3A_967 : i32
        %get3A_969 = arith.constant 3 : i32
        %get3A_970 = arith.index_cast %rem3A_704 : i32 to index
        %get3A_971 = arith.index_cast %get3A_969 : i32 to index
        %get3A_972 = arith.index_cast %add3A_968 : i32 to index
        %get3A_973 = arith.constant 0 : index
        %get3A_974 = tpu.vector_load %arg11[%get3A_970, %get3A_971, %get3A_972, %get3A_973] {strides = array<i32>} : memref<2x4x128x32xbf16, #tpu.memory_space<vmem>>, vector<32xbf16>,
        %get3A_975 = arith.constant 3 : i32
        %get3A_976 = arith.index_cast %rem3A_704 : i32 to index
        %get3A_977 = arith.index_cast %get3A_975 : i32 to index
        %get3A_978 = arith.index_cast %add3A_968 : i32 to index
        %get3A_979 = arith.constant 0 : index
        %get3A_980 = tpu.vector_load %arg12[%get3A_976, %get3A_977, %get3A_978, %get3A_979] {strides = array<i32>} : memref<2x4x128x32xbf16, #tpu.memory_space<vmem>>, vector<32xbf16>,
        %mul3A_981 = arith.mulf %get3A_974, %get3A_980 : vector<32xbf16>
        %unpack3A_982 = tpu.unpack_subelements %mul3A_981, 0 {pack_format = #tpu.pack_format<interleaved>} : vector<32xbf16> -> vector<16xf32>
        %unpack3A_983 = tpu.unpack_subelements %mul3A_981, 1 {pack_format = #tpu.pack_format<interleaved>} : vector<32xbf16> -> vector<16xf32>
        %add3A_984 = arith.addf %unpack3A_982, %unpack3A_983 : vector<16xf32>
        %slice3A_985 = vector.extract_strided_slice %get3A_739 {offsets = [10], sizes = [1], strides = [1]} : vector<16xf32> to vector<1xf32>
        %squeeze3A_986 = vector.extract %slice3A_985[0] : f32 from vector<1xf32>
        %mul3A_987 = vector.broadcast %squeeze3A_986 : f32 to vector<16xf32>
        %mul3A_988 = arith.mulf %mul3A_987, %add3A_984 : vector<16xf32>
        %add3A_989 = arith.addf %add3A_897, %mul3A_988 : vector<16xf32>
        %add3A_990 = arith.constant 11 : i32
        %add3A_991 = arith.addi %mul3A_735, %add3A_990 : i32
        %get3A_992 = arith.constant 3 : i32
        %get3A_993 = arith.index_cast %rem3A_704 : i32 to index
        %get3A_994 = arith.index_cast %get3A_992 : i32 to index
        %get3A_995 = arith.index_cast %add3A_991 : i32 to index
        %get3A_996 = arith.constant 0 : index
        %get3A_997 = tpu.vector_load %arg11[%get3A_993, %get3A_994, %get3A_995, %get3A_996] {strides = array<i32>} : memref<2x4x128x32xbf16, #tpu.memory_space<vmem>>, vector<32xbf16>,
        %get3A_998 = arith.constant 3 : i32
        %get3A_999 = arith.index_cast %rem3A_704 : i32 to index
        %get3A_1000 = arith.index_cast %get3A_998 : i32 to index
        %get3A_1001 = arith.index_cast %add3A_991 : i32 to index
        %get3A_1002 = arith.constant 0 : index
        %get3A_1003 = tpu.vector_load %arg12[%get3A_999, %get3A_1000, %get3A_1001, %get3A_1002] {strides = array<i32>} : memref<2x4x128x32xbf16, #tpu.memory_space<vmem>>, vector<32xbf16>,
        %mul3A_1004 = arith.mulf %get3A_997, %get3A_1003 : vector<32xbf16>
        %unpack3A_1005 = tpu.unpack_subelements %mul3A_1004, 0 {pack_format = #tpu.pack_format<interleaved>} : vector<32xbf16> -> vector<16xf32>
        %unpack3A_1006 = tpu.unpack_subelements %mul3A_1004, 1 {pack_format = #tpu.pack_format<interleaved>} : vector<32xbf16> -> vector<16xf32>
        %add3A_1007 = arith.addf %unpack3A_1005, %unpack3A_1006 : vector<16xf32>
        %slice3A_1008 = vector.extract_strided_slice %get3A_739 {offsets = [11], sizes = [1], strides = [1]} : vector<16xf32> to vector<1xf32>
        %squeeze3A_1009 = vector.extract %slice3A_1008[0] : f32 from vector<1xf32>
        %mul3A_1010 = vector.broadcast %squeeze3A_1009 : f32 to vector<16xf32>
        %mul3A_1011 = arith.mulf %mul3A_1010, %add3A_1007 : vector<16xf32>
        %add3A_1012 = arith.addf %add3A_920, %mul3A_1011 : vector<16xf32>
        %add3A_1013 = arith.constant 12 : i32
        %add3A_1014 = arith.addi %mul3A_735, %add3A_1013 : i32
        %get3A_1015 = arith.constant 3 : i32
        %get3A_1016 = arith.index_cast %rem3A_704 : i32 to index
        %get3A_1017 = arith.index_cast %get3A_1015 : i32 to index
        %get3A_1018 = arith.index_cast %add3A_1014 : i32 to index
        %get3A_1019 = arith.constant 0 : index
        %get3A_1020 = tpu.vector_load %arg11[%get3A_1016, %get3A_1017, %get3A_1018, %get3A_1019] {strides = array<i32>} : memref<2x4x128x32xbf16, #tpu.memory_space<vmem>>, vector<32xbf16>,
        %get3A_1021 = arith.constant 3 : i32
        %get3A_1022 = arith.index_cast %rem3A_704 : i32 to index
        %get3A_1023 = arith.index_cast %get3A_1021 : i32 to index
        %get3A_1024 = arith.index_cast %add3A_1014 : i32 to index
        %get3A_1025 = arith.constant 0 : index
        %get3A_1026 = tpu.vector_load %arg12[%get3A_1022, %get3A_1023, %get3A_1024, %get3A_1025] {strides = array<i32>} : memref<2x4x128x32xbf16, #tpu.memory_space<vmem>>, vector<32xbf16>,
        %mul3A_1027 = arith.mulf %get3A_1020, %get3A_1026 : vector<32xbf16>
        %unpack3A_1028 = tpu.unpack_subelements %mul3A_1027, 0 {pack_format = #tpu.pack_format<interleaved>} : vector<32xbf16> -> vector<16xf32>
        %unpack3A_1029 = tpu.unpack_subelements %mul3A_1027, 1 {pack_format = #tpu.pack_format<interleaved>} : vector<32xbf16> -> vector<16xf32>
        %add3A_1030 = arith.addf %unpack3A_1028, %unpack3A_1029 : vector<16xf32>
        %slice3A_1031 = vector.extract_strided_slice %get3A_739 {offsets = [12], sizes = [1], strides = [1]} : vector<16xf32> to vector<1xf32>
        %squeeze3A_1032 = vector.extract %slice3A_1031[0] : f32 from vector<1xf32>
        %mul3A_1033 = vector.broadcast %squeeze3A_1032 : f32 to vector<16xf32>
        %mul3A_1034 = arith.mulf %mul3A_1033, %add3A_1030 : vector<16xf32>
        %add3A_1035 = arith.addf %add3A_943, %mul3A_1034 : vector<16xf32>
        %add3A_1036 = arith.constant 13 : i32
        %add3A_1037 = arith.addi %mul3A_735, %add3A_1036 : i32
        %get3A_1038 = arith.constant 3 : i32
        %get3A_1039 = arith.index_cast %rem3A_704 : i32 to index
        %get3A_1040 = arith.index_cast %get3A_1038 : i32 to index
        %get3A_1041 = arith.index_cast %add3A_1037 : i32 to index
        %get3A_1042 = arith.constant 0 : index
        %get3A_1043 = tpu.vector_load %arg11[%get3A_1039, %get3A_1040, %get3A_1041, %get3A_1042] {strides = array<i32>} : memref<2x4x128x32xbf16, #tpu.memory_space<vmem>>, vector<32xbf16>,
        %get3A_1044 = arith.constant 3 : i32
        %get3A_1045 = arith.index_cast %rem3A_704 : i32 to index
        %get3A_1046 = arith.index_cast %get3A_1044 : i32 to index
        %get3A_1047 = arith.index_cast %add3A_1037 : i32 to index
        %get3A_1048 = arith.constant 0 : index
        %get3A_1049 = tpu.vector_load %arg12[%get3A_1045, %get3A_1046, %get3A_1047, %get3A_1048] {strides = array<i32>} : memref<2x4x128x32xbf16, #tpu.memory_space<vmem>>, vector<32xbf16>,
        %mul3A_1050 = arith.mulf %get3A_1043, %get3A_1049 : vector<32xbf16>
        %unpack3A_1051 = tpu.unpack_subelements %mul3A_1050, 0 {pack_format = #tpu.pack_format<interleaved>} : vector<32xbf16> -> vector<16xf32>
        %unpack3A_1052 = tpu.unpack_subelements %mul3A_1050, 1 {pack_format = #tpu.pack_format<interleaved>} : vector<32xbf16> -> vector<16xf32>
        %add3A_1053 = arith.addf %unpack3A_1051, %unpack3A_1052 : vector<16xf32>
        %slice3A_1054 = vector.extract_strided_slice %get3A_739 {offsets = [13], sizes = [1], strides = [1]} : vector<16xf32> to vector<1xf32>
        %squeeze3A_1055 = vector.extract %slice3A_1054[0] : f32 from vector<1xf32>
        %mul3A_1056 = vector.broadcast %squeeze3A_1055 : f32 to vector<16xf32>
        %mul3A_1057 = arith.mulf %mul3A_1056, %add3A_1053 : vector<16xf32>
        %add3A_1058 = arith.addf %add3A_966, %mul3A_1057 : vector<16xf32>
        %add3A_1059 = arith.constant 14 : i32
        %add3A_1060 = arith.addi %mul3A_735, %add3A_1059 : i32
        %get3A_1061 = arith.constant 3 : i32
        %get3A_1062 = arith.index_cast %rem3A_704 : i32 to index
        %get3A_1063 = arith.index_cast %get3A_1061 : i32 to index
        %get3A_1064 = arith.index_cast %add3A_1060 : i32 to index
        %get3A_1065 = arith.constant 0 : index
        %get3A_1066 = tpu.vector_load %arg11[%get3A_1062, %get3A_1063, %get3A_1064, %get3A_1065] {strides = array<i32>} : memref<2x4x128x32xbf16, #tpu.memory_space<vmem>>, vector<32xbf16>,
        %get3A_1067 = arith.constant 3 : i32
        %get3A_1068 = arith.index_cast %rem3A_704 : i32 to index
        %get3A_1069 = arith.index_cast %get3A_1067 : i32 to index
        %get3A_1070 = arith.index_cast %add3A_1060 : i32 to index
        %get3A_1071 = arith.constant 0 : index
        %get3A_1072 = tpu.vector_load %arg12[%get3A_1068, %get3A_1069, %get3A_1070, %get3A_1071] {strides = array<i32>} : memref<2x4x128x32xbf16, #tpu.memory_space<vmem>>, vector<32xbf16>,
        %mul3A_1073 = arith.mulf %get3A_1066, %get3A_1072 : vector<32xbf16>
        %unpack3A_1074 = tpu.unpack_subelements %mul3A_1073, 0 {pack_format = #tpu.pack_format<interleaved>} : vector<32xbf16> -> vector<16xf32>
        %unpack3A_1075 = tpu.unpack_subelements %mul3A_1073, 1 {pack_format = #tpu.pack_format<interleaved>} : vector<32xbf16> -> vector<16xf32>
        %add3A_1076 = arith.addf %unpack3A_1074, %unpack3A_1075 : vector<16xf32>
        %slice3A_1077 = vector.extract_strided_slice %get3A_739 {offsets = [14], sizes = [1], strides = [1]} : vector<16xf32> to vector<1xf32>
        %squeeze3A_1078 = vector.extract %slice3A_1077[0] : f32 from vector<1xf32>
        %mul3A_1079 = vector.broadcast %squeeze3A_1078 : f32 to vector<16xf32>
        %mul3A_1080 = arith.mulf %mul3A_1079, %add3A_1076 : vector<16xf32>
        %add3A_1081 = arith.addf %add3A_989, %mul3A_1080 : vector<16xf32>
        %add3A_1082 = arith.constant 15 : i32
        %add3A_1083 = arith.addi %mul3A_735, %add3A_1082 : i32
        %get3A_1084 = arith.constant 3 : i32
        %get3A_1085 = arith.index_cast %rem3A_704 : i32 to index
        %get3A_1086 = arith.index_cast %get3A_1084 : i32 to index
        %get3A_1087 = arith.index_cast %add3A_1083 : i32 to index
        %get3A_1088 = arith.constant 0 : index
        %get3A_1089 = tpu.vector_load %arg11[%get3A_1085, %get3A_1086, %get3A_1087, %get3A_1088] {strides = array<i32>} : memref<2x4x128x32xbf16, #tpu.memory_space<vmem>>, vector<32xbf16>,
        %get3A_1090 = arith.constant 3 : i32
        %get3A_1091 = arith.index_cast %rem3A_704 : i32 to index
        %get3A_1092 = arith.index_cast %get3A_1090 : i32 to index
        %get3A_1093 = arith.index_cast %add3A_1083 : i32 to index
        %get3A_1094 = arith.constant 0 : index
        %get3A_1095 = tpu.vector_load %arg12[%get3A_1091, %get3A_1092, %get3A_1093, %get3A_1094] {strides = array<i32>} : memref<2x4x128x32xbf16, #tpu.memory_space<vmem>>, vector<32xbf16>,
        %mul3A_1096 = arith.mulf %get3A_1089, %get3A_1095 : vector<32xbf16>
        %unpack3A_1097 = tpu.unpack_subelements %mul3A_1096, 0 {pack_format = #tpu.pack_format<interleaved>} : vector<32xbf16> -> vector<16xf32>
        %unpack3A_1098 = tpu.unpack_subelements %mul3A_1096, 1 {pack_format = #tpu.pack_format<interleaved>} : vector<32xbf16> -> vector<16xf32>
        %add3A_1099 = arith.addf %unpack3A_1097, %unpack3A_1098 : vector<16xf32>
        %slice3A_1100 = vector.extract_strided_slice %get3A_739 {offsets = [15], sizes = [1], strides = [1]} : vector<16xf32> to vector<1xf32>
        %squeeze3A_1101 = vector.extract %slice3A_1100[0] : f32 from vector<1xf32>
        %mul3A_1102 = vector.broadcast %squeeze3A_1101 : f32 to vector<16xf32>
        %mul3A_1103 = arith.mulf %mul3A_1102, %add3A_1099 : vector<16xf32>
        %add3A_1104 = arith.addf %add3A_1012, %mul3A_1103 : vector<16xf32>
        scf.yield %add3A_1035, %add3A_1058, %add3A_1081, %add3A_1104 : vector<16xf32>, vector<16xf32>, vector<16xf32>, vector<16xf32>
      }
      %scan3A_728 = arith.constant 8 : i32
      scf.yield %scan3A_727#0, %scan3A_727#1, %scan3A_727#2, %scan3A_727#3 : vector<16xf32>, vector<16xf32>, vector<16xf32>, vector<16xf32>
    }
    %scan3A_242 = arith.constant 52 : i32
    %dma_wait3A_243 = arith.constant 0 : i32
    %dma_wait3A_244 = arith.constant 0 : i32
    %dma_wait3A_245 = arith.constant 0 : i32
    %dma_wait3A_246 = tpu.memref_slice %arg7[%dma_wait3A_243, %dma_wait3A_244, %dma_wait3A_245] : memref<3x4x128xi32, #tpu.memory_space<vmem>> -> memref<1x4x128xi32, #tpu.memory_space<vmem>>
    %dma_wait3A_247 = tpu.memref_squeeze %dma_wait3A_246 : memref<1x4x128xi32, #tpu.memory_space<vmem>> -> memref<4x128xi32, #tpu.memory_space<vmem>>
    %dma_wait3A_248 = arith.constant 0 : i32
    %dma_wait3A_249 = tpu.memref_slice %arg3[%mul3A_4, %dma_wait3A_248] : memref<6656x128xi32, #tpu.memory_space<hbm>> -> memref<4x128xi32, #tpu.memory_space<hbm>>
    %dma_wait3A_250 = arith.constant 0 : i32
    %dma_wait3A_251 = arith.constant 0 : i32
    %dma_wait3A_252 = tpu.memref_slice %arg7[%dma_wait3A_243, %dma_wait3A_250, %dma_wait3A_251] : memref<3x4x128xi32, #tpu.memory_space<vmem>> -> memref<1x4x128xi32, #tpu.memory_space<vmem>>
    %dma_wait3A_253 = tpu.memref_squeeze %dma_wait3A_252 : memref<1x4x128xi32, #tpu.memory_space<vmem>> -> memref<4x128xi32, #tpu.memory_space<vmem>>
    %dma_wait3A_254 = arith.constant 0 : i32
    %dma_wait3A_255 = tpu.memref_slice %arg3[%mul3A_4, %dma_wait3A_254] : memref<6656x128xi32, #tpu.memory_space<hbm>> -> memref<4x128xi32, #tpu.memory_space<hbm>>
    tpu.wait_dma2 semaphore(%arg14 : memref<!tpu.dma_semaphore, #tpu.memory_space<semaphore_mem>>) src(%dma_wait3A_255 : memref<4x128xi32, #tpu.memory_space<hbm>>) dst(%dma_wait3A_253 : memref<4x128xi32, #tpu.memory_space<vmem>>)
    %dma_wait3A_256 = arith.constant 0 : i32
    %dma_wait3A_257 = arith.constant 0 : i32
    %dma_wait3A_258 = arith.constant 0 : i32
    %dma_wait3A_259 = tpu.memref_slice %arg8[%dma_wait3A_256, %dma_wait3A_257, %dma_wait3A_258] : memref<3x4x128xi32, #tpu.memory_space<vmem>> -> memref<1x4x128xi32, #tpu.memory_space<vmem>>
    %dma_wait3A_260 = tpu.memref_squeeze %dma_wait3A_259 : memref<1x4x128xi32, #tpu.memory_space<vmem>> -> memref<4x128xi32, #tpu.memory_space<vmem>>
    %dma_wait3A_261 = arith.constant 0 : i32
    %dma_wait3A_262 = tpu.memref_slice %arg4[%mul3A_4, %dma_wait3A_261] : memref<6656x128xi32, #tpu.memory_space<hbm>> -> memref<4x128xi32, #tpu.memory_space<hbm>>
    %dma_wait3A_263 = arith.constant 0 : i32
    %dma_wait3A_264 = arith.constant 0 : i32
    %dma_wait3A_265 = tpu.memref_slice %arg8[%dma_wait3A_256, %dma_wait3A_263, %dma_wait3A_264] : memref<3x4x128xi32, #tpu.memory_space<vmem>> -> memref<1x4x128xi32, #tpu.memory_space<vmem>>
    %dma_wait3A_266 = tpu.memref_squeeze %dma_wait3A_265 : memref<1x4x128xi32, #tpu.memory_space<vmem>> -> memref<4x128xi32, #tpu.memory_space<vmem>>
    %dma_wait3A_267 = arith.constant 0 : i32
    %dma_wait3A_268 = tpu.memref_slice %arg4[%mul3A_4, %dma_wait3A_267] : memref<6656x128xi32, #tpu.memory_space<hbm>> -> memref<4x128xi32, #tpu.memory_space<hbm>>
    tpu.wait_dma2 semaphore(%arg14 : memref<!tpu.dma_semaphore, #tpu.memory_space<semaphore_mem>>) src(%dma_wait3A_268 : memref<4x128xi32, #tpu.memory_space<hbm>>) dst(%dma_wait3A_266 : memref<4x128xi32, #tpu.memory_space<vmem>>)
    %dma_wait3A_269 = arith.constant 0 : i32
    %dma_wait3A_270 = arith.constant 0 : i32
    %dma_wait3A_271 = arith.constant 0 : i32
    %dma_wait3A_272 = tpu.memref_slice %arg9[%dma_wait3A_269, %dma_wait3A_270, %dma_wait3A_271] : memref<3x4x128xf32, #tpu.memory_space<vmem>> -> memref<1x4x128xf32, #tpu.memory_space<vmem>>
    %dma_wait3A_273 = tpu.memref_squeeze %dma_wait3A_272 : memref<1x4x128xf32, #tpu.memory_space<vmem>> -> memref<4x128xf32, #tpu.memory_space<vmem>>
    %dma_wait3A_274 = arith.constant 0 : i32
    %dma_wait3A_275 = tpu.memref_slice %arg5[%mul3A_4, %dma_wait3A_274] : memref<6656x128xf32, #tpu.memory_space<hbm>> -> memref<4x128xf32, #tpu.memory_space<hbm>>
    %dma_wait3A_276 = arith.constant 0 : i32
    %dma_wait3A_277 = arith.constant 0 : i32
    %dma_wait3A_278 = tpu.memref_slice %arg9[%dma_wait3A_269, %dma_wait3A_276, %dma_wait3A_277] : memref<3x4x128xf32, #tpu.memory_space<vmem>> -> memref<1x4x128xf32, #tpu.memory_space<vmem>>
    %dma_wait3A_279 = tpu.memref_squeeze %dma_wait3A_278 : memref<1x4x128xf32, #tpu.memory_space<vmem>> -> memref<4x128xf32, #tpu.memory_space<vmem>>
    %dma_wait3A_280 = arith.constant 0 : i32
    %dma_wait3A_281 = tpu.memref_slice %arg5[%mul3A_4, %dma_wait3A_280] : memref<6656x128xf32, #tpu.memory_space<hbm>> -> memref<4x128xf32, #tpu.memory_space<hbm>>
    tpu.wait_dma2 semaphore(%arg14 : memref<!tpu.dma_semaphore, #tpu.memory_space<semaphore_mem>>) src(%dma_wait3A_281 : memref<4x128xf32, #tpu.memory_space<hbm>>) dst(%dma_wait3A_279 : memref<4x128xf32, #tpu.memory_space<vmem>>)
    %dma_wait3A_282 = arith.constant 0 : i32
    %dma_wait3A_283 = arith.constant 0 : i32
    %dma_wait3A_284 = arith.constant 0 : i32
    %dma_wait3A_285 = arith.constant 0 : i32
    %dma_wait3A_286 = arith.constant 0 : i32
    %dma_wait3A_287 = arith.constant 0 : i32
    %dma_wait3A_288 = tpu.memref_slice %arg11[%dma_wait3A_284, %dma_wait3A_285, %dma_wait3A_286, %dma_wait3A_287] : memref<2x4x128x32xbf16, #tpu.memory_space<vmem>> -> memref<1x1x128x32xbf16, #tpu.memory_space<vmem>>
    %dma_wait3A_289 = tpu.memref_squeeze %dma_wait3A_288 : memref<1x1x128x32xbf16, #tpu.memory_space<vmem>> -> memref<128x32xbf16, #tpu.memory_space<vmem>>
    %dma_wait3A_290 = arith.constant 0 : i32
    %dma_wait3A_291 = tpu.memref_slice %arg7[%dma_wait3A_282, %dma_wait3A_283, %dma_wait3A_290] : memref<3x4x128xi32, #tpu.memory_space<vmem>> -> memref<1x1x128xi32, #tpu.memory_space<vmem>>
    %dma_wait3A_292 = tpu.memref_squeeze %dma_wait3A_291 : memref<1x1x128xi32, #tpu.memory_space<vmem>> -> memref<128xi32, #tpu.memory_space<vmem>>
    %dma_wait3A_293 = arith.constant 0 : i32
    %dma_wait3A_294 = arith.constant 0 : i32
    %dma_wait3A_295 = tpu.memref_slice %arg10[%dma_wait3A_293, %dma_wait3A_294] : memref<50000x32xbf16, #tpu.memory_space<vmem_shared>> -> memref<50000x32xbf16, #tpu.memory_space<vmem_shared>>
    tpu.wait_indirect_dma semaphore(%arg15 : memref<!tpu.dma_semaphore, #tpu.memory_space<semaphore_mem>>) src(%dma_wait3A_295 : memref<50000x32xbf16, #tpu.memory_space<vmem_shared>>) dst(%dma_wait3A_289 : memref<128x32xbf16, #tpu.memory_space<vmem>>)
    %dma_wait3A_296 = arith.constant 0 : i32
    %dma_wait3A_297 = arith.constant 0 : i32
    %dma_wait3A_298 = arith.constant 0 : i32
    %dma_wait3A_299 = arith.constant 0 : i32
    %dma_wait3A_300 = arith.constant 0 : i32
    %dma_wait3A_301 = arith.constant 0 : i32
    %dma_wait3A_302 = tpu.memref_slice %arg12[%dma_wait3A_298, %dma_wait3A_299, %dma_wait3A_300, %dma_wait3A_301] : memref<2x4x128x32xbf16, #tpu.memory_space<vmem>> -> memref<1x1x128x32xbf16, #tpu.memory_space<vmem>>
    %dma_wait3A_303 = tpu.memref_squeeze %dma_wait3A_302 : memref<1x1x128x32xbf16, #tpu.memory_space<vmem>> -> memref<128x32xbf16, #tpu.memory_space<vmem>>
    %dma_wait3A_304 = arith.constant 0 : i32
    %dma_wait3A_305 = tpu.memref_slice %arg8[%dma_wait3A_296, %dma_wait3A_297, %dma_wait3A_304] : memref<3x4x128xi32, #tpu.memory_space<vmem>> -> memref<1x1x128xi32, #tpu.memory_space<vmem>>
    %dma_wait3A_306 = tpu.memref_squeeze %dma_wait3A_305 : memref<1x1x128xi32, #tpu.memory_space<vmem>> -> memref<128xi32, #tpu.memory_space<vmem>>
    %dma_wait3A_307 = arith.constant 0 : i32
    %dma_wait3A_308 = arith.constant 0 : i32
    %dma_wait3A_309 = tpu.memref_slice %arg10[%dma_wait3A_307, %dma_wait3A_308] : memref<50000x32xbf16, #tpu.memory_space<vmem_shared>> -> memref<50000x32xbf16, #tpu.memory_space<vmem_shared>>
    tpu.wait_indirect_dma semaphore(%arg15 : memref<!tpu.dma_semaphore, #tpu.memory_space<semaphore_mem>>) src(%dma_wait3A_309 : memref<50000x32xbf16, #tpu.memory_space<vmem_shared>>) dst(%dma_wait3A_303 : memref<128x32xbf16, #tpu.memory_space<vmem>>)
    %dma_wait3A_310 = arith.constant 0 : i32
    %dma_wait3A_311 = arith.constant 1 : i32
    %dma_wait3A_312 = arith.constant 0 : i32
    %dma_wait3A_313 = arith.constant 1 : i32
    %dma_wait3A_314 = arith.constant 0 : i32
    %dma_wait3A_315 = arith.constant 0 : i32
    %dma_wait3A_316 = tpu.memref_slice %arg11[%dma_wait3A_312, %dma_wait3A_313, %dma_wait3A_314, %dma_wait3A_315] : memref<2x4x128x32xbf16, #tpu.memory_space<vmem>> -> memref<1x1x128x32xbf16, #tpu.memory_space<vmem>>
    %dma_wait3A_317 = tpu.memref_squeeze %dma_wait3A_316 : memref<1x1x128x32xbf16, #tpu.memory_space<vmem>> -> memref<128x32xbf16, #tpu.memory_space<vmem>>
    %dma_wait3A_318 = arith.constant 0 : i32
    %dma_wait3A_319 = tpu.memref_slice %arg7[%dma_wait3A_310, %dma_wait3A_311, %dma_wait3A_318] : memref<3x4x128xi32, #tpu.memory_space<vmem>> -> memref<1x1x128xi32, #tpu.memory_space<vmem>>
    %dma_wait3A_320 = tpu.memref_squeeze %dma_wait3A_319 : memref<1x1x128xi32, #tpu.memory_space<vmem>> -> memref<128xi32, #tpu.memory_space<vmem>>
    %dma_wait3A_321 = arith.constant 0 : i32
    %dma_wait3A_322 = arith.constant 0 : i32
    %dma_wait3A_323 = tpu.memref_slice %arg10[%dma_wait3A_321, %dma_wait3A_322] : memref<50000x32xbf16, #tpu.memory_space<vmem_shared>> -> memref<50000x32xbf16, #tpu.memory_space<vmem_shared>>
    tpu.wait_indirect_dma semaphore(%arg15 : memref<!tpu.dma_semaphore, #tpu.memory_space<semaphore_mem>>) src(%dma_wait3A_323 : memref<50000x32xbf16, #tpu.memory_space<vmem_shared>>) dst(%dma_wait3A_317 : memref<128x32xbf16, #tpu.memory_space<vmem>>)
    %dma_wait3A_324 = arith.constant 0 : i32
    %dma_wait3A_325 = arith.constant 1 : i32
    %dma_wait3A_326 = arith.constant 0 : i32
    %dma_wait3A_327 = arith.constant 1 : i32
    %dma_wait3A_328 = arith.constant 0 : i32
    %dma_wait3A_329 = arith.constant 0 : i32
    %dma_wait3A_330 = tpu.memref_slice %arg12[%dma_wait3A_326, %dma_wait3A_327, %dma_wait3A_328, %dma_wait3A_329] : memref<2x4x128x32xbf16, #tpu.memory_space<vmem>> -> memref<1x1x128x32xbf16, #tpu.memory_space<vmem>>
    %dma_wait3A_331 = tpu.memref_squeeze %dma_wait3A_330 : memref<1x1x128x32xbf16, #tpu.memory_space<vmem>> -> memref<128x32xbf16, #tpu.memory_space<vmem>>
    %dma_wait3A_332 = arith.constant 0 : i32
    %dma_wait3A_333 = tpu.memref_slice %arg8[%dma_wait3A_324, %dma_wait3A_325, %dma_wait3A_332] : memref<3x4x128xi32, #tpu.memory_space<vmem>> -> memref<1x1x128xi32, #tpu.memory_space<vmem>>
    %dma_wait3A_334 = tpu.memref_squeeze %dma_wait3A_333 : memref<1x1x128xi32, #tpu.memory_space<vmem>> -> memref<128xi32, #tpu.memory_space<vmem>>
    %dma_wait3A_335 = arith.constant 0 : i32
    %dma_wait3A_336 = arith.constant 0 : i32
    %dma_wait3A_337 = tpu.memref_slice %arg10[%dma_wait3A_335, %dma_wait3A_336] : memref<50000x32xbf16, #tpu.memory_space<vmem_shared>> -> memref<50000x32xbf16, #tpu.memory_space<vmem_shared>>
    tpu.wait_indirect_dma semaphore(%arg15 : memref<!tpu.dma_semaphore, #tpu.memory_space<semaphore_mem>>) src(%dma_wait3A_337 : memref<50000x32xbf16, #tpu.memory_space<vmem_shared>>) dst(%dma_wait3A_331 : memref<128x32xbf16, #tpu.memory_space<vmem>>)
    %dma_wait3A_338 = arith.constant 0 : i32
    %dma_wait3A_339 = arith.constant 2 : i32
    %dma_wait3A_340 = arith.constant 0 : i32
    %dma_wait3A_341 = arith.constant 2 : i32
    %dma_wait3A_342 = arith.constant 0 : i32
    %dma_wait3A_343 = arith.constant 0 : i32
    %dma_wait3A_344 = tpu.memref_slice %arg11[%dma_wait3A_340, %dma_wait3A_341, %dma_wait3A_342, %dma_wait3A_343] : memref<2x4x128x32xbf16, #tpu.memory_space<vmem>> -> memref<1x1x128x32xbf16, #tpu.memory_space<vmem>>
    %dma_wait3A_345 = tpu.memref_squeeze %dma_wait3A_344 : memref<1x1x128x32xbf16, #tpu.memory_space<vmem>> -> memref<128x32xbf16, #tpu.memory_space<vmem>>
    %dma_wait3A_346 = arith.constant 0 : i32
    %dma_wait3A_347 = tpu.memref_slice %arg7[%dma_wait3A_338, %dma_wait3A_339, %dma_wait3A_346] : memref<3x4x128xi32, #tpu.memory_space<vmem>> -> memref<1x1x128xi32, #tpu.memory_space<vmem>>
    %dma_wait3A_348 = tpu.memref_squeeze %dma_wait3A_347 : memref<1x1x128xi32, #tpu.memory_space<vmem>> -> memref<128xi32, #tpu.memory_space<vmem>>
    %dma_wait3A_349 = arith.constant 0 : i32
    %dma_wait3A_350 = arith.constant 0 : i32
    %dma_wait3A_351 = tpu.memref_slice %arg10[%dma_wait3A_349, %dma_wait3A_350] : memref<50000x32xbf16, #tpu.memory_space<vmem_shared>> -> memref<50000x32xbf16, #tpu.memory_space<vmem_shared>>
    tpu.wait_indirect_dma semaphore(%arg15 : memref<!tpu.dma_semaphore, #tpu.memory_space<semaphore_mem>>) src(%dma_wait3A_351 : memref<50000x32xbf16, #tpu.memory_space<vmem_shared>>) dst(%dma_wait3A_345 : memref<128x32xbf16, #tpu.memory_space<vmem>>)
    %dma_wait3A_352 = arith.constant 0 : i32
    %dma_wait3A_353 = arith.constant 2 : i32
    %dma_wait3A_354 = arith.constant 0 : i32
    %dma_wait3A_355 = arith.constant 2 : i32
    %dma_wait3A_356 = arith.constant 0 : i32
    %dma_wait3A_357 = arith.constant 0 : i32
    %dma_wait3A_358 = tpu.memref_slice %arg12[%dma_wait3A_354, %dma_wait3A_355, %dma_wait3A_356, %dma_wait3A_357] : memref<2x4x128x32xbf16, #tpu.memory_space<vmem>> -> memref<1x1x128x32xbf16, #tpu.memory_space<vmem>>
    %dma_wait3A_359 = tpu.memref_squeeze %dma_wait3A_358 : memref<1x1x128x32xbf16, #tpu.memory_space<vmem>> -> memref<128x32xbf16, #tpu.memory_space<vmem>>
    %dma_wait3A_360 = arith.constant 0 : i32
    %dma_wait3A_361 = tpu.memref_slice %arg8[%dma_wait3A_352, %dma_wait3A_353, %dma_wait3A_360] : memref<3x4x128xi32, #tpu.memory_space<vmem>> -> memref<1x1x128xi32, #tpu.memory_space<vmem>>
    %dma_wait3A_362 = tpu.memref_squeeze %dma_wait3A_361 : memref<1x1x128xi32, #tpu.memory_space<vmem>> -> memref<128xi32, #tpu.memory_space<vmem>>
    %dma_wait3A_363 = arith.constant 0 : i32
    %dma_wait3A_364 = arith.constant 0 : i32
    %dma_wait3A_365 = tpu.memref_slice %arg10[%dma_wait3A_363, %dma_wait3A_364] : memref<50000x32xbf16, #tpu.memory_space<vmem_shared>> -> memref<50000x32xbf16, #tpu.memory_space<vmem_shared>>
    tpu.wait_indirect_dma semaphore(%arg15 : memref<!tpu.dma_semaphore, #tpu.memory_space<semaphore_mem>>) src(%dma_wait3A_365 : memref<50000x32xbf16, #tpu.memory_space<vmem_shared>>) dst(%dma_wait3A_359 : memref<128x32xbf16, #tpu.memory_space<vmem>>)
    %dma_wait3A_366 = arith.constant 0 : i32
    %dma_wait3A_367 = arith.constant 3 : i32
    %dma_wait3A_368 = arith.constant 0 : i32
    %dma_wait3A_369 = arith.constant 3 : i32
    %dma_wait3A_370 = arith.constant 0 : i32
    %dma_wait3A_371 = arith.constant 0 : i32
    %dma_wait3A_372 = tpu.memref_slice %arg11[%dma_wait3A_368, %dma_wait3A_369, %dma_wait3A_370, %dma_wait3A_371] : memref<2x4x128x32xbf16, #tpu.memory_space<vmem>> -> memref<1x1x128x32xbf16, #tpu.memory_space<vmem>>
    %dma_wait3A_373 = tpu.memref_squeeze %dma_wait3A_372 : memref<1x1x128x32xbf16, #tpu.memory_space<vmem>> -> memref<128x32xbf16, #tpu.memory_space<vmem>>
    %dma_wait3A_374 = arith.constant 0 : i32
    %dma_wait3A_375 = tpu.memref_slice %arg7[%dma_wait3A_366, %dma_wait3A_367, %dma_wait3A_374] : memref<3x4x128xi32, #tpu.memory_space<vmem>> -> memref<1x1x128xi32, #tpu.memory_space<vmem>>
    %dma_wait3A_376 = tpu.memref_squeeze %dma_wait3A_375 : memref<1x1x128xi32, #tpu.memory_space<vmem>> -> memref<128xi32, #tpu.memory_space<vmem>>
    %dma_wait3A_377 = arith.constant 0 : i32
    %dma_wait3A_378 = arith.constant 0 : i32
    %dma_wait3A_379 = tpu.memref_slice %arg10[%dma_wait3A_377, %dma_wait3A_378] : memref<50000x32xbf16, #tpu.memory_space<vmem_shared>> -> memref<50000x32xbf16, #tpu.memory_space<vmem_shared>>
    tpu.wait_indirect_dma semaphore(%arg15 : memref<!tpu.dma_semaphore, #tpu.memory_space<semaphore_mem>>) src(%dma_wait3A_379 : memref<50000x32xbf16, #tpu.memory_space<vmem_shared>>) dst(%dma_wait3A_373 : memref<128x32xbf16, #tpu.memory_space<vmem>>)
    %dma_wait3A_380 = arith.constant 0 : i32
    %dma_wait3A_381 = arith.constant 3 : i32
    %dma_wait3A_382 = arith.constant 0 : i32
    %dma_wait3A_383 = arith.constant 3 : i32
    %dma_wait3A_384 = arith.constant 0 : i32
    %dma_wait3A_385 = arith.constant 0 : i32
    %dma_wait3A_386 = tpu.memref_slice %arg12[%dma_wait3A_382, %dma_wait3A_383, %dma_wait3A_384, %dma_wait3A_385] : memref<2x4x128x32xbf16, #tpu.memory_space<vmem>> -> memref<1x1x128x32xbf16, #tpu.memory_space<vmem>>
    %dma_wait3A_387 = tpu.memref_squeeze %dma_wait3A_386 : memref<1x1x128x32xbf16, #tpu.memory_space<vmem>> -> memref<128x32xbf16, #tpu.memory_space<vmem>>
    %dma_wait3A_388 = arith.constant 0 : i32
    %dma_wait3A_389 = tpu.memref_slice %arg8[%dma_wait3A_380, %dma_wait3A_381, %dma_wait3A_388] : memref<3x4x128xi32, #tpu.memory_space<vmem>> -> memref<1x1x128xi32, #tpu.memory_space<vmem>>
    %dma_wait3A_390 = tpu.memref_squeeze %dma_wait3A_389 : memref<1x1x128xi32, #tpu.memory_space<vmem>> -> memref<128xi32, #tpu.memory_space<vmem>>
    %dma_wait3A_391 = arith.constant 0 : i32
    %dma_wait3A_392 = arith.constant 0 : i32
    %dma_wait3A_393 = tpu.memref_slice %arg10[%dma_wait3A_391, %dma_wait3A_392] : memref<50000x32xbf16, #tpu.memory_space<vmem_shared>> -> memref<50000x32xbf16, #tpu.memory_space<vmem_shared>>
    tpu.wait_indirect_dma semaphore(%arg15 : memref<!tpu.dma_semaphore, #tpu.memory_space<semaphore_mem>>) src(%dma_wait3A_393 : memref<50000x32xbf16, #tpu.memory_space<vmem_shared>>) dst(%dma_wait3A_387 : memref<128x32xbf16, #tpu.memory_space<vmem>>)
    %add3A_394 = arith.addf %scan3A_241#0, %scan3A_241#1 : vector<16xf32>
    %add3A_395 = arith.addf %add3A_394, %scan3A_241#2 : vector<16xf32>
    %add3A_396 = arith.addf %add3A_395, %scan3A_241#3 : vector<16xf32>
    %swap3A = arith.constant 0 : index
    %swap3A_397 = tpu.vector_load %arg13[%swap3A] {strides = array<i32>} : memref<16xf32, #tpu.memory_space<vmem>>, vector<16xf32>,
    tpu.vector_store %arg13[%swap3A], %add3A_396 {strides = array<i32>} : memref<16xf32, #tpu.memory_space<vmem>>, vector<16xf32>,
    "tpu.region"() ({
      %run_scoped3A = tpu.sem_alloc : memref<!tpu.dma_semaphore, #tpu.memory_space<semaphore_mem>>
      %dma_start3A_398 = arith.constant 0 : i32
      %dma_start3A_399 = tpu.memref_slice %arg6[%add3A, %dma_start3A_398] : memref<32x16xf32, #tpu.memory_space<hbm>> -> memref<1x16xf32, #tpu.memory_space<hbm>>
      %dma_start3A_400 = tpu.memref_squeeze %dma_start3A_399 : memref<1x16xf32, #tpu.memory_space<hbm>> -> memref<16xf32, #tpu.memory_space<hbm>>
      %dma_start3A_401 = arith.constant 0 : i32
      %dma_start3A_402 = tpu.memref_slice %arg6[%add3A, %dma_start3A_401] : memref<32x16xf32, #tpu.memory_space<hbm>> -> memref<1x16xf32, #tpu.memory_space<hbm>>
      %dma_start3A_403 = tpu.memref_squeeze %dma_start3A_402 : memref<1x16xf32, #tpu.memory_space<hbm>> -> memref<16xf32, #tpu.memory_space<hbm>>
      tpu.enqueue_dma source(%arg13 : memref<16xf32, #tpu.memory_space<vmem>>) target(%dma_start3A_403 : memref<16xf32, #tpu.memory_space<hbm>>) target_semaphore(%run_scoped3A : memref<!tpu.dma_semaphore, #tpu.memory_space<semaphore_mem>>)
      %dma_wait3A_404 = arith.constant 0 : i32
      %dma_wait3A_405 = tpu.memref_slice %arg6[%add3A, %dma_wait3A_404] : memref<32x16xf32, #tpu.memory_space<hbm>> -> memref<1x16xf32, #tpu.memory_space<hbm>>
      %dma_wait3A_406 = tpu.memref_squeeze %dma_wait3A_405 : memref<1x16xf32, #tpu.memory_space<hbm>> -> memref<16xf32, #tpu.memory_space<hbm>>
      %dma_wait3A_407 = arith.constant 0 : i32
      %dma_wait3A_408 = tpu.memref_slice %arg6[%add3A, %dma_wait3A_407] : memref<32x16xf32, #tpu.memory_space<hbm>> -> memref<1x16xf32, #tpu.memory_space<hbm>>
      %dma_wait3A_409 = tpu.memref_squeeze %dma_wait3A_408 : memref<1x16xf32, #tpu.memory_space<hbm>> -> memref<16xf32, #tpu.memory_space<hbm>>
      tpu.wait_dma2 semaphore(%run_scoped3A : memref<!tpu.dma_semaphore, #tpu.memory_space<semaphore_mem>>) src(%arg13 : memref<16xf32, #tpu.memory_space<vmem>>) dst(%dma_wait3A_409 : memref<16xf32, #tpu.memory_space<hbm>>)
      tpu.yield
    }) : () -> ()
    return
  }
}

</mosaic_0001>

<sc_bundles>
// kernel: kernel.3.cloned.1.call-start
scs
__scs_entry_jumppad:
0x0: {  	(pc) =	sbr.rel $0x88, $3  }
0x1: {  	(tag) =	ssettag $0x0;
	lr =	simm.s32 $0x1  }
0x2: {  	[smem:$0x3F9C] =	sst lr;
	_ =	strace $0xD0000000  }
0x3: {  	_ = 	snop  }
0x4: {  	_ = 	snop  }
0x5: {  	_ = 	snop  }
0x6: {  	_ = 	snop  }
0x7: {  	_ = 	snop  }
__scs_overlays_trampoline_lowered:
0x8: {  	[smem:$0x3FAB] =	sst s0  }
0x9: {  	[smem:$0x3FAC] =	sst s1  }
0xa: {  	[smem:$0x3FAD] =	sst s2  }
0xb: {  	[smem:$0x3FAE] =	sst s3  }
0xc: {  	[smem:$0x3FAF] =	sst s4  }
0xd: {  	[smem:$0x3FB0] =	sst s5  }
0xe: {  	[smem:$0x3FB1] =	sst s6  }
0xf: {  	[smem:$0x3FB2] =	sst s7  }
0x10: {  	[smem:$0x3FB3] =	sst s8  }
0x11: {  	[smem:$0x3FB4] =	sst s9;
	s0 =	simm.s32 @!p0 $0x0  }
0x12: {  	s1 =	sld [smem:$0x3F9A];
	s0 =	simm.s32 @p0 $0x1  }
0x13: {  	[smem:$0x3FB5] =	sst s0;
	s0 =	simm.s32 @!p1 $0x0  }
0x14: {  	s2 =	sld [smem:$0x3F99];
	s0 =	simm.s32 @p1 $0x1  }
0x15: {  	[smem:$0x3FB6] =	sst s0;
	s0 =	simm.s32 @!p2 $0x0  }
0x16: {  	s3 =	sld [smem:$0x3FDB];
	s0 =	simm.s32 @p2 $0x1  }
0x17: {  	s4 =	simm.s32 $0x1BF5;
	[smem:$0x3FB8] =	sst s0  }
0x18: {  	s0 =	sld [smem:$0x3F9B];
	_ =	swait.ge [sflag:s4], $0x0  }
0x19: {  	s7 =	sld [smem:$0x3F9C]  }
0x1a: {  	s8 =	sadd.s32 $0xFFFFE003, lr  }
0x1b: {  	s9 =	sadd.s32 $0xFFFFFEF7, lr;
	s5 =	simm.s32 $0xFFFFFFFF;
	p2 =	slt.u32 s8, $0xFFFFF086  }
0x1c: {  	p1 =	slt.u32 s9, $0xF7A;
	s5 =	simm.s32 @!p2 $0x0  }
0x1d: {  	s5 =	simm.s32 @p1 $0x1;
	p0 =	seq.s32 s7, s2  }
0x1e: {  	s7 =	smul.u32 @!p0 $0xF7A, s2;
	p2 =	seq.s32 @!p0 s5, $0x0  }
0x1f: {  	s9 =	smul.u32 $0xF7A, s1;
	s8 =	simm.s32 @!p0 $0x1BF5;
	p2 =	por !p2, p0  }
0x20: {  	[sflag:s8] =	ssyncset.s32 @!p0 $0xFFFFF086;
	s6 =	sadd.s32 @!p0 s3, s7;
	s7 =	simm.s32 @!p0 $0x108  }
0x21: {  	s3 =	sadd.s32 s3, s9;
	s6 =	sadd.s32 @!p0 $0x88, s6;
	s7 =	simm.s32 @p2 $0x1082  }
0x22: {  	[simem:s7], [sflag:s8] =	dma.local @!p0 [hbm:s6], $0xF7A  }
0x23: {  	s9 =	sor.u32 $0xD0000000, s2;
	s6 =	simm.s32 $0x108;
	_ =	swait.ge @!p0 [sflag:s8], $0x0  }
0x24: {  	s3 =	sadd.s32 $0x88, s3;
	s6 =	simm.s32 @!p1 $0x1082;
	[sflag:s4] =	ssyncset.s32 $0xFFFFF086  }
0x25: {  	[simem:s6], [sflag:s4] =	dma.local [hbm:s3], $0xF7A  }
0x26: {  	[smem:$0x3F9C] =	sst s1;
	(tag) =	ssettag s2;
	_ =	strace s9  }
0x27: {  	s1 =	sld [smem:$0x3FAC]  }
0x28: {  	s2 =	sld [smem:$0x3FAD]  }
0x29: {  	s4 =	sld [smem:$0x3FAF]  }
0x2a: {  	p0 =	seq.s32 s5, $0x0;
	s5 =	sld [smem:$0x3FB0]  }
0x2b: {  	s6 =	sld [smem:$0x3FB1]  }
0x2c: {  	s7 =	sld [smem:$0x3FB2]  }
0x2d: {  	s3 =	simm.s32 $0x108;
	s8 =	sld [smem:$0x3FB3]  }
0x2e: {  	s3 =	simm.s32 @!p0 $0x1082;
	s9 =	sld [smem:$0x3FB4]  }
0x2f: {  	lr =	sadd.s32 s0, s3;
	s0 =	sld [smem:$0x3FAB]  }
0x30: {  	s3 =	sld [smem:$0x3FAE]  }
0x31: {  	[smem:$0x3FB7] =	sst s10  }
0x32: {  	s10 =	sld [smem:$0x3FB5];
	_ =	sdelay $0x3  }
0x33: {  	p0 =	seq.s32 s10, $0x1;
	s10 =	sld [smem:$0x3FB7];
	_ =	sdelay $0x3  }
0x34: {  	[smem:$0x3FB7] =	sst s10  }
0x35: {  	s10 =	sld [smem:$0x3FB6];
	_ =	sdelay $0x3  }
0x36: {  	p1 =	seq.s32 s10, $0x1;
	s10 =	sld [smem:$0x3FB7];
	_ =	sdelay $0x3  }
0x37: {  	[smem:$0x3FB7] =	sst s10  }
0x38: {  	s10 =	sld [smem:$0x3FB8]  }
0x39: {  	_ = 	snop;
	(pc) =	sbr.ind lr, $3  }
0x3a: {  	_ = 	snop  }
0x3b: {  	_ = 	snop  }
0x3c: {  	p2 =	seq.s32 s10, $0x1;
	s10 =	sld [smem:$0x3FB7]  }
0x3d: {  	_ =	shalt  }
0x3e: {  	_ =	shalt  }
0x3f: {  	_ =	shalt  }
0x40: {  	_ =	shalt  }
0x41: {  	_ =	shalt  }
0x42: {  	_ =	shalt  }
0x43: {  	_ =	shalt  }
0x44: {  	_ =	shalt  }
0x45: {  	_ =	shalt  }
0x46: {  	_ =	shalt  }
0x47: {  	_ =	shalt  }
0x48: {  	_ =	shalt  }
0x49: {  	_ =	shalt  }
0x4a: {  	_ =	shalt  }
0x4b: {  	_ =	shalt  }
0x4c: {  	_ =	shalt  }
0x4d: {  	_ =	shalt  }
0x4e: {  	_ =	shalt  }
0x4f: {  	_ =	shalt  }
0x50: {  	_ =	shalt  }
0x51: {  	_ =	shalt  }
0x52: {  	_ =	shalt  }
0x53: {  	_ =	shalt  }
0x54: {  	_ =	shalt  }
0x55: {  	_ =	shalt  }
0x56: {  	_ =	shalt  }
0x57: {  	_ =	shalt  }
0x58: {  	_ =	shalt  }
0x59: {  	_ =	shalt  }
0x5a: {  	_ =	shalt  }
0x5b: {  	_ =	shalt  }
0x5c: {  	_ =	shalt  }
0x5d: {  	_ =	shalt  }
0x5e: {  	_ =	shalt  }
0x5f: {  	_ =	shalt  }
0x60: {  	_ =	shalt  }
0x61: {  	_ =	shalt  }
0x62: {  	_ =	shalt  }
0x63: {  	_ =	shalt  }
0x64: {  	_ =	shalt  }
0x65: {  	_ =	shalt  }
0x66: {  	_ =	shalt  }
0x67: {  	_ =	shalt  }
0x68: {  	_ =	shalt  }
0x69: {  	_ =	shalt  }
0x6a: {  	_ =	shalt  }
0x6b: {  	_ =	shalt  }
0x6c: {  	_ =	shalt  }
0x6d: {  	_ =	shalt  }
0x6e: {  	_ =	shalt  }
0x6f: {  	_ =	shalt  }
0x70: {  	_ =	shalt  }
0x71: {  	_ =	shalt  }
0x72: {  	_ =	shalt  }
0x73: {  	_ =	shalt  }
0x74: {  	_ =	shalt  }
0x75: {  	_ =	shalt  }
0x76: {  	_ =	shalt  }
0x77: {  	_ =	shalt  }
0x78: {  	_ =	shalt  }
0x79: {  	_ =	shalt  }
0x7a: {  	_ =	shalt  }
0x7b: {  	_ =	shalt  }
0x7c: {  	_ =	shalt  }
0x7d: {  	_ =	shalt  }
0x7e: {  	_ =	shalt  }
0x7f: {  	_ =	shalt  }
0x80: {  	_ =	shalt  }
0x81: {  	_ =	shalt  }
0x82: {  	_ =	shalt  }
0x83: {  	_ =	shalt  }
0x84: {  	_ =	shalt  }
0x85: {  	_ =	shalt  }
0x86: {  	_ =	shalt  }
0x87: {  	_ =	shalt  }
.Lfunc_end0:
.L_simem_size_0:
called_computation_lowered:
.L_overlay_start_0:
0x88: {  	s2 =	sld [smem:$0x3FD9]  }
0x89: {  	s3 =	sld [smem:$0x3FFE];
	_ =	sdelay $0x1  }
0x8a: {  	s1 =	srdreg.scid  }
0x8b: {  	s0 =	sand.u32 $0x1, s1  }
0x8c: {  	s16 =	sshll.u32 s0, $0xA;
	s2 =	sadd.s32 s3, s2  }
0x8d: {  	s2 =	sadd.s32 s2, s16  }
0x8e: {  	[smem:$0x3FC3] =	sst s2  }
0x8f: {  	_ = 	snop  }
0x90: {  	(tm) =	ssettm $0x1  }
0x91: {  	s17 =	sld [smem:$0x3FFB];
	_ =	sdelay $0x3  }
0x92: {  	_ =	strace s17  }
0x93: {  	s2 =	sld [smem:$0x3FFC];
	_ =	sdelay $0x3  }
0x94: {  	_ =	strace s2  }
0x95: {  	s2 =	sld [smem:$0x3FFD];
	_ =	sdelay $0x3  }
0x96: {  	_ =	strace s2  }
0x97: {  	_ =	strace $0x8FFFFFFF  }
0x98: {  	s18 =	sld [smem:$0x3FDB];
	_ =	sdelay $0x1  }
0x99: {  	s19 =	simm.s32 $_scs_section_size  }
0x9a: {  	s4 =	simm.s32 $_size__tile_overlayer_lowered;
	s5 =	simm.s32 $_tile_overlayer_lowered  }
0x9b: {  	s22 =	simm.s32 $0x1BFF;
	s21 =	sshll.u32 s5, $0x1;
	s2 =	sadd.s32 s19, s18  }
0x9c: {  	s6 =	simm.s32 $0x0;
	s20 =	sshll.u32 s4, $0x1;
	s4 =	sadd.s32 s21, s2  }
0x9d: {  	[timem:s6], [sflag:s22] =	dma.local [hbm:s4], s20  }
0x9e: {  	_ =	swait.ge [sflag:s22], s20  }
0x9f: {  	s3 =	ssub.s32 $0x0, s20;
	[sflag:s22] =	ssyncset.done $0x0  }
0xa0: {  	[sflag:s22] =	ssyncadd.s32 s3;
	_ =	sdelay $0x1  }
0xa1: {  	s23 =	simm.s32 $0x1B8B  }
0xa2: {  	_ =	swait.ge [sflag:s23], $0x1  }
0xa3: {  	[sflag:s23] =	ssyncset.done $0x0  }
0xa4: {  	s25 =	simm.s32 $0x1B8E;
	s24 =	sld [smem:$0x3FFE];
	[sflag:s23] =	ssyncadd.s32 $0xFFFFFFFF  }
0xa5: {  	s26 =	simm.s32 $execute0_lowered;
	[smem:$0x3FD2] =	sst s25  }
0xa6: {  	s4 =	sshll.u32 s26, $0x1;
	_ =	strace $0x80000046;
	[dreg:$0x1] =	wrdreg $0xFFFFFFFF  }
0xa7: {  	s28 =	simm.s32 $_size_execute0_lowered;
	s2 =	sadd.s32 s2, s4;
	[dreg:$0x0] =	wrdreg $0x0  }
0xa8: {  	s4 =	sshll.u32 s28, $0x1;
	[dreg:$0x2] =	wrdreg s2  }
0xa9: {  	[dreg:$0x3] =	wrdreg s4  }
0xaa: {  	[dreg:$0x4] =	wrdreg $0xC0  }
0xab: {  	_ =	task [dreg:s6], $0x5FFFF  }
0xac: {  	[dreg:$0x1] =	wrdreg $0xFFFFFFFF  }
0xad: {  	[dreg:$0x0] =	wrdreg $0x60  }
0xae: {  	[dreg:$0x2] =	wrdreg s24  }
0xaf: {  	[dreg:$0x3] =	wrdreg $0x12000  }
0xb0: {  	[dreg:$0x4] =	wrdreg $0x9  }
0xb1: {  	_ =	task.clear_ibuf [dreg:s6], $0x5FFFF;
	_ =	strace $0x90000046  }
0xb2: {  	s29 =	simm.s32 $0x9;
	_ =	strace $0x80000048  }
0xb3: {  	_ =	swait.ge [sflag:s29], $0x1  }
0xb4: {  	[sflag:s29] =	ssyncadd.s32 $0xFFFFFFFF  }
0xb5: {  	_ =	strace $0x90000048  }
0xb6: {  	_ =	sfence  }
0xb7: {  	s30 =	sld [smem:$0x0];
	_ =	sdelay $0x2  }
0xb8: {  	s31 =	sshll.u32 s1, $0xD;
	s1 =	sshrl.u32 s1, $0x2  }
0xb9: {  	s3 =	sand.u32 $0x4000, s31;
	s1 =	sadd.s32 s1, s30  }
0xba: {  	s0 =	sor.u32 s3, s0;
	s1 =	sshll.u32 s1, $0x11  }
0xbb: {  	s0 =	sor.u32 s1, s0  }
0xbc: {  	s0 =	sadd.s32 $0x8F2B, s0  }
0xbd: {  	[sflag:s0] =	ssyncadd.remote.s32 $0x1  }
0xbe: {  	_ =	sfence.sel $0xFFFF  }
0xbf: {  	[dreg:$0x0] =	wrdreg $0xFFFFFFFF;
	(pc) =	sbr.abs _section_cstart, $3  }
0xc0: {  	[dreg:$0x1] =	wrdreg $0xFFFFFFFF  }
0xc1: {  	_ =	task.clear_ibuf [dreg:s6], $0x2FFFF;
	_ =	strace $0x9FFFFFFF  }
0xc2: {  	(tm) =	ssettm $0x7FFFFFFF  }
0xc3: {  	_ =	shalt  }
tec
execute0_lowered:
.L_overlay_start_1:
0x0: {  	(tag) =	ssettag $0x1  }
0x1: {  	s0 =	rddreg [dreg:$0x0]  }
0x2: {  	s2 =	rddreg [dreg:$0x1];
	s12 =	stileid.u32;
	s3 =	simm.s32 $0x0  }
0x3: {  	s4 =	srdreg.scid;
	s19 =	simm.s32 $0x3;
	s30 =	simm.s32 $0x2  }
0x4: {  	s1 =	smul.u32 $0x186A0, s12;
	[smem:$0x7FF] =	sst s3;
	s7 =	sand.u32 $0x1, s4  }
0x5: {  	s20 =	sshll.u32 s12, $0x1;
	s4 =	sadd.s32 $0x32E00, s0;
	s6 =	sadd.s32 $0x4CE00, s0  }
0x6: {  	s22 =	sshll.u32 s12, $0x6;
	_ =	strace $0x80000047;
	s9 =	sor.u32 s7, s20  }
0x7: {  	s7 =	ssub.s32 $0x2, s7;
	s23 =	sor.u32 $0x1C03, s22;
	s5 =	sshrl.u32 s1, $0x4  }
0x8: {  	s10 =	sshll.u32 s9, $0x1;
	s21 =	sshrl.u32 s7, $0x1;
	s1 =	sshrl.u32 s1, $0x1  }
0x9: {  	s11 =	smul.u32 $0xD00, s9;
	[dreg:$0x4] =	wrdreg s23;
	s8 =	sadd.s32 s5, s0  }
0xa: {  	s15 =	smul.u32 $0x6800, s9;
	s5 =	sadd.s32 $0x18E00, s0;
	s8 =	sadd.s32 $0x600, s8  }
0xb: {  	s0 =	sadd.s32 s10, s0;
	s24 =	sadd.s32 s4, s11;
	[dreg:$0x3] =	wrdreg s8  }
0xc: {  	s7 =	ssub.s32 s7, s21;
	s25 =	sadd.s32 s5, s11;
	[dreg:$0x5] =	wrdreg s24  }
0xd: {  	s1 =	sadd.s32 s1, s2;
	s26 =	sadd.s32 s6, s11;
	[dreg:$0x6] =	wrdreg s25  }
0xe: {  	s28 =	sor.u32 $0x40, s11;
	s0 =	sadd.s32 $0x66E00, s0;
	[dreg:$0x7] =	wrdreg s26  }
0xf: {  	s17 =	smax.u32 s7, $0x1;
	s29 =	sadd.s32 s4, s28;
	[dreg:$0xb] =	wrdreg s0  }
0x10: {  	s18 =	sshrl.u32 s1, $0x3;
	s31 =	sadd.s32 s5, s28;
	[dreg:$0x8] =	wrdreg s29  }
0x11: {  	s8 =	sadd.s32 s6, s28;
	s24 =	simm.s32 $0x1;
	[dreg:$0x9] =	wrdreg s31  }
0x12: {  	s25 =	simm.s32 $0x80;
	s0 =	simm.s32 $0x0;
	[dreg:$0xa] =	wrdreg s8  }
.LBB2_1:
0x13: {  	s1 =	rddreg [dreg:$0x3]  }
0x14: {  	s7 =	rddreg [dreg:$0x4]  }
0x15: {  	[spmem:s18], [sflag:s7] =	dma.local [hbm:s1], $0x186A  }
0x16: {  	_ =	swait.ge [sflag:s19], $0x186A  }
0x17: {  	[sflag:s19] =	ssyncset.done $0x0  }
0x18: {  	s22 =	rddreg [dreg:$0x5];
	[sflag:s19] =	ssyncadd.s32 $0xFFFFE796  }
0x19: {  	[tilespmem:s3], [sflag:$0x1] =	stream.linear.gather [hbm4b:s22+s3], $0x200, $0x38;
	[tilespmem:$0x15560] =	vst v63  }
0x1a: {  	s8 =	simm.s32 $0x600;
	s23 =	rddreg [dreg:$0x6]  }
0x1b: {  	[tilespmem:s8], [sflag:$0x1] =	stream.linear.gather [hbm4b:s23+s3], $0x200, $0x38;
	[tilespmem:$0x15560] =	vst v63  }
0x1c: {  	s1 =	simm.s32 $0xC00;
	s26 =	rddreg [dreg:$0x7]  }
0x1d: {  	[tilespmem:s1], [sflag:$0x1] =	stream.linear.gather [hbm4b:s26+s3], $0x200, $0x38;
	[tilespmem:$0x15560] =	vst v63  }
0x1e: {  	s9 =	simm.s32 $0x200;
	s28 =	rddreg [dreg:$0x8]  }
0x1f: {  	[tilespmem:s9], [sflag:$0x1] =	stream.linear.gather [hbm4b:s28+s3], $0x200, $0x38;
	[tilespmem:$0x15560] =	vst v63  }
0x20: {  	s31 =	simm.s32 $0x800;
	s29 =	rddreg [dreg:$0x9]  }
0x21: {  	[tilespmem:s31], [sflag:$0x1] =	stream.linear.gather [hbm4b:s29+s3], $0x200, $0x38;
	[tilespmem:$0x15560] =	vst v63  }
0x22: {  	s10 =	simm.s32 $0xE00;
	s9 =	rddreg [dreg:$0xa]  }
0x23: {  	[tilespmem:s10], [sflag:$0x1] =	stream.linear.gather [hbm4b:s9+s3], $0x200, $0x38;
	[tilespmem:$0x15560] =	vst v63  }
0x24: {  	[bflag:$0x0] =	sbarrier.arrive $0xFFFF  }
0x25: {  	_ =	swait.ge [sflag:s24], $0x200  }
0x26: {  	[sflag:s24] =	ssyncset.done $0x0  }
0x27: {  	[sflag:s24] =	ssyncadd.s32 $0xFFFFFE00  }
0x28: {  	_ =	swait.ge [sflag:s24], $0x200  }
0x29: {  	[sflag:s24] =	ssyncset.done $0x0  }
0x2a: {  	[sflag:s24] =	ssyncadd.s32 $0xFFFFFE00  }
0x2b: {  	_ =	swait.ge [sflag:s24], $0x200  }
0x2c: {  	[sflag:s24] =	ssyncset.done $0x0  }
0x2d: {  	s11 =	simm.s32 $0xD550;
	[sflag:s24] =	ssyncadd.s32 $0xFFFFFE00  }
0x2e: {  	[tilespmem:s11], [sflag:$0x2] =	stream.indirect.gather [spmem:s2], $0x10, s3, s25, $0xb8;
	[tilespmem:$0x15560] =	vst v63  }
0x2f: {  	s12 =	simm.s32 $0x11550  }
0x30: {  	[tilespmem:s12], [sflag:$0x2] =	stream.indirect.gather [spmem:s2], $0x10, s8, s25, $0xb8;
	[tilespmem:$0x15560] =	vst v63  }
0x31: {  	s13 =	simm.s32 $0xDD50  }
0x32: {  	[tilespmem:s13], [sflag:$0x2] =	stream.indirect.gather [spmem:s2], $0x10, s25, s25, $0xb8;
	[tilespmem:$0x15560] =	vst v63  }
0x33: {  	s14 =	simm.s32 $0x680;
	s16 =	simm.s32 $0x11D50;
	s20 =	simm.s32 $0x100  }
0x34: {  	[tilespmem:s16], [sflag:$0x2] =	stream.indirect.gather [spmem:s2], $0x10, s14, s25, $0xb8;
	[tilespmem:$0x15560] =	vst v63  }
0x35: {  	s21 =	simm.s32 $0xE550;
	p0 =	por $0x0, $0x0;
	s22 =	simm.s32 $0x700  }
0x36: {  	[tilespmem:s21], [sflag:$0x2] =	stream.indirect.gather [spmem:s2], $0x10, s20, s25, $0xb8;
	[tilespmem:$0x15560] =	vst v63  }
0x37: {  	s23 =	simm.s32 $0x12550;
	s26 =	simm.s32 $0x180;
	s28 =	simm.s32 $0xED50  }
0x38: {  	[tilespmem:s23], [sflag:$0x2] =	stream.indirect.gather [spmem:s2], $0x10, s22, s25, $0xb8;
	[tilespmem:$0x15560] =	vst v63  }
0x39: {  	s29 =	simm.s32 $0x780;
	s31 =	simm.s32 $0x12D50;
	s21 =	simm.s32 $0xC80  }
0x3a: {  	[tilespmem:s28], [sflag:$0x2] =	stream.indirect.gather [spmem:s2], $0x10, s26, s25, $0xb8;
	[tilespmem:$0x15560] =	vst v63  }
0x3b: {  	v1 =	vimm.f32 $0.0e+00;
	s22 =	simm.s32 $0xD00;
	s23 =	simm.s32 $0xD80;
	s26 =	simm.s32 $0x0  }
0x3c: {  	v0 =	vimm.f32 $0.0e+00;
	v10 =	vimm.f32 $0.0e+00;
	v8 =	vimm.f32 $0.0e+00;
	[tilespmem:s31], [sflag:$0x2] =	stream.indirect.gather [spmem:s2], $0x10, s29, s25, $0xb8;
	[tilespmem:$0x15560] =	vst v63  }
.LBB2_3:
0x3d: {  	s7 =	smul.u32 $0xAB, s26;
	_ =	sdelay $0x1  }
0x3e: {  	s8 =	sadd.s32 $0x156, s7  }
0x3f: {  	s9 =	sadd.s32 $0x2, s26;
	s8 =	sshrl.u32 s8, $0x9  }
0x40: {  	s10 =	sadd.s32 $0xFFFFFFCE, s26;
	p1 =	slt.u32 s26, $0x32;
	s8 =	sand.u32 $0x7F, s8  }
0x41: {  	s10 =	smov.u32 @p1 s9;
	s8 =	smul.u32 $0x3, s8  }
0x42: {  	s10 =	sshll.u32 s10, $0x9  }
0x43: {  	s14 =	sadd.s32 s15, s10;
	s8 =	ssub.s32 s9, s8  }
0x44: {  	s9 =	sshrl.u32 s14, $0x3;
	s8 =	sand.u32 $0xFF, s8  }
0x45: {  	s11 =	simm.s32 $0x0;
	s16 =	sadd.s32 s4, s9;
	s8 =	sshll.u32 s8, $0x9  }
0x46: {  	[tilespmem:s8], [sflag:$0x1] =	stream.linear.gather [hbm4b:s16+s11], $0x200, $0x38;
	[tilespmem:$0x15560] =	vst v63  }
0x47: {  	s12 =	sadd.s32 s5, s9;
	s20 =	sadd.s32 $0x600, s8  }
0x48: {  	[tilespmem:s20], [sflag:$0x1] =	stream.linear.gather [hbm4b:s12+s11], $0x200, $0x38;
	[tilespmem:$0x15560] =	vst v63  }
0x49: {  	s9 =	sadd.s32 s6, s9;
	s8 =	sadd.s32 $0xC00, s8  }
0x4a: {  	[tilespmem:s8], [sflag:$0x1] =	stream.linear.gather [hbm4b:s9+s11], $0x200, $0x38;
	[tilespmem:$0x15560] =	vst v63  }
0x4b: {  	_ =	swait.ge [sflag:s24], $0x200  }
0x4c: {  	s7 =	sadd.s32 $0xAB, s7;
	[sflag:s24] =	ssyncset.done $0x0  }
0x4d: {  	s13 =	sshrl.u32 s7, $0x9;
	[sflag:s24] =	ssyncadd.s32 $0xFFFFFE00  }
0x4e: {  	s7 =	smulhi.u32 $0xAAAAAAAB, s26;
	s8 =	sand.u32 $0x7F, s13;
	_ =	swait.ge [sflag:s24], $0x200  }
0x4f: {  	s26 =	sadd.s32 $0x1, s26;
	s8 =	smul.u32 $0x3, s8;
	[sflag:s24] =	ssyncset.done $0x0  }
0x50: {  	s14 =	sshll.u32 s26, $0xE;
	[sflag:s24] =	ssyncadd.s32 $0xFFFFFE00  }
0x51: {  	s9 =	sand.u32 $0x4000, s14;
	s8 =	ssub.s32 s26, s8;
	_ =	swait.ge [sflag:s24], $0x200  }
0x52: {  	s16 =	sshrl.u32 s9, $0x1;
	s8 =	sand.u32 $0xFF, s8;
	[sflag:s24] =	ssyncset.done $0x0  }
0x53: {  	s20 =	sor.u32 $0xD550, s16;
	s8 =	sshll.u32 s8, $0x9;
	[sflag:s24] =	ssyncadd.s32 $0xFFFFFE00  }
0x54: {  	[tilespmem:s20], [sflag:$0x2] =	stream.indirect.gather [spmem:s2], $0x10, s8, s25, $0xb8;
	[tilespmem:$0x15560] =	vst v63  }
0x55: {  	s13 =	sor.u32 $0x1000, s9;
	s10 =	sor.u32 $0x11550, s16;
	s12 =	sadd.s32 $0x600, s8  }
0x56: {  	[tilespmem:s10], [sflag:$0x2] =	stream.indirect.gather [spmem:s2], $0x10, s12, s25, $0xb8;
	[tilespmem:$0x15560] =	vst v63  }
0x57: {  	s10 =	sshrl.u32 s13, $0x1  }
0x58: {  	s16 =	sor.u32 $0x80, s8;
	s14 =	sor.u32 $0xD550, s10  }
0x59: {  	[tilespmem:s14], [sflag:$0x2] =	stream.indirect.gather [spmem:s2], $0x10, s16, s25, $0xb8;
	[tilespmem:$0x15560] =	vst v63  }
0x5a: {  	s11 =	sor.u32 $0x2000, s9;
	s20 =	sadd.s32 $0x680, s8;
	s10 =	sor.u32 $0x11550, s10  }
0x5b: {  	[tilespmem:s10], [sflag:$0x2] =	stream.indirect.gather [spmem:s2], $0x10, s20, s25, $0xb8;
	[tilespmem:$0x15560] =	vst v63  }
0x5c: {  	s10 =	sshrl.u32 s11, $0x1  }
0x5d: {  	s9 =	sor.u32 $0x3000, s9;
	s13 =	sor.u32 $0x100, s8;
	s12 =	sadd.s32 $0xD550, s10  }
0x5e: {  	[tilespmem:s12], [sflag:$0x2] =	stream.indirect.gather [spmem:s2], $0x10, s13, s25, $0xb8;
	[tilespmem:$0x15560] =	vst v63  }
0x5f: {  	s9 =	sshrl.u32 s9, $0x1;
	s14 =	sadd.s32 $0x700, s8;
	s10 =	sadd.s32 $0x11550, s10  }
0x60: {  	[tilespmem:s10], [sflag:$0x2] =	stream.indirect.gather [spmem:s2], $0x10, s14, s25, $0xb8;
	[tilespmem:$0x15560] =	vst v63  }
0x61: {  	s16 =	sadd.s32 $0xD550, s9;
	s20 =	sor.u32 $0x180, s8  }
0x62: {  	[tilespmem:s16], [sflag:$0x2] =	stream.indirect.gather [spmem:s2], $0x10, s20, s25, $0xb8;
	[tilespmem:$0x15560] =	vst v63  }
0x63: {  	s9 =	sadd.s32 $0x11550, s9;
	s8 =	sadd.s32 $0x780, s8  }
0x64: {  	[tilespmem:s9], [sflag:$0x2] =	stream.indirect.gather [spmem:s2], $0x10, s8, s25, $0xb8;
	[tilespmem:$0x15560] =	vst v63  }
0x65: {  	_ =	swait.ge [sflag:s30], $0x800  }
0x66: {  	[sflag:s30] =	ssyncset.done $0x0  }
0x67: {  	[sflag:s30] =	ssyncadd.s32 $0xFFFFF800  }
0x68: {  	_ =	swait.ge [sflag:s30], $0x800  }
0x69: {  	[sflag:s30] =	ssyncset.done $0x0  }
0x6a: {  	[sflag:s30] =	ssyncadd.s32 $0xFFFFF800  }
0x6b: {  	_ =	swait.ge [sflag:s30], $0x800  }
0x6c: {  	[sflag:s30] =	ssyncset.done $0x0  }
0x6d: {  	[sflag:s30] =	ssyncadd.s32 $0xFFFFF800  }
0x6e: {  	_ =	swait.ge [sflag:s30], $0x800  }
0x6f: {  	[sflag:s30] =	ssyncset.done $0x0  }
0x70: {  	[sflag:s30] =	ssyncadd.s32 $0xFFFFF800  }
0x71: {  	_ =	swait.ge [sflag:s30], $0x800  }
0x72: {  	[sflag:s30] =	ssyncset.done $0x0  }
0x73: {  	[sflag:s30] =	ssyncadd.s32 $0xFFFFF800  }
0x74: {  	_ =	swait.ge [sflag:s30], $0x800  }
0x75: {  	s8 =	simm.s32 $0x1;
	[sflag:s30] =	ssyncset.done $0x0  }
0x76: {  	s8 =	simm.s32 @!p0 $0x0;
	[sflag:s30] =	ssyncadd.s32 $0xFFFFF800  }
0x77: {  	s12 =	sshll.u32 s8, $0xD;
	_ =	swait.ge [sflag:s30], $0x800  }
0x78: {  	s7 =	sshrl.u32 s7, $0x1;
	s8 =	sor.u32 $0x115D0, s12;
	[sflag:s30] =	ssyncset.done $0x0  }
0x79: {  	s7 =	smul.u32 $0xFFFFE800, s7;
	v2 =	vmov s8;
	[sflag:s30] =	ssyncadd.s32 $0xFFFFF800  }
0x7a: {  	_ =	swait.ge [sflag:s30], $0x800  }
0x7b: {  	s14 =	sshra.s32 s7, $0x2;
	s16 =	sor.u32 $0xD5D0, s12;
	[sflag:s30] =	ssyncset.done $0x0  }
0x7c: {  	s13 =	sadd.s32 s14, s1;
	v3 =	vmov s16;
	[sflag:s30] =	ssyncadd.s32 $0xFFFFF800  }
0x7d: {  	s20 =	simm.s32 $0x0;
	v16 =	vld [tilespmem:s13+$0x0]  }
0x7e: {  	v4 =	vld.idx.msk [tilespmem:v2+s20+$0x40 ss:$0x1], $0xffff  }
0x7f: {  	v5 =	vld.idx.msk [tilespmem:v2+s20+$0x50 ss:$0x1], $0xffff  }
0x80: {  	v17 =	vld.idx.msk [tilespmem:v2+s20+$0x60 ss:$0x1], $0xffff  }
0x81: {  	v6 =	vld.idx.msk [tilespmem:v3+s20+$0x40 ss:$0x1], $0xffff  }
0x82: {  	v23 =	vld.idx.msk [tilespmem:v2+s20+$0xFFFFFFA0 ss:$0x1], $0xffff  }
0x83: {  	v20 =	vld.idx.msk [tilespmem:v2+s20+$0xFFFFFFE0 ss:$0x1], $0xffff  }
0x84: {  	v7 =	vld.idx.msk [tilespmem:v2+s20+$0x70 ss:$0x1], $0xffff  }
0x85: {  	v21 =	vld.idx.msk [tilespmem:v2+s20+$0xFFFFFF80 ss:$0x1], $0xffff  }
0x86: {  	v9 =	vld.idx.msk [tilespmem:v3+s20+$0x50 ss:$0x1], $0xffff  }
0x87: {  	v24 =	vld.idx.msk [tilespmem:v2+s20+$0x30 ss:$0x1], $0xffff  }
0x88: {  	v25 =	vld.idx.msk [tilespmem:v2+s20+$0xFFFFFFB0 ss:$0x1], $0xffff  }
0x89: {  	v14 =	vld.idx.msk [tilespmem:v3+s20+$0x0 ss:$0x1], $0xffff  }
0x8a: {  	v18 =	vld.idx.msk [tilespmem:v3+s20+$0x70 ss:$0x1], $0xffff  }
0x8b: {  	v19 =	vld.idx.msk [tilespmem:v2+s20+$0x0 ss:$0x1], $0xffff  }
0x8c: {  	v22 =	vld.idx.msk [tilespmem:v3+s20+$0xFFFFFFE0 ss:$0x1], $0xffff  }
0x8d: {  	v26 =	vld.idx.msk [tilespmem:v3+s20+$0xFFFFFF80 ss:$0x1], $0xffff  }
0x8e: {  	v32 =	vld.idx.msk [tilespmem:v2+s20+$0xFFFFFF90 ss:$0x1], $0xffff;
	v11 =	vmul.bf16 v4, v6  }
0x8f: {  	v34 =	vld.idx.msk [tilespmem:v3+s20+$0xFFFFFF90 ss:$0x1], $0xffff;
	v6 =	vbroadcast v16, $0x2;
	v27 =	vbroadcast v16, $0x0  }
0x90: {  	v35 =	vld.idx.msk [tilespmem:v3+s20+$0x60 ss:$0x1], $0xffff;
	v28 =	vbroadcast v16, $0x6;
	v15 =	vbroadcast v16, $0x3  }
0x91: {  	v37 =	vld.idx.msk [tilespmem:v2+s20+$0xFFFFFFD0 ss:$0x1], $0xffff;
	v4 =	vbroadcast v16, $0x7;
	v31 =	vbroadcast v16, $0xB  }
0x92: {  	v38 =	vld.idx.msk [tilespmem:v3+s20+$0xFFFFFFD0 ss:$0x1], $0xffff;
	v29 =	vmul.bf16 v5, v9;
	v9 =	vbroadcast v16, $0x5  }
0x93: {  	v40 =	vld.idx.msk [tilespmem:v3+s20+$0xFFFFFFB0 ss:$0x1], $0xffff;
	v30 =	vbroadcast v16, $0xF;
	v33 =	vbroadcast v16, $0x1  }
0x94: {  	v42 =	vld.idx.msk [tilespmem:v3+s20+$0x30 ss:$0x1], $0xffff;
	v13 =	vbroadcast v16, $0x4;
	v5 =	vbroadcast v16, $0xD  }
0x95: {  	v50 =	vld.idx.msk [tilespmem:v3+s20+$0xFFFFFFA0 ss:$0x1], $0xffff;
	v36 =	vmul.bf16 v7, v18;
	v18 =	vmul.bf16 v19, v14  }
0x96: {  	v14 =	vbroadcast v16, $0xE;
	v32 =	vmul.bf16 v32, v34  }
0x97: {  	v26 =	vmul.bf16 v21, v26;
	v21 =	vmul.bf16 v17, v35  }
0x98: {  	v52 =	vmul.bf16 v20, v22;
	v22 =	vmul.bf16 v37, v38  }
0x99: {  	v25 =	vmul.bf16 v25, v40;
	v24 =	vmul.bf16 v24, v42  }
0x9a: {  	v34 =	vmul.bf16 v23, v50;
	v12 =	vunpack.i.u.bf16.f32 v11;
	v11 =	vunpack.i.l.bf16.f32 v11  }
0x9b: {  	v19 =	vunpack.i.u.bf16.f32 v18;
	v39 =	vunpack.i.l.bf16.f32 v18;
	v41 =	vunpack.i.u.bf16.f32 v36  }
0x9c: {  	v18 =	vbroadcast v16, $0xA;
	v36 =	vunpack.i.l.bf16.f32 v36;
	v51 =	vunpack.i.u.bf16.f32 v32  }
0x9d: {  	v54 =	vld.idx.msk [tilespmem:v2+s20+$0xFFFFFFC0 ss:$0x1], $0xffff;
	v20 =	vunpack.i.u.bf16.f32 v21;
	v53 =	vunpack.i.l.bf16.f32 v26;
	v21 =	vunpack.i.l.bf16.f32 v21  }
0x9e: {  	v56 =	vld.idx.msk [tilespmem:v3+s20+$0x20 ss:$0x1], $0xffff;
	v55 =	vunpack.i.u.bf16.f32 v26;
	v26 =	vunpack.i.l.bf16.f32 v32;
	v23 =	vunpack.i.u.bf16.f32 v25  }
0x9f: {  	v57 =	vld.idx.msk [tilespmem:v2+s20+$0xFFFFFFF0 ss:$0x1], $0xffff;
	v25 =	vunpack.i.l.bf16.f32 v25;
	v58 =	vunpack.i.u.bf16.f32 v52;
	v60 =	vunpack.i.l.bf16.f32 v24  }
0xa0: {  	v59 =	vld.idx.msk [tilespmem:v3+s20+$0xFFFFFFF0 ss:$0x1], $0xffff;
	v24 =	vunpack.i.u.bf16.f32 v24;
	v12 =	vadd.f32 v11, v12;
	v11 =	vunpack.i.u.bf16.f32 v29  }
0xa1: {  	v61 =	vld.idx.msk [tilespmem:v2+s20+$0x10 ss:$0x1], $0xffff;
	v29 =	vunpack.i.l.bf16.f32 v29;
	v39 =	vadd.f32 v39, v19;
	v36 =	vadd.f32 v36, v41  }
0xa2: {  	v43 =	vld.idx.msk [tilespmem:v3+s20+$0x10 ss:$0x1], $0xffff;
	v19 =	vbroadcast v16, $0xC;
	v7 =	vadd.f32 v29, v11;
	v29 =	vbroadcast v16, $0x8  }
0xa3: {  	v35 =	vadd.f32 v26, v51;
	v41 =	vunpack.i.l.bf16.f32 v52;
	v17 =	vmul.f32 v36, v30;
	v30 =	vld.idx.msk [tilespmem:v2+s20+$0x20 ss:$0x1], $0xffff  }
0xa4: {  	v24 =	vadd.f32 v60, v24;
	v11 =	vbroadcast v16, $0x9;
	v16 =	vmul.f32 v39, v29;
	v29 =	vld.idx.msk [tilespmem:v3+s20+$0xFFFFFFC0 ss:$0x1], $0xffff  }
0xa5: {  	v62 =	vunpack.i.l.bf16.f32 v34;
	v26 =	vadd.f32 v25, v23;
	v23 =	vadd.f32 v41, v58  }
0xa6: {  	v33 =	vmul.f32 v35, v33;
	v36 =	vadd.f32 v53, v55;
	v24 =	vmul.f32 v24, v31  }
0xa7: {  	v63 =	vunpack.i.u.bf16.f32 v34;
	v31 =	vmul.bf16 v61, v43;
	v23 =	vmul.f32 v23, v28  }
0xa8: {  	s28 =	sadd.s32 s14, s23;
	s9 =	sadd.s32 s14, s21;
	v25 =	vunpack.i.l.bf16.f32 v22;
	v36 =	vmul.f32 v36, v27;
	v28 =	vmul.bf16 v30, v56  }
0xa9: {  	s29 =	sadd.s32 $0x12D50, s12;
	s31 =	sadd.s32 $0xED50, s12;
	s7 =	sadd.s32 $0x12550, s12;
	v10 =	vadd.f32 v33, v10;
	v30 =	vmul.bf16 v57, v59;
	v37 =	vmul.bf16 v54, v29  }
0xaa: {  	s10 =	sor.u32 $0x11D50, s12;
	s11 =	sor.u32 $0xDD50, s12;
	s8 =	sadd.s32 $0xE550, s12;
	v27 =	vadd.f32 v62, v63;
	v8 =	vadd.f32 v36, v8;
	v34 =	vunpack.i.u.bf16.f32 v28  }
0xab: {  	s12 =	simm.s32 $0x400;
	s13 =	sadd.s32 $0x10, s13;
	s20 =	sadd.s32 s14, s22;
	v32 =	vunpack.i.l.bf16.f32 v30;
	v29 =	vunpack.i.l.bf16.f32 v37;
	v33 =	vunpack.i.u.bf16.f32 v37  }
.LBB2_4:
0xac: {  	v35 =	vld [tilespmem:s13+$0x0];
	s14 =	sshra.s32 s12, $0x2;
	p1 =	sne.s32 s12, $0x1C00;
	s12 =	sadd.s32 $0x400, s12;
	v15 =	vmul.f32 v26, v15;
	v22 =	vunpack.i.u.bf16.f32 v22;
	v26 =	vunpack.i.l.bf16.f32 v28  }
0xad: {  	v29 =	vadd.f32 v29, v33;
	v28 =	vld.idx.msk [tilespmem:v2+s14+$0x40 ss:$0x1], $0xffff;
	v26 =	vadd.f32 v26, v34  }
0xae: {  	v33 =	vld.idx.msk [tilespmem:v2+s14+$0x50 ss:$0x1], $0xffff;
	v1 =	vadd.f32 v15, v1;
	v15 =	vunpack.i.u.bf16.f32 v30;
	v30 =	vunpack.i.l.bf16.f32 v31  }
0xaf: {  	v31 =	vunpack.i.u.bf16.f32 v31;
	v34 =	vld.idx.msk [tilespmem:v2+s14+$0x60 ss:$0x1], $0xffff;
	v15 =	vadd.f32 v32, v15;
	v18 =	vmul.f32 v26, v18  }
0xb0: {  	v6 =	vmul.f32 v27, v6;
	v22 =	vadd.f32 v25, v22;
	v26 =	vld.idx.msk [tilespmem:v3+s14+$0x40 ss:$0x1], $0xffff  }
0xb1: {  	v12 =	vmul.f32 v12, v19;
	v19 =	vadd.f32 v21, v20;
	v25 =	vld.idx.msk [tilespmem:v2+s14+$0xFFFFFFA0 ss:$0x1], $0xffff  }
0xb2: {  	v0 =	vadd.f32 v6, v0;
	v6 =	vmul.f32 v29, v13;
	v9 =	vmul.f32 v22, v9;
	v20 =	vld.idx.msk [tilespmem:v2+s14+$0xFFFFFFE0 ss:$0x1], $0xffff  }
0xb3: {  	v13 =	vadd.f32 v30, v31;
	v4 =	vmul.f32 v15, v4;
	v21 =	vld.idx.msk [tilespmem:v2+s14+$0x70 ss:$0x1], $0xffff  }
0xb4: {  	v0 =	vadd.f32 v23, v0;
	v9 =	vadd.f32 v9, v10;
	v10 =	vmul.f32 v19, v14;
	v22 =	vld.idx.msk [tilespmem:v2+s14+$0xFFFFFF80 ss:$0x1], $0xffff  }
0xb5: {  	v8 =	vadd.f32 v6, v8;
	v1 =	vadd.f32 v4, v1;
	v4 =	vmul.f32 v13, v11;
	v14 =	vld.idx.msk [tilespmem:v3+s14+$0x50 ss:$0x1], $0xffff  }
0xb6: {  	v0 =	vadd.f32 v18, v0;
	v11 =	vmul.bf16 v28, v26;
	v23 =	vld.idx.msk [tilespmem:v2+s14+$0x30 ss:$0x1], $0xffff  }
0xb7: {  	v5 =	vmul.f32 v7, v5;
	v4 =	vadd.f32 v4, v9;
	v1 =	vadd.f32 v24, v1;
	v26 =	vld.idx.msk [tilespmem:v2+s14+$0xFFFFFFB0 ss:$0x1], $0xffff  }
0xb8: {  	v6 =	vbroadcast v35, $0x2;
	v8 =	vadd.f32 v16, v8;
	v7 =	vunpack.i.u.bf16.f32 v11;
	v24 =	vld.idx.msk [tilespmem:v3+s14+$0xFFFFFFE0 ss:$0x1], $0xffff  }
0xb9: {  	v27 =	vbroadcast v35, $0x0;
	v28 =	vbroadcast v35, $0x6;
	v1 =	vadd.f32 v17, v1;
	v16 =	vld.idx.msk [tilespmem:v3+s14+$0x0 ss:$0x1], $0xffff  }
0xba: {  	v15 =	vbroadcast v35, $0x3;
	v29 =	vadd.f32 v5, v4;
	v17 =	vld.idx.msk [tilespmem:v3+s14+$0x70 ss:$0x1], $0xffff  }
0xbb: {  	v8 =	vadd.f32 v12, v8;
	v4 =	vbroadcast v35, $0x7;
	v5 =	vunpack.i.l.bf16.f32 v11;
	v18 =	vld.idx.msk [tilespmem:v2+s14+$0x0 ss:$0x1], $0xffff  }
0xbc: {  	v31 =	vbroadcast v35, $0xB;
	v0 =	vadd.f32 v10, v0;
	v11 =	vmul.bf16 v33, v14;
	v30 =	vld.idx.msk [tilespmem:v3+s14+$0xFFFFFF80 ss:$0x1], $0xffff  }
0xbd: {  	v32 =	vbroadcast v35, $0xF;
	v9 =	vbroadcast v35, $0x5;
	v12 =	vadd.f32 v5, v7;
	v10 =	vld.idx.msk [tilespmem:v2+s14+$0xFFFFFFD0 ss:$0x1], $0xffff  }
0xbe: {  	v33 =	vbroadcast v35, $0x1;
	v5 =	vunpack.i.u.bf16.f32 v11;
	v7 =	vunpack.i.l.bf16.f32 v11;
	v19 =	vld.idx.msk [tilespmem:v2+s14+$0xFFFFFF90 ss:$0x1], $0xffff  }
0xbf: {  	v13 =	vbroadcast v35, $0x4;
	v7 =	vadd.f32 v7, v5;
	v36 =	vld.idx.msk [tilespmem:v3+s14+$0xFFFFFF90 ss:$0x1], $0xffff  }
0xc0: {  	v5 =	vbroadcast v35, $0xD;
	v17 =	vmul.bf16 v21, v17;
	v37 =	vld.idx.msk [tilespmem:v3+s14+$0x60 ss:$0x1], $0xffff  }
0xc1: {  	v11 =	vbroadcast v35, $0x9;
	v16 =	vmul.bf16 v18, v16;
	v21 =	vld.idx.msk [tilespmem:v3+s14+$0xFFFFFFD0 ss:$0x1], $0xffff  }
0xc2: {  	v39 =	vbroadcast v35, $0x8;
	v14 =	vbroadcast v35, $0xE;
	v40 =	vunpack.i.u.bf16.f32 v17;
	v38 =	vld.idx.msk [tilespmem:v3+s14+$0xFFFFFFB0 ss:$0x1], $0xffff  }
0xc3: {  	v18 =	vbroadcast v35, $0xA;
	v42 =	vunpack.i.u.bf16.f32 v16;
	v16 =	vunpack.i.l.bf16.f32 v16;
	v41 =	vld.idx.msk [tilespmem:v3+s14+$0xFFFFFFC0 ss:$0x1], $0xffff  }
0xc4: {  	v17 =	vunpack.i.l.bf16.f32 v17;
	v16 =	vadd.f32 v16, v42;
	v42 =	vld.idx.msk [tilespmem:v3+s14+$0x30 ss:$0x1], $0xffff  }
0xc5: {  	v17 =	vadd.f32 v17, v40;
	v36 =	vmul.bf16 v19, v36;
	v19 =	vbroadcast v35, $0xC;
	v43 =	vld.idx.msk [tilespmem:v3+s14+$0xFFFFFFA0 ss:$0x1], $0xffff  }
0xc6: {  	v30 =	vmul.bf16 v22, v30;
	v34 =	vmul.bf16 v34, v37  }
0xc7: {  	v24 =	vmul.bf16 v20, v24;
	v16 =	vmul.f32 v16, v39;
	v35 =	vunpack.i.u.bf16.f32 v36  }
0xc8: {  	v17 =	vmul.f32 v17, v32;
	v22 =	vmul.bf16 v10, v21;
	v20 =	vunpack.i.u.bf16.f32 v34;
	v37 =	vld.idx.msk [tilespmem:v2+s14+$0x20 ss:$0x1], $0xffff  }
0xc9: {  	v10 =	vunpack.i.l.bf16.f32 v30;
	v26 =	vmul.bf16 v26, v38;
	v21 =	vunpack.i.l.bf16.f32 v34;
	v32 =	vld.idx.msk [tilespmem:v2+s14+$0xFFFFFFC0 ss:$0x1], $0xffff  }
0xca: {  	v30 =	vunpack.i.u.bf16.f32 v30;
	v34 =	vunpack.i.l.bf16.f32 v36;
	v23 =	vmul.bf16 v23, v42;
	v36 =	vld.idx.msk [tilespmem:v3+s14+$0x20 ss:$0x1], $0xffff  }
0xcb: {  	v34 =	vadd.f32 v34, v35;
	v35 =	vmul.bf16 v25, v43;
	v25 =	vunpack.i.u.bf16.f32 v26;
	v38 =	vld.idx.msk [tilespmem:v2+s14+$0xFFFFFFF0 ss:$0x1], $0xffff  }
0xcc: {  	v39 =	vunpack.i.u.bf16.f32 v24;
	v24 =	vunpack.i.l.bf16.f32 v24;
	v26 =	vunpack.i.l.bf16.f32 v26;
	v40 =	vld.idx.msk [tilespmem:v3+s14+$0xFFFFFFF0 ss:$0x1], $0xffff  }
0xcd: {  	v24 =	vadd.f32 v24, v39;
	v26 =	vadd.f32 v26, v25;
	v42 =	vunpack.i.l.bf16.f32 v23;
	v39 =	vld.idx.msk [tilespmem:v2+s14+$0x10 ss:$0x1], $0xffff  }
0xce: {  	v33 =	vmul.f32 v34, v33;
	v44 =	vunpack.i.u.bf16.f32 v23;
	v34 =	vunpack.i.l.bf16.f32 v35;
	v43 =	vld.idx.msk [tilespmem:v3+s14+$0x10 ss:$0x1], $0xffff  }
0xcf: {  	v25 =	vunpack.i.l.bf16.f32 v22;
	v23 =	vmul.f32 v24, v28;
	v32 =	vmul.bf16 v32, v41  }
.Ltmp0:
0xd0: {  	v24 =	vadd.f32 v10, v30;
	v10 =	vadd.f32 v33, v29;
	v28 =	vmul.bf16 v37, v36;
	(pc) =	sbr.rel @p1 .LBB2_4-.Ltmp0, $4  }
0xd1: {  	v35 =	vunpack.i.u.bf16.f32 v35;
	v36 =	vadd.f32 v42, v44;
	v29 =	vunpack.i.l.bf16.f32 v32  }
0xd2: {  	v37 =	vmul.f32 v24, v27;
	v33 =	vunpack.i.u.bf16.f32 v32;
	v30 =	vmul.bf16 v38, v40  }
0xd3: {  	v27 =	vadd.f32 v34, v35;
	v34 =	vunpack.i.u.bf16.f32 v28;
	v24 =	vmul.f32 v36, v31  }
0xd4: {  	s13 =	sadd.s32 $0x10, s13;
	v8 =	vadd.f32 v37, v8;
	v32 =	vunpack.i.l.bf16.f32 v30;
	v31 =	vmul.bf16 v39, v43  }
0xd5: {  	v3 =	vmul.f32 v26, v15;
	v15 =	vunpack.i.l.bf16.f32 v28;
	v26 =	vadd.f32 v29, v33;
	v2 =	vld [tilespmem:s9+$0x0];
	s12 =	sadd.s32 $0x0, s10  }
0xd6: {  	v22 =	vunpack.i.u.bf16.f32 v22;
	v6 =	vmul.f32 v27, v6;
	v12 =	vmul.f32 v12, v19;
	v28 =	vld [tilespmem:s12+$0xC0]  }
0xd7: {  	v19 =	vadd.f32 v21, v20;
	v7 =	vmul.f32 v7, v5;
	v15 =	vadd.f32 v15, v34;
	v27 =	vld [tilespmem:s12+$0xE0]  }
0xd8: {  	s13 =	sadd.s32 $0x0, s11;
	v29 =	vunpack.i.l.bf16.f32 v31;
	v22 =	vadd.f32 v25, v22;
	v21 =	vld [tilespmem:s12+$0x30];
	v1 =	vadd.f32 v3, v1  }
0xd9: {  	v35 =	vld [tilespmem:s13+$0x30];
	v3 =	vunpack.i.u.bf16.f32 v30;
	v0 =	vadd.f32 v6, v0;
	v13 =	vmul.f32 v26, v13  }
0xda: {  	v25 =	vld [tilespmem:s12+$0xD0];
	v30 =	vunpack.i.u.bf16.f32 v31;
	v3 =	vadd.f32 v32, v3;
	v15 =	vmul.f32 v15, v18  }
0xdb: {  	v20 =	vld [tilespmem:s13+$0xD0];
	v6 =	vmul.f32 v22, v9;
	v0 =	vadd.f32 v23, v0;
	v8 =	vadd.f32 v13, v8  }
0xdc: {  	v37 =	vld [tilespmem:s12+$0x50];
	v3 =	vmul.f32 v3, v4;
	v4 =	vadd.f32 v29, v30;
	v26 =	vbroadcast v2, $0x7  }
0xdd: {  	v18 =	vld [tilespmem:s13+$0xE0];
	v6 =	vadd.f32 v6, v10;
	v57 =	vbroadcast v2, $0x9;
	v59 =	vbroadcast v2, $0xE  }
0xde: {  	v22 =	vld [tilespmem:s13+$0x40];
	v36 =	vbroadcast v2, $0x5;
	v0 =	vadd.f32 v15, v0;
	v21 =	vmul.bf16 v21, v35  }
0xdf: {  	v23 =	vld [tilespmem:s12+$0x40];
	v1 =	vadd.f32 v3, v1;
	v3 =	vmul.f32 v4, v11;
	v4 =	vmul.f32 v19, v14  }
0xe0: {  	v31 =	vld [tilespmem:s12+$0x70];
	v14 =	vadd.f32 v16, v8;
	v8 =	vbroadcast v2, $0xD;
	v19 =	vbroadcast v2, $0x4  }
0xe1: {  	v9 =	vld [tilespmem:s13+$0xC0];
	v60 =	vunpack.i.u.bf16.f32 v21;
	v10 =	vadd.f32 v3, v6;
	v3 =	vbroadcast v2, $0x6  }
0xe2: {  	v13 =	vld [tilespmem:s13+$0x10];
	v6 =	vbroadcast v2, $0xB;
	v29 =	vadd.f32 v4, v0;
	v0 =	vmul.bf16 v25, v20  }
0xe3: {  	v30 =	vld [tilespmem:s13+$0x20];
	v1 =	vadd.f32 v24, v1;
	v24 =	vbroadcast v2, $0x2;
	v4 =	vmul.bf16 v27, v18  }
0xe4: {  	v11 =	vld [tilespmem:s12+$0x10];
	v35 =	vunpack.i.l.bf16.f32 v21;
	v18 =	vbroadcast v2, $0x1;
	v22 =	vmul.bf16 v23, v22  }
0xe5: {  	v16 =	vld [tilespmem:s12+$0x20];
	v5 =	vadd.f32 v17, v1;
	v1 =	vbroadcast v2, $0x3;
	v17 =	vadd.f32 v7, v10  }
0xe6: {  	v15 =	vld [tilespmem:s12+$0x0];
	v7 =	vmul.bf16 v28, v9;
	v10 =	vadd.f32 v12, v14;
	v9 =	vbroadcast v2, $0x0  }
0xe7: {  	v20 =	vld [tilespmem:s13+$0x0];
	v12 =	vunpack.i.u.bf16.f32 v0;
	v14 =	vunpack.i.l.bf16.f32 v4;
	v58 =	vunpack.i.u.bf16.f32 v4  }
0xe8: {  	v27 =	vld [tilespmem:s13+$0x70];
	v0 =	vunpack.i.l.bf16.f32 v0;
	v4 =	vbroadcast v2, $0xA;
	v33 =	vadd.f32 v14, v58  }
0xe9: {  	v23 =	vld [tilespmem:s13+$0x50];
	v13 =	vmul.bf16 v11, v13;
	v14 =	vadd.f32 v0, v12;
	v12 =	vbroadcast v2, $0xC  }
0xea: {  	v16 =	vmul.bf16 v16, v30;
	v25 =	vunpack.i.l.bf16.f32 v7;
	v28 =	vunpack.i.u.bf16.f32 v7  }
0xeb: {  	v30 =	vunpack.i.l.bf16.f32 v22;
	v22 =	vunpack.i.u.bf16.f32 v22;
	v11 =	vadd.f32 v25, v28;
	v25 =	vld [tilespmem:s12+$0x90]  }
0xec: {  	v7 =	vbroadcast v2, $0xF;
	v22 =	vadd.f32 v30, v22;
	v15 =	vmul.bf16 v15, v20;
	v28 =	vld [tilespmem:s13+$0x90]  }
0xed: {  	v20 =	vunpack.i.u.bf16.f32 v13;
	v27 =	vmul.bf16 v31, v27;
	v13 =	vunpack.i.l.bf16.f32 v13  }
0xee: {  	v61 =	vld [tilespmem:s12+$0x60];
	v0 =	vmul.f32 v33, v59;
	v23 =	vmul.bf16 v37, v23;
	v13 =	vadd.f32 v13, v20  }
0xef: {  	v21 =	vld [tilespmem:s13+$0x60];
	v20 =	vunpack.i.l.bf16.f32 v16;
	v16 =	vunpack.i.u.bf16.f32 v16;
	v31 =	vunpack.i.u.bf16.f32 v27  }
0xf0: {  	v62 =	vld [tilespmem:s13+$0xB0];
	v27 =	vunpack.i.l.bf16.f32 v27;
	v38 =	vunpack.i.l.bf16.f32 v15;
	v39 =	vunpack.i.u.bf16.f32 v23  }
0xf1: {  	v15 =	vunpack.i.u.bf16.f32 v15;
	v16 =	vadd.f32 v20, v16;
	v25 =	vmul.bf16 v25, v28;
	v28 =	vld [tilespmem:s12+$0xB0]  }
0xf2: {  	v18 =	vmul.f32 v13, v18;
	v30 =	vadd.f32 v27, v31;
	v27 =	vunpack.i.l.bf16.f32 v23  }
0xf3: {  	v13 =	vld [tilespmem:s12+$0x80];
	v20 =	vadd.f32 v38, v15;
	v15 =	vmul.f32 v22, v19;
	v22 =	vadd.f32 v27, v39  }
0xf4: {  	v16 =	vmul.f32 v16, v24;
	v24 =	vld [tilespmem:s13+$0x80];
	v23 =	vadd.f32 v18, v17;
	v17 =	vmul.bf16 v61, v21  }
0xf5: {  	v21 =	vld [tilespmem:s12+$0xF0];
	v31 =	vmul.f32 v22, v36;
	v18 =	vunpack.i.u.bf16.f32 v25;
	v19 =	vunpack.i.l.bf16.f32 v25  }
0xf6: {  	v22 =	vld [tilespmem:s12+$0xA0];
	v27 =	vunpack.i.l.bf16.f32 v17;
	v63 =	vadd.f32 v19, v18;
	v28 =	vmul.bf16 v28, v62  }
0xf7: {  	v25 =	vld [tilespmem:s13+$0xF0];
	v19 =	vadd.f32 v35, v60;
	v18 =	vadd.f32 v16, v29;
	v16 =	vmul.f32 v30, v26  }
0xf8: {  	s12 =	simm.s32 $0x400;
	v30 =	vunpack.i.u.bf16.f32 v17;
	v26 =	vld [tilespmem:s13+$0xA0];
	v17 =	vmul.f32 v63, v57;
	v29 =	vunpack.i.l.bf16.f32 v28  }
.LBB2_6:
0xf9: {  	s14 =	sshra.s32 s12, $0x2  }
0xfa: {  	v23 =	vadd.f32 v31, v23;
	v28 =	vunpack.i.u.bf16.f32 v28;
	v14 =	vmul.f32 v14, v8;
	s9 =	sadd.s32 $0x10, s9;
	s13 =	smov.u32 s12;
	s16 =	sadd.s32 $0x400, s12  }
0xfb: {  	p1 =	sne.s32 s12, $0x1C00;
	v27 =	vadd.f32 v27, v30;
	v8 =	vld [tilespmem:s9+$0x0];
	s13 =	sadd.s32 s14, s11;
	s14 =	sadd.s32 s14, s10;
	v13 =	vmul.bf16 v13, v24;
	v24 =	vadd.f32 v29, v28  }
0xfc: {  	v9 =	vmul.f32 v20, v9;
	v28 =	vld [tilespmem:s14+$0xC0];
	v20 =	vmul.bf16 v21, v25  }
0xfd: {  	v25 =	vmul.f32 v27, v3;
	v21 =	vld [tilespmem:s14+$0xE0];
	v27 =	vunpack.i.l.bf16.f32 v13;
	v24 =	vmul.f32 v24, v6  }
0xfe: {  	v29 =	vld [tilespmem:s14+$0xD0];
	v6 =	vmul.bf16 v22, v26;
	v3 =	vunpack.i.u.bf16.f32 v20;
	v20 =	vunpack.i.l.bf16.f32 v20  }
0xff: {  	v9 =	vadd.f32 v9, v10;
	v10 =	vunpack.i.u.bf16.f32 v13;
	v26 =	vbroadcast v2, $0x8;
	v22 =	vld [tilespmem:s13+$0xE0]  }
0x100: {  	v1 =	vmul.f32 v19, v1;
	v11 =	vmul.f32 v11, v12;
	v12 =	vadd.f32 v20, v3;
	v13 =	vld [tilespmem:s14+$0x80];
	v2 =	vmovc v8  }
0x101: {  	v18 =	vadd.f32 v25, v18;
	v20 =	vunpack.i.u.bf16.f32 v6;
	v3 =	vbroadcast v2, $0x6;
	v19 =	vld [tilespmem:s13+$0xC0]  }
0x102: {  	v17 =	vadd.f32 v17, v23;
	v10 =	vadd.f32 v27, v10;
	v12 =	vmul.f32 v12, v7;
	v25 =	vld [tilespmem:s13+$0xD0]  }
0x103: {  	v5 =	vadd.f32 v1, v5;
	v7 =	vadd.f32 v15, v9;
	v9 =	vunpack.i.l.bf16.f32 v6;
	v23 =	vld [tilespmem:s14+$0x30]  }
0x104: {  	v17 =	vadd.f32 v14, v17;
	v10 =	vmul.f32 v10, v26;
	v8 =	vbroadcast v2, $0xD;
	v15 =	vld [tilespmem:s14+$0x10]  }
0x105: {  	v1 =	vbroadcast v2, $0x3;
	v6 =	vbroadcast v2, $0xB;
	v9 =	vadd.f32 v9, v20;
	v26 =	vld [tilespmem:s13+$0x10]  }
0x106: {  	v5 =	vadd.f32 v16, v5;
	v27 =	vbroadcast v2, $0x4;
	v20 =	vld [tilespmem:s14+$0x0];
	v14 =	vmul.bf16 v28, v19  }
0x107: {  	v30 =	vbroadcast v2, $0x7;
	v10 =	vadd.f32 v10, v7;
	v4 =	vmul.f32 v9, v4;
	v16 =	vld [tilespmem:s14+$0x20]  }
0x108: {  	v5 =	vadd.f32 v24, v5;
	v9 =	vbroadcast v2, $0x0;
	v7 =	vmul.bf16 v29, v25;
	v19 =	vld [tilespmem:s13+$0x40]  }
0x109: {  	v24 =	vbroadcast v2, $0x2;
	v21 =	vmul.bf16 v21, v22;
	v28 =	vunpack.i.l.bf16.f32 v14;
	v25 =	vld [tilespmem:s14+$0x40]  }
0x10a: {  	v22 =	vbroadcast v2, $0x1;
	v18 =	vadd.f32 v4, v18;
	v29 =	vbroadcast v2, $0x9;
	v31 =	vld [tilespmem:s13+$0xB0]  }
0x10b: {  	v33 =	vunpack.i.u.bf16.f32 v14;
	v4 =	vunpack.i.u.bf16.f32 v7;
	v7 =	vunpack.i.l.bf16.f32 v7;
	v32 =	vld [tilespmem:s13+$0x0]  }
0x10c: {  	v35 =	vunpack.i.l.bf16.f32 v21;
	v14 =	vadd.f32 v7, v4;
	v7 =	vbroadcast v2, $0xF;
	v34 =	vld [tilespmem:s13+$0x70]  }
0x10d: {  	v37 =	vbroadcast v2, $0xE;
	v10 =	vadd.f32 v11, v10;
	v21 =	vunpack.i.u.bf16.f32 v21;
	v36 =	vld [tilespmem:s13+$0x20]  }
0x10e: {  	v18 =	vadd.f32 v0, v18;
	v11 =	vadd.f32 v28, v33;
	v4 =	vbroadcast v2, $0xA;
	v38 =	vld [tilespmem:s14+$0x70]  }
0x10f: {  	v5 =	vadd.f32 v12, v5;
	v0 =	vadd.f32 v35, v21;
	v33 =	vbroadcast v2, $0x5;
	v28 =	vld [tilespmem:s13+$0x30]  }
0x110: {  	v12 =	vbroadcast v2, $0xC;
	v15 =	vmul.bf16 v15, v26;
	v21 =	vld [tilespmem:s14+$0x50]  }
0x111: {  	v0 =	vmul.f32 v0, v37;
	v19 =	vmul.bf16 v25, v19;
	v25 =	vld [tilespmem:s13+$0x50]  }
0x112: {  	v16 =	vmul.bf16 v16, v36;
	v26 =	vld [tilespmem:s14+$0x90]  }
0x113: {  	v20 =	vmul.bf16 v20, v32;
	v32 =	vunpack.i.u.bf16.f32 v15;
	v34 =	vmul.bf16 v38, v34;
	v35 =	vld [tilespmem:s13+$0x90]  }
0x114: {  	v15 =	vunpack.i.l.bf16.f32 v15;
	v23 =	vmul.bf16 v23, v28;
	v28 =	vunpack.i.l.bf16.f32 v19  }
0x115: {  	v15 =	vadd.f32 v15, v32;
	v32 =	vunpack.i.l.bf16.f32 v16;
	v36 =	vunpack.i.u.bf16.f32 v34  }
0x116: {  	v19 =	vunpack.i.u.bf16.f32 v19;
	v37 =	vunpack.i.u.bf16.f32 v23;
	v21 =	vmul.bf16 v21, v25;
	v25 =	vld [tilespmem:s14+$0x60]  }
0x117: {  	v16 =	vunpack.i.u.bf16.f32 v16;
	v38 =	vunpack.i.l.bf16.f32 v23;
	v23 =	vunpack.i.l.bf16.f32 v34;
	v39 =	vld [tilespmem:s13+$0x60]  }
0x118: {  	v34 =	vunpack.i.l.bf16.f32 v20;
	v40 =	vunpack.i.u.bf16.f32 v21;
	v26 =	vmul.bf16 v26, v35  }
0x119: {  	v15 =	vmul.f32 v15, v22;
	v19 =	vadd.f32 v28, v19;
	v22 =	vadd.f32 v23, v36;
	v28 =	vld [tilespmem:s14+$0xB0]  }
0x11a: {  	v16 =	vadd.f32 v32, v16;
	v20 =	vunpack.i.u.bf16.f32 v20;
	v32 =	vunpack.i.l.bf16.f32 v21  }
0x11b: {  	v20 =	vadd.f32 v34, v20;
	v23 =	vadd.f32 v15, v17;
	v15 =	vmul.f32 v19, v27  }
.Ltmp1:
0x11c: {  	v19 =	vunpack.i.u.bf16.f32 v26;
	v17 =	vmul.bf16 v25, v39;
	v25 =	vunpack.i.l.bf16.f32 v26;
	v21 =	vld [tilespmem:s14+$0xF0];
	(pc) =	sbr.rel @p1 .LBB2_6-.Ltmp1, $4  }
0x11d: {  	v16 =	vmul.f32 v16, v24;
	v26 =	vadd.f32 v32, v40;
	v24 =	vld [tilespmem:s13+$0x80];
	v32 =	vadd.f32 v25, v19  }
0x11e: {  	v19 =	vadd.f32 v38, v37;
	v27 =	vunpack.i.l.bf16.f32 v17;
	v28 =	vmul.bf16 v28, v31;
	v25 =	vld [tilespmem:s13+$0xF0]  }
0x11f: {  	v18 =	vadd.f32 v16, v18;
	v16 =	vmul.f32 v22, v30;
	v31 =	vmul.f32 v26, v33;
	v22 =	vld [tilespmem:s14+$0xA0]  }
0x120: {  	s12 =	smov.u32 s16;
	v30 =	vunpack.i.u.bf16.f32 v17;
	v17 =	vmul.f32 v32, v29;
	v26 =	vld [tilespmem:s13+$0xA0];
	v29 =	vunpack.i.l.bf16.f32 v28  }
0x121: {  	v32 =	vld [tilespmem:s20+$0x0];
	s9 =	sadd.s32 $0x0, s7  }
0x122: {  	v33 =	vld [tilespmem:s9+$0xC0]  }
0x123: {  	v23 =	vadd.f32 v31, v23;
	v28 =	vunpack.i.u.bf16.f32 v28;
	v8 =	vmul.f32 v14, v8;
	v31 =	vld [tilespmem:s9+$0x80]  }
0x124: {  	v27 =	vadd.f32 v27, v30;
	s10 =	sadd.s32 $0x0, s8;
	v9 =	vmul.f32 v20, v9;
	v13 =	vmul.bf16 v13, v24;
	v24 =	vld [tilespmem:s9+$0x40]  }
0x125: {  	v2 =	vbroadcast v2, $0x8;
	v1 =	vmul.f32 v19, v1;
	v14 =	vadd.f32 v29, v28;
	v29 =	vld [tilespmem:s10+$0xD0]  }
0x126: {  	v11 =	vmul.f32 v11, v12;
	v30 =	vld [tilespmem:s9+$0xD0];
	v21 =	vmul.bf16 v21, v25  }
0x127: {  	v28 =	vld [tilespmem:s9+$0x30];
	v3 =	vmul.f32 v27, v3;
	v9 =	vadd.f32 v9, v10;
	v12 =	vadd.f32 v17, v23  }
0x128: {  	v59 =	vld [tilespmem:s9+$0x0];
	v1 =	vadd.f32 v1, v5;
	v20 =	vunpack.i.l.bf16.f32 v13;
	v6 =	vmul.f32 v14, v6  }
0x129: {  	v37 =	vld [tilespmem:s10+$0x10];
	v10 =	vunpack.i.u.bf16.f32 v13;
	v14 =	vmul.bf16 v22, v26;
	v22 =	vunpack.i.u.bf16.f32 v21  }
0x12a: {  	v38 =	vld [tilespmem:s10+$0x0];
	v21 =	vunpack.i.l.bf16.f32 v21;
	v18 =	vadd.f32 v3, v18;
	v10 =	vadd.f32 v20, v10  }
0x12b: {  	v39 =	vld [tilespmem:s10+$0xA0];
	v5 =	vadd.f32 v15, v9;
	v1 =	vadd.f32 v16, v1;
	v36 =	vbroadcast v32, $0x7  }
0x12c: {  	v27 =	vld [tilespmem:s10+$0x80];
	v19 =	vadd.f32 v21, v22;
	v16 =	vbroadcast v32, $0x6;
	v21 =	vbroadcast v32, $0xC  }
0x12d: {  	v25 =	vld [tilespmem:s10+$0xC0];
	v42 =	vbroadcast v32, $0xD;
	v20 =	vbroadcast v32, $0xA;
	v3 =	vunpack.i.u.bf16.f32 v14  }
0x12e: {  	v23 =	vld [tilespmem:s10+$0x60];
	v14 =	vunpack.i.l.bf16.f32 v14;
	v9 =	vmul.f32 v10, v2;
	v2 =	vbroadcast v32, $0x2  }
0x12f: {  	v26 =	vld [tilespmem:s10+$0x40];
	v15 =	vadd.f32 v6, v1;
	v1 =	vbroadcast v32, $0x1;
	v62 =	vmul.bf16 v30, v29  }
0x130: {  	v22 =	vld [tilespmem:s9+$0x60];
	v29 =	vmul.bf16 v59, v38;
	v3 =	vadd.f32 v14, v3;
	v14 =	vmul.f32 v19, v7  }
0x131: {  	v41 =	vld [tilespmem:s10+$0x20];
	v7 =	vbroadcast v32, $0x0;
	v27 =	vmul.bf16 v31, v27  }
0x132: {  	v13 =	vld [tilespmem:s10+$0xE0];
	v5 =	vadd.f32 v9, v5;
	v9 =	vbroadcast v32, $0x4;
	v63 =	vunpack.i.l.bf16.f32 v62  }
0x133: {  	v19 =	vld [tilespmem:s9+$0x70];
	v10 =	vmul.f32 v3, v4;
	v3 =	vadd.f32 v8, v12;
	v4 =	vbroadcast v32, $0x3  }
0x134: {  	v31 =	vld [tilespmem:s10+$0x70];
	v12 =	vmul.bf16 v33, v25;
	v24 =	vmul.bf16 v24, v26;
	v40 =	vunpack.i.u.bf16.f32 v27  }
0x135: {  	v8 =	vld [tilespmem:s9+$0xE0];
	v27 =	vunpack.i.l.bf16.f32 v27;
	v11 =	vadd.f32 v11, v5;
	v35 =	vmul.bf16 v22, v23  }
0x136: {  	v17 =	vld [tilespmem:s9+$0x20];
	v23 =	vbroadcast v32, $0x8;
	v6 =	vunpack.i.u.bf16.f32 v12;
	v12 =	vunpack.i.l.bf16.f32 v12  }
0x137: {  	v25 =	vld [tilespmem:s9+$0x10];
	v10 =	vadd.f32 v10, v18;
	v22 =	vunpack.i.l.bf16.f32 v24;
	v12 =	vadd.f32 v12, v6  }
0x138: {  	v26 =	vld [tilespmem:s9+$0xA0];
	v24 =	vunpack.i.u.bf16.f32 v24;
	v6 =	vbroadcast v32, $0x5;
	v60 =	vunpack.i.u.bf16.f32 v35  }
0x139: {  	v19 =	vmul.bf16 v19, v31;
	v5 =	vmul.f32 v12, v21;
	v12 =	vadd.f32 v0, v10;
	v10 =	vld [tilespmem:s10+$0x30]  }
0x13a: {  	v22 =	vadd.f32 v22, v24;
	v21 =	vmul.bf16 v8, v13;
	v8 =	vbroadcast v32, $0x9  }
0x13b: {  	v34 =	vld [tilespmem:s9+$0xB0];
	v13 =	vadd.f32 v14, v15;
	v0 =	vbroadcast v32, $0xF;
	v15 =	vbroadcast v32, $0xB  }
0x13c: {  	v24 =	vld [tilespmem:s10+$0xB0];
	v31 =	vunpack.i.l.bf16.f32 v35;
	v14 =	vbroadcast v32, $0xE;
	v25 =	vmul.bf16 v25, v37  }
0x13d: {  	v61 =	vunpack.i.l.bf16.f32 v19;
	v39 =	vmul.bf16 v26, v39;
	v32 =	vmul.bf16 v17, v41  }
0x13e: {  	v10 =	vmul.bf16 v28, v10;
	v28 =	vadd.f32 v27, v40;
	v27 =	vadd.f32 v31, v60  }
0x13f: {  	v33 =	vld [tilespmem:s9+$0x50];
	v30 =	vunpack.i.u.bf16.f32 v19;
	v18 =	vunpack.i.u.bf16.f32 v21;
	v35 =	vunpack.i.u.bf16.f32 v32  }
0x140: {  	v19 =	vld [tilespmem:s9+$0x90];
	v38 =	vunpack.i.u.bf16.f32 v39;
	v39 =	vunpack.i.l.bf16.f32 v39;
	v17 =	vmul.f32 v27, v16  }
0x141: {  	v37 =	vld [tilespmem:s10+$0x90];
	v16 =	vadd.f32 v61, v30;
	v30 =	vmul.bf16 v34, v24;
	v24 =	vunpack.i.u.bf16.f32 v62  }
0x142: {  	v26 =	vld [tilespmem:s10+$0xF0];
	v31 =	vunpack.i.u.bf16.f32 v29;
	v34 =	vunpack.i.l.bf16.f32 v29;
	v43 =	vadd.f32 v63, v24  }
0x143: {  	v29 =	vunpack.i.l.bf16.f32 v25;
	v40 =	vunpack.i.u.bf16.f32 v10;
	v16 =	vmul.f32 v16, v36;
	v36 =	vld [tilespmem:s10+$0x50]  }
0x144: {  	s12 =	simm.s32 $0x400;
	v27 =	vld [tilespmem:s9+$0xF0];
	v41 =	vunpack.i.l.bf16.f32 v10;
	v24 =	vunpack.i.u.bf16.f32 v30;
	v10 =	vmul.f32 v43, v42  }
.LBB2_8:
0x145: {  	s9 =	smov.u32 s12  }
0x146: {  	s11 =	sshra.s32 s12, $0x2;
	v32 =	vunpack.i.l.bf16.f32 v32;
	v40 =	vadd.f32 v41, v40;
	v19 =	vmul.bf16 v19, v37;
	s20 =	sadd.s32 $0x10, s20;
	s9 =	sadd.s32 $0x400, s12  }
0x147: {  	p1 =	sne.s32 s12, $0x1C00;
	v31 =	vadd.f32 v34, v31;
	v34 =	vadd.f32 v39, v38;
	v30 =	vunpack.i.l.bf16.f32 v30;
	s10 =	sadd.s32 s11, s8;
	s11 =	sadd.s32 s11, s7;
	v37 =	vld [tilespmem:s20+$0x0]  }
0x148: {  	v23 =	vmul.f32 v28, v23;
	v32 =	vadd.f32 v32, v35;
	v33 =	vmul.bf16 v33, v36;
	v38 =	vld [tilespmem:s11+$0xC0]  }
0x149: {  	v21 =	vunpack.i.l.bf16.f32 v21;
	v35 =	vunpack.i.u.bf16.f32 v19;
	v20 =	vmul.f32 v34, v20;
	v28 =	vld [tilespmem:s11+$0x80]  }
0x14a: {  	v25 =	vunpack.i.u.bf16.f32 v25;
	v30 =	vadd.f32 v30, v24;
	v36 =	vunpack.i.u.bf16.f32 v33;
	v34 =	vld [tilespmem:s11+$0x40]  }
0x14b: {  	v26 =	vmul.bf16 v27, v26;
	v7 =	vmul.f32 v31, v7;
	v31 =	vunpack.i.l.bf16.f32 v19;
	v39 =	vld [tilespmem:s10+$0xC0]  }
0x14c: {  	v25 =	vadd.f32 v29, v25;
	v27 =	vunpack.i.l.bf16.f32 v33;
	v24 =	vbroadcast v37, $0x7;
	v19 =	vld [tilespmem:s11+$0x90]  }
0x14d: {  	v9 =	vmul.f32 v22, v9;
	v18 =	vadd.f32 v21, v18;
	v22 =	vadd.f32 v27, v36;
	v29 =	vld [tilespmem:s10+$0x80]  }
0x14e: {  	v11 =	vadd.f32 v7, v11;
	v27 =	vmul.f32 v32, v2;
	v2 =	vmul.f32 v40, v4;
	v21 =	vld [tilespmem:s10+$0x40]  }
0x14f: {  	v31 =	vadd.f32 v31, v35;
	v15 =	vmul.f32 v30, v15;
	v14 =	vmul.f32 v18, v14;
	v32 =	vld [tilespmem:s10+$0xE0]  }
0x150: {  	v30 =	vunpack.i.u.bf16.f32 v26;
	v7 =	vbroadcast v37, $0x0;
	v13 =	vadd.f32 v2, v13;
	v18 =	vld [tilespmem:s11+$0x60]  }
0x151: {  	v9 =	vadd.f32 v9, v11;
	v2 =	vbroadcast v37, $0x2;
	v22 =	vmul.f32 v22, v6;
	v33 =	vld [tilespmem:s10+$0xD0]  }
0x152: {  	v4 =	vbroadcast v37, $0x3;
	v11 =	vadd.f32 v27, v12;
	v6 =	vmul.bf16 v38, v39;
	v35 =	vld [tilespmem:s11+$0xD0]  }
0x153: {  	v12 =	vunpack.i.l.bf16.f32 v26;
	v38 =	vbroadcast v37, $0x6;
	v27 =	vmul.bf16 v28, v29;
	v36 =	vld [tilespmem:s11+$0x20]  }
0x154: {  	v23 =	vadd.f32 v23, v9;
	v28 =	vmul.f32 v31, v8;
	v26 =	vld [tilespmem:s11+$0x70]  }
0x155: {  	v25 =	vmul.f32 v25, v1;
	v1 =	vbroadcast v37, $0x1;
	v8 =	vunpack.i.u.bf16.f32 v6;
	v29 =	vld [tilespmem:s11+$0xB0]  }
0x156: {  	v9 =	vbroadcast v37, $0x4;
	v17 =	vadd.f32 v17, v11;
	v31 =	vunpack.i.l.bf16.f32 v6;
	v39 =	vld [tilespmem:s11+$0xE0]  }
0x157: {  	v11 =	vadd.f32 v5, v23;
	v6 =	vbroadcast v37, $0x5;
	v34 =	vmul.bf16 v34, v21;
	v40 =	vld [tilespmem:s11+$0x10]  }
0x158: {  	v42 =	vbroadcast v37, $0xD;
	v5 =	vadd.f32 v31, v8;
	v8 =	vadd.f32 v12, v30;
	v23 =	vld [tilespmem:s10+$0x60]  }
0x159: {  	v3 =	vadd.f32 v25, v3;
	v17 =	vadd.f32 v20, v17;
	v12 =	vbroadcast v37, $0xC;
	v30 =	vld [tilespmem:s11+$0x30]  }
0x15a: {  	v13 =	vadd.f32 v16, v13;
	v20 =	vbroadcast v37, $0xA;
	v16 =	vmul.f32 v8, v0;
	v31 =	vld [tilespmem:s11+$0xA0]  }
0x15b: {  	v3 =	vadd.f32 v22, v3;
	v5 =	vmul.f32 v5, v12;
	v25 =	vld [tilespmem:s10+$0x70];
	v21 =	vmul.bf16 v39, v32  }
0x15c: {  	v13 =	vadd.f32 v15, v13;
	v8 =	vbroadcast v37, $0x9;
	v0 =	vbroadcast v37, $0xF;
	v32 =	vld [tilespmem:s11+$0x0]  }
0x15d: {  	v12 =	vadd.f32 v14, v17;
	v39 =	vunpack.i.l.bf16.f32 v34;
	v22 =	vld [tilespmem:s10+$0x30];
	v41 =	vmul.bf16 v18, v23  }
0x15e: {  	v3 =	vadd.f32 v28, v3;
	v23 =	vbroadcast v37, $0x8;
	v18 =	vunpack.i.u.bf16.f32 v21;
	v17 =	vld [tilespmem:s10+$0x10]  }
0x15f: {  	v15 =	vbroadcast v37, $0xB;
	v14 =	vbroadcast v37, $0xE;
	v13 =	vadd.f32 v16, v13;
	v43 =	vld [tilespmem:s10+$0x0]  }
0x160: {  	v28 =	vunpack.i.u.bf16.f32 v27;
	v27 =	vunpack.i.l.bf16.f32 v27;
	v16 =	vunpack.i.u.bf16.f32 v41;
	v37 =	vld [tilespmem:s10+$0xA0]  }
0x161: {  	v3 =	vadd.f32 v10, v3;
	v34 =	vunpack.i.u.bf16.f32 v34;
	v45 =	vmul.bf16 v26, v25;
	v44 =	vld [tilespmem:s10+$0x20]  }
0x162: {  	v10 =	vmul.bf16 v30, v22;
	v22 =	vadd.f32 v39, v34;
	v30 =	vunpack.i.l.bf16.f32 v41;
	v34 =	vld [tilespmem:s10+$0xB0]  }
0x163: {  	v28 =	vadd.f32 v27, v28;
	v39 =	vunpack.i.l.bf16.f32 v45;
	v25 =	vmul.bf16 v40, v17;
	v26 =	vld [tilespmem:s10+$0xF0]  }
0x164: {  	v35 =	vmul.bf16 v35, v33;
	v16 =	vadd.f32 v30, v16;
	v27 =	vld [tilespmem:s11+$0xF0]  }
0x165: {  	v30 =	vunpack.i.u.bf16.f32 v45;
	v33 =	vmul.bf16 v32, v43;
	v43 =	vmul.bf16 v31, v37  }
0x166: {  	v17 =	vmul.f32 v16, v38;
	v16 =	vadd.f32 v39, v30;
	v32 =	vmul.bf16 v36, v44  }
.Ltmp2:
0x167: {  	v38 =	vunpack.i.u.bf16.f32 v35;
	v31 =	vunpack.i.u.bf16.f32 v33;
	v37 =	vld [tilespmem:s10+$0x90];
	v30 =	vmul.bf16 v29, v34;
	(pc) =	sbr.rel @p1 .LBB2_8-.Ltmp2, $4  }
0x168: {  	v39 =	vunpack.i.l.bf16.f32 v35;
	v34 =	vunpack.i.l.bf16.f32 v33;
	v29 =	vunpack.i.l.bf16.f32 v25;
	v33 =	vld [tilespmem:s11+$0x50]  }
0x169: {  	v44 =	vadd.f32 v39, v38;
	v16 =	vmul.f32 v16, v24;
	v35 =	vunpack.i.u.bf16.f32 v32;
	v36 =	vld [tilespmem:s10+$0x50]  }
0x16a: {  	v40 =	vunpack.i.u.bf16.f32 v10;
	v38 =	vunpack.i.u.bf16.f32 v43;
	v24 =	vunpack.i.u.bf16.f32 v30  }
0x16b: {  	s12 =	smov.u32 s9;
	v41 =	vunpack.i.l.bf16.f32 v10;
	v39 =	vunpack.i.l.bf16.f32 v43;
	v10 =	vmul.f32 v44, v42  }
0x16c: {  	v32 =	vunpack.i.l.bf16.f32 v32  }
0x16d: {  	v40 =	vadd.f32 v41, v40;
	v19 =	vmul.bf16 v19, v37;
	v31 =	vadd.f32 v34, v31  }
0x16e: {  	v58 =	vadd.f32 v39, v38;
	v30 =	vunpack.i.l.bf16.f32 v30;
	v59 =	vld [tilespmem:s28+$0x0];
	s7 =	sadd.s32 $0x0, s29;
	v23 =	vmul.f32 v28, v23  }
0x16f: {  	v21 =	vunpack.i.l.bf16.f32 v21;
	v25 =	vunpack.i.u.bf16.f32 v25;
	v26 =	vmul.bf16 v27, v26;
	v60 =	vld [tilespmem:s7+$0xC0]  }
0x170: {  	v9 =	vmul.f32 v22, v9;
	v32 =	vadd.f32 v32, v35;
	v61 =	vld [tilespmem:s7+$0x80];
	v24 =	vadd.f32 v30, v24  }
0x171: {  	s8 =	sadd.s32 $0x0, s31;
	v30 =	vld [tilespmem:s7+$0x40];
	v25 =	vadd.f32 v29, v25;
	v18 =	vadd.f32 v21, v18;
	v33 =	vmul.bf16 v33, v36  }
0x172: {  	v21 =	vld [tilespmem:s8+$0xE0];
	v28 =	vunpack.i.u.bf16.f32 v19;
	v20 =	vmul.f32 v58, v20;
	v7 =	vmul.f32 v31, v7  }
0x173: {  	v48 =	vld [tilespmem:s8+$0x70];
	v19 =	vunpack.i.l.bf16.f32 v19;
	v4 =	vmul.f32 v40, v4;
	v2 =	vmul.f32 v32, v2  }
0x174: {  	v50 =	vld [tilespmem:s7+$0x0];
	v19 =	vadd.f32 v19, v28;
	v15 =	vmul.f32 v24, v15;
	v14 =	vmul.f32 v18, v14  }
0x175: {  	v52 =	vld [tilespmem:s8+$0x10];
	v62 =	vunpack.i.u.bf16.f32 v33;
	v27 =	vunpack.i.l.bf16.f32 v33;
	v7 =	vadd.f32 v7, v11  }
0x176: {  	v31 =	vld [tilespmem:s8+$0xC0];
	v1 =	vmul.f32 v25, v1;
	v4 =	vadd.f32 v4, v13;
	v22 =	vadd.f32 v27, v62  }
0x177: {  	v54 =	vld [tilespmem:s8+$0x0];
	v2 =	vadd.f32 v2, v12;
	v12 =	vunpack.i.l.bf16.f32 v26;
	v8 =	vmul.f32 v19, v8  }
0x178: {  	v11 =	vld [tilespmem:s8+$0x40];
	v3 =	vadd.f32 v1, v3;
	v7 =	vadd.f32 v9, v7;
	v9 =	vunpack.i.u.bf16.f32 v26  }
0x179: {  	v27 =	vld [tilespmem:s8+$0x80];
	v63 =	vbroadcast v59, $0x7;
	v9 =	vadd.f32 v12, v9;
	v12 =	vmul.f32 v22, v6  }
0x17a: {  	v56 =	vld [tilespmem:s8+$0xA0];
	v1 =	vbroadcast v59, $0x2;
	v2 =	vadd.f32 v17, v2;
	v7 =	vadd.f32 v23, v7  }
0x17b: {  	v42 =	vld [tilespmem:s8+$0x20];
	v18 =	vmul.f32 v9, v0;
	v3 =	vadd.f32 v12, v3;
	v12 =	vmul.bf16 v60, v31  }
0x17c: {  	v24 =	vld [tilespmem:s8+$0xD0];
	v0 =	vadd.f32 v16, v4;
	v31 =	vbroadcast v59, $0x6;
	v9 =	vbroadcast v59, $0x4  }
0x17d: {  	v26 =	vld [tilespmem:s7+$0xD0];
	v28 =	vmul.bf16 v30, v11;
	v6 =	vadd.f32 v5, v7;
	v5 =	vbroadcast v59, $0x0  }
0x17e: {  	v13 =	vld [tilespmem:s7+$0x60];
	v7 =	vadd.f32 v20, v2;
	v2 =	vbroadcast v59, $0x3;
	v25 =	vmul.bf16 v61, v27  }
0x17f: {  	v22 =	vld [tilespmem:s7+$0x70];
	v20 =	vbroadcast v59, $0xC;
	v15 =	vadd.f32 v15, v0;
	v0 =	vbroadcast v59, $0x1  }
0x180: {  	v4 =	vld [tilespmem:s7+$0xE0];
	v17 =	vunpack.i.u.bf16.f32 v12;
	v12 =	vunpack.i.l.bf16.f32 v12;
	v49 =	vadd.f32 v8, v3  }
0x181: {  	v23 =	vld [tilespmem:s8+$0x60];
	v8 =	vbroadcast v59, $0x9;
	v53 =	vunpack.i.l.bf16.f32 v28;
	v28 =	vunpack.i.u.bf16.f32 v28  }
0x182: {  	v19 =	vld [tilespmem:s7+$0x20];
	v24 =	vmul.bf16 v26, v24;
	v11 =	vadd.f32 v14, v7;
	v7 =	vbroadcast v59, $0x5  }
0x183: {  	v16 =	vld [tilespmem:s7+$0x10];
	v12 =	vadd.f32 v12, v17;
	v14 =	vbroadcast v59, $0xD;
	v17 =	vbroadcast v59, $0xA  }
0x184: {  	v27 =	vld [tilespmem:s7+$0x30];
	v57 =	vunpack.i.u.bf16.f32 v25;
	v32 =	vmul.bf16 v22, v48;
	v43 =	vunpack.i.l.bf16.f32 v25  }
0x185: {  	v22 =	vadd.f32 v53, v28;
	v3 =	vmul.f32 v12, v20;
	v20 =	vmul.bf16 v4, v21;
	v21 =	vld [tilespmem:s8+$0x30]  }
0x186: {  	v30 =	vld [tilespmem:s7+$0xA0];
	v10 =	vadd.f32 v10, v49;
	v51 =	vmul.bf16 v13, v23;
	v23 =	vbroadcast v59, $0x8  }
0x187: {  	v13 =	vbroadcast v59, $0xE;
	v28 =	vadd.f32 v43, v57;
	v62 =	vunpack.i.u.bf16.f32 v24  }
0x188: {  	v24 =	vunpack.i.l.bf16.f32 v24;
	v12 =	vadd.f32 v18, v15;
	v4 =	vbroadcast v59, $0xF  }
0x189: {  	v29 =	vld [tilespmem:s7+$0xB0];
	v15 =	vbroadcast v59, $0xB;
	v25 =	vmul.bf16 v16, v52;
	v58 =	vunpack.i.l.bf16.f32 v32  }
0x18a: {  	v59 =	vmul.bf16 v50, v54;
	v26 =	vunpack.i.u.bf16.f32 v32;
	v44 =	vmul.bf16 v27, v21;
	v21 =	vld [tilespmem:s8+$0xB0]  }
0x18b: {  	v60 =	vmul.bf16 v30, v56;
	v32 =	vmul.bf16 v19, v42;
	v55 =	vunpack.i.u.bf16.f32 v51  }
0x18c: {  	v37 =	vld [tilespmem:s8+$0x90];
	v61 =	vadd.f32 v58, v26;
	v18 =	vunpack.i.u.bf16.f32 v20;
	v34 =	vunpack.i.l.bf16.f32 v59  }
0x18d: {  	v36 =	vld [tilespmem:s8+$0x50];
	v35 =	vunpack.i.u.bf16.f32 v32;
	v38 =	vunpack.i.u.bf16.f32 v60;
	v27 =	vunpack.i.l.bf16.f32 v51  }
0x18e: {  	v16 =	vld [tilespmem:s7+$0x90];
	v39 =	vunpack.i.l.bf16.f32 v60;
	v27 =	vadd.f32 v27, v55;
	v40 =	vunpack.i.u.bf16.f32 v44  }
0x18f: {  	v33 =	vld [tilespmem:s7+$0x50];
	v30 =	vmul.bf16 v29, v21;
	v21 =	vmul.f32 v61, v63;
	v63 =	vadd.f32 v24, v62  }
0x190: {  	v26 =	vld [tilespmem:s8+$0xF0];
	v41 =	vunpack.i.l.bf16.f32 v44;
	v19 =	vmul.f32 v27, v31;
	v31 =	vunpack.i.u.bf16.f32 v59  }
0x191: {  	s10 =	simm.s32 $0x400;
	v27 =	vld [tilespmem:s7+$0xF0];
	v29 =	vunpack.i.l.bf16.f32 v25;
	v24 =	vunpack.i.u.bf16.f32 v30;
	v14 =	vmul.f32 v63, v14  }
.LBB2_10:
0x192: {  	s7 =	smov.u32 s10  }
0x193: {  	s9 =	sshra.s32 s10, $0x2;
	v32 =	vunpack.i.l.bf16.f32 v32;
	v40 =	vadd.f32 v41, v40;
	v16 =	vmul.bf16 v16, v37;
	s28 =	sadd.s32 $0x10, s28;
	s7 =	sadd.s32 $0x400, s10  }
0x194: {  	p1 =	seq.s32 s10, $0x1C00;
	v31 =	vadd.f32 v34, v31;
	v34 =	vadd.f32 v39, v38;
	v30 =	vunpack.i.l.bf16.f32 v30;
	s8 =	sadd.s32 s9, s31;
	s9 =	sadd.s32 s9, s29;
	v37 =	vld [tilespmem:s28+$0x0]  }
0x195: {  	v23 =	vmul.f32 v28, v23;
	v32 =	vadd.f32 v32, v35;
	v33 =	vmul.bf16 v33, v36;
	v38 =	vld [tilespmem:s9+$0xC0]  }
0x196: {  	v20 =	vunpack.i.l.bf16.f32 v20;
	v35 =	vunpack.i.u.bf16.f32 v16;
	v17 =	vmul.f32 v34, v17;
	v28 =	vld [tilespmem:s9+$0x80]  }
0x197: {  	v25 =	vunpack.i.u.bf16.f32 v25;
	v30 =	vadd.f32 v30, v24;
	v36 =	vunpack.i.u.bf16.f32 v33;
	v34 =	vld [tilespmem:s9+$0x40]  }
0x198: {  	v26 =	vmul.bf16 v27, v26;
	v5 =	vmul.f32 v31, v5;
	v31 =	vunpack.i.l.bf16.f32 v16;
	v39 =	vld [tilespmem:s8+$0xC0]  }
0x199: {  	v25 =	vadd.f32 v29, v25;
	v27 =	vunpack.i.l.bf16.f32 v33;
	v24 =	vbroadcast v37, $0x7;
	v16 =	vld [tilespmem:s9+$0x90]  }
0x19a: {  	v9 =	vmul.f32 v22, v9;
	v18 =	vadd.f32 v20, v18;
	v22 =	vadd.f32 v27, v36;
	v29 =	vld [tilespmem:s8+$0x80]  }
0x19b: {  	v6 =	vadd.f32 v5, v6;
	v27 =	vmul.f32 v32, v1;
	v1 =	vmul.f32 v40, v2;
	v20 =	vld [tilespmem:s8+$0x40]  }
0x19c: {  	v31 =	vadd.f32 v31, v35;
	v15 =	vmul.f32 v30, v15;
	v13 =	vmul.f32 v18, v13;
	v32 =	vld [tilespmem:s8+$0xE0]  }
0x19d: {  	v30 =	vunpack.i.u.bf16.f32 v26;
	v5 =	vbroadcast v37, $0x0;
	v12 =	vadd.f32 v1, v12;
	v18 =	vld [tilespmem:s9+$0x60]  }
0x19e: {  	v6 =	vadd.f32 v9, v6;
	v1 =	vbroadcast v37, $0x2;
	v22 =	vmul.f32 v22, v7;
	v33 =	vld [tilespmem:s8+$0xD0]  }
0x19f: {  	v2 =	vbroadcast v37, $0x3;
	v11 =	vadd.f32 v27, v11;
	v7 =	vmul.bf16 v38, v39;
	v35 =	vld [tilespmem:s9+$0xD0]  }
0x1a0: {  	v26 =	vunpack.i.l.bf16.f32 v26;
	v38 =	vbroadcast v37, $0x6;
	v27 =	vmul.bf16 v28, v29;
	v36 =	vld [tilespmem:s9+$0x20]  }
0x1a1: {  	v6 =	vadd.f32 v23, v6;
	v29 =	vmul.f32 v31, v8;
	v28 =	vld [tilespmem:s9+$0x70]  }
0x1a2: {  	v23 =	vmul.f32 v25, v0;
	v0 =	vbroadcast v37, $0x1;
	v8 =	vunpack.i.u.bf16.f32 v7;
	v39 =	vld [tilespmem:s9+$0xB0]  }
0x1a3: {  	v9 =	vbroadcast v37, $0x4;
	v11 =	vadd.f32 v19, v11;
	v25 =	vunpack.i.l.bf16.f32 v7;
	v31 =	vld [tilespmem:s9+$0xE0]  }
0x1a4: {  	v6 =	vadd.f32 v3, v6;
	v7 =	vbroadcast v37, $0x5;
	v34 =	vmul.bf16 v34, v20;
	v19 =	vld [tilespmem:s9+$0x10]  }
0x1a5: {  	v42 =	vbroadcast v37, $0xD;
	v3 =	vadd.f32 v25, v8;
	v8 =	vadd.f32 v26, v30;
	v40 =	vld [tilespmem:s8+$0x60]  }
0x1a6: {  	v10 =	vadd.f32 v23, v10;
	v11 =	vadd.f32 v17, v11;
	v20 =	vbroadcast v37, $0xC;
	v25 =	vld [tilespmem:s9+$0x30]  }
0x1a7: {  	v12 =	vadd.f32 v21, v12;
	v17 =	vbroadcast v37, $0xA;
	v21 =	vmul.f32 v8, v4;
	v30 =	vld [tilespmem:s9+$0xA0]  }
0x1a8: {  	v10 =	vadd.f32 v22, v10;
	v3 =	vmul.f32 v3, v20;
	v26 =	vld [tilespmem:s8+$0x70];
	v20 =	vmul.bf16 v31, v32  }
0x1a9: {  	v12 =	vadd.f32 v15, v12;
	v8 =	vbroadcast v37, $0x9;
	v4 =	vbroadcast v37, $0xF;
	v31 =	vld [tilespmem:s9+$0x0]  }
0x1aa: {  	v11 =	vadd.f32 v13, v11;
	v32 =	vunpack.i.l.bf16.f32 v34;
	v22 =	vld [tilespmem:s8+$0x30];
	v40 =	vmul.bf16 v18, v40  }
0x1ab: {  	v23 =	vbroadcast v37, $0x8;
	v10 =	vadd.f32 v29, v10;
	v18 =	vunpack.i.u.bf16.f32 v20;
	v41 =	vld [tilespmem:s8+$0x10]  }
0x1ac: {  	v15 =	vbroadcast v37, $0xB;
	v13 =	vbroadcast v37, $0xE;
	v12 =	vadd.f32 v21, v12;
	v29 =	vld [tilespmem:s8+$0x0]  }
0x1ad: {  	v37 =	vunpack.i.u.bf16.f32 v27;
	v27 =	vunpack.i.l.bf16.f32 v27;
	v21 =	vunpack.i.u.bf16.f32 v40;
	v43 =	vld [tilespmem:s8+$0xA0]  }
0x1ae: {  	v10 =	vadd.f32 v14, v10;
	v34 =	vunpack.i.u.bf16.f32 v34;
	v45 =	vmul.bf16 v28, v26;
	v44 =	vld [tilespmem:s8+$0x20]  }
0x1af: {  	v14 =	vmul.bf16 v25, v22;
	v22 =	vadd.f32 v32, v34;
	v32 =	vunpack.i.l.bf16.f32 v40;
	v34 =	vld [tilespmem:s8+$0xB0]  }
0x1b0: {  	v28 =	vadd.f32 v27, v37;
	v40 =	vunpack.i.l.bf16.f32 v45;
	v25 =	vmul.bf16 v19, v41;
	v26 =	vld [tilespmem:s8+$0xF0]  }
0x1b1: {  	v19 =	vadd.f32 v32, v21;
	v21 =	vmul.bf16 v35, v33;
	v27 =	vld [tilespmem:s9+$0xF0]  }
0x1b2: {  	v29 =	vmul.bf16 v31, v29;
	v31 =	vunpack.i.u.bf16.f32 v45;
	v43 =	vmul.bf16 v30, v43  }
0x1b3: {  	v19 =	vmul.f32 v19, v38;
	v38 =	vadd.f32 v40, v31;
	v32 =	vmul.bf16 v36, v44  }
.Ltmp3:
0x1b4: {  	v31 =	vunpack.i.u.bf16.f32 v29;
	v37 =	vld [tilespmem:s8+$0x90];
	v30 =	vmul.bf16 v39, v34;
	v39 =	vunpack.i.u.bf16.f32 v21;
	(pc) =	sbr.rel @!p1 .LBB2_10-.Ltmp3, $4  }
0x1b5: {  	v40 =	vunpack.i.l.bf16.f32 v21;
	v34 =	vunpack.i.l.bf16.f32 v29;
	v29 =	vunpack.i.l.bf16.f32 v25;
	v33 =	vld [tilespmem:s9+$0x50]  }
0x1b6: {  	v21 =	vmul.f32 v38, v24;
	v35 =	vunpack.i.u.bf16.f32 v32;
	v44 =	vadd.f32 v40, v39;
	v36 =	vld [tilespmem:s8+$0x50]  }
0x1b7: {  	v38 =	vunpack.i.u.bf16.f32 v43;
	v40 =	vunpack.i.u.bf16.f32 v14;
	v24 =	vunpack.i.u.bf16.f32 v30  }
0x1b8: {  	s10 =	smov.u32 s7;
	v41 =	vunpack.i.l.bf16.f32 v14;
	v39 =	vunpack.i.l.bf16.f32 v43;
	v14 =	vmul.f32 v44, v42  }
0x1b9: {  	v32 =	vunpack.i.l.bf16.f32 v32;
	v40 =	vadd.f32 v41, v40  }
0x1ba: {  	v16 =	vmul.bf16 v16, v37;
	v31 =	vadd.f32 v34, v31;
	v58 =	vadd.f32 v39, v38  }
0x1bb: {  	v30 =	vunpack.i.l.bf16.f32 v30;
	v23 =	vmul.f32 v28, v23;
	v20 =	vunpack.i.l.bf16.f32 v20  }
0x1bc: {  	v25 =	vunpack.i.u.bf16.f32 v25;
	v26 =	vmul.bf16 v27, v26;
	v32 =	vadd.f32 v32, v35  }
0x1bd: {  	v9 =	vmul.f32 v22, v9;
	v24 =	vadd.f32 v30, v24;
	v25 =	vadd.f32 v29, v25  }
0x1be: {  	v18 =	vadd.f32 v20, v18;
	v33 =	vmul.bf16 v33, v36;
	v59 =	vunpack.i.u.bf16.f32 v16  }
0x1bf: {  	v5 =	vmul.f32 v31, v5;
	v16 =	vunpack.i.l.bf16.f32 v16;
	v2 =	vmul.f32 v40, v2  }
0x1c0: {  	v1 =	vmul.f32 v32, v1;
	v0 =	vmul.f32 v25, v0;
	v60 =	vunpack.i.u.bf16.f32 v33  }
0x1c1: {  	v61 =	vunpack.i.l.bf16.f32 v33;
	v5 =	vadd.f32 v5, v6;
	v6 =	vadd.f32 v16, v59  }
0x1c2: {  	v17 =	vmul.f32 v58, v17;
	v2 =	vadd.f32 v2, v12;
	v62 =	vadd.f32 v61, v60  }
0x1c3: {  	v63 =	vunpack.i.u.bf16.f32 v26;
	v1 =	vadd.f32 v1, v11;
	v0 =	vadd.f32 v0, v10  }
0x1c4: {  	v10 =	vmul.f32 v24, v15;
	v5 =	vadd.f32 v9, v5;
	v7 =	vmul.f32 v62, v7  }
0x1c5: {  	v9 =	vunpack.i.l.bf16.f32 v26;
	v2 =	vadd.f32 v21, v2;
	v1 =	vadd.f32 v19, v1  }
0x1c6: {  	v6 =	vmul.f32 v6, v8;
	v9 =	vadd.f32 v9, v63;
	v0 =	vadd.f32 v7, v0  }
0x1c7: {  	v5 =	vadd.f32 v23, v5;
	v7 =	vmul.f32 v18, v13;
	v1 =	vadd.f32 v17, v1  }
0x1c8: {  	v2 =	vadd.f32 v10, v2;
	v4 =	vmul.f32 v9, v4;
	v6 =	vadd.f32 v6, v0  }
0x1c9: {  	v8 =	vadd.f32 v3, v5;
	v0 =	vadd.f32 v7, v1  }
0x1ca: {  	v1 =	vadd.f32 v4, v2;
	v10 =	vadd.f32 v14, v6  }
0x1cb: {  	p1 =	seq.s32 s26, $0x34  }
.Ltmp4:
0x1cc: {  	_ = 	snop;
	(pc) =	sbr.rel @!p1 .LBB2_3-.Ltmp4, $3  }
0x1cd: {  	_ =	sdelay $0x1  }
0x1ce: {  	s1 =	sadd.s32 $0x200, s1;
	p0 =	por !p0, !p0  }
0x1cf: {  	s21 =	sadd.s32 $0x200, s21;
	s22 =	sadd.s32 $0x200, s22;
	s23 =	sadd.s32 $0x200, s23  }
0x1d0: {  	_ =	swait.ge [sflag:s24], $0x200  }
0x1d1: {  	[sflag:s24] =	ssyncset.done $0x0  }
0x1d2: {  	[sflag:s24] =	ssyncadd.s32 $0xFFFFFE00  }
0x1d3: {  	_ =	swait.ge [sflag:s24], $0x200  }
0x1d4: {  	[sflag:s24] =	ssyncset.done $0x0  }
0x1d5: {  	[sflag:s24] =	ssyncadd.s32 $0xFFFFFE00  }
0x1d6: {  	_ =	swait.ge [sflag:s24], $0x200  }
0x1d7: {  	[sflag:s24] =	ssyncset.done $0x0  }
0x1d8: {  	[sflag:s24] =	ssyncadd.s32 $0xFFFFFE00  }
0x1d9: {  	_ =	swait.ge [sflag:s30], $0x800  }
0x1da: {  	[sflag:s30] =	ssyncset.done $0x0  }
0x1db: {  	[sflag:s30] =	ssyncadd.s32 $0xFFFFF800  }
0x1dc: {  	_ =	swait.ge [sflag:s30], $0x800  }
0x1dd: {  	[sflag:s30] =	ssyncset.done $0x0  }
0x1de: {  	[sflag:s30] =	ssyncadd.s32 $0xFFFFF800  }
0x1df: {  	_ =	swait.ge [sflag:s30], $0x800  }
0x1e0: {  	[sflag:s30] =	ssyncset.done $0x0  }
0x1e1: {  	[sflag:s30] =	ssyncadd.s32 $0xFFFFF800  }
0x1e2: {  	_ =	swait.ge [sflag:s30], $0x800  }
0x1e3: {  	[sflag:s30] =	ssyncset.done $0x0  }
0x1e4: {  	[sflag:s30] =	ssyncadd.s32 $0xFFFFF800  }
0x1e5: {  	_ =	swait.ge [sflag:s30], $0x800  }
0x1e6: {  	[sflag:s30] =	ssyncset.done $0x0  }
0x1e7: {  	[sflag:s30] =	ssyncadd.s32 $0xFFFFF800  }
0x1e8: {  	_ =	swait.ge [sflag:s30], $0x800  }
0x1e9: {  	[sflag:s30] =	ssyncset.done $0x0  }
0x1ea: {  	[sflag:s30] =	ssyncadd.s32 $0xFFFFF800  }
0x1eb: {  	v2 =	vadd.f32 v10, v8;
	_ =	swait.ge [sflag:s30], $0x800  }
0x1ec: {  	[sflag:s30] =	ssyncset.done $0x0  }
0x1ed: {  	v0 =	vadd.f32 v0, v2;
	[sflag:s30] =	ssyncadd.s32 $0xFFFFF800  }
0x1ee: {  	_ =	swait.ge [sflag:s30], $0x800  }
0x1ef: {  	s0 =	sadd.s32 $0x1, s0;
	v0 =	vadd.f32 v1, v0;
	[sflag:s30] =	ssyncset.done $0x0  }
0x1f0: {  	p0 =	sne.s32 s0, s17;
	[sflag:s30] =	ssyncadd.s32 $0xFFFFF800  }
.Ltmp5:
0x1f1: {  	s7 =	simm.s32 $0x15550;
	s1 =	rddreg [dreg:$0xb];
	[tilespmem:$0x15550] =	vst v0;
	(pc) =	sbr.rel @p0 .LBB2_1-.Ltmp5, $4  }
0x1f2: {  	[hbm4b:s1+s3] =	stream.linear.scatter [tilespmem:s7], [sflag:$0x3], $0x10, $0x38;
	[tilespmem:$0x15560] =	vst v63  }
0x1f3: {  	_ =	swait.ge [sflag:s19], $0x10  }
0x1f4: {  	[sflag:s19] =	ssyncset.done $0x0  }
0x1f5: {  	[sflag:s19] =	ssyncadd.s32 $0xFFFFFFF0  }
0x1f6: {  	_ =	sfence.sel $0x180000  }
0x1f7: {  	[bflag:$0x0] =	sbarrier.arrive $0xFFFF  }
0x1f8: {  	_ =	strace $0x90000047  }
0x1f9: {  	s0 =	stileid.u32;
	[bflag:$0x2] =	sbarrier.arrive $0xFFFF  }
0x1fa: {  	p0 =	sne.s32 s0, $0x0;
	s0 =	rddreg [dreg:$0x2]  }
0x1fb: {  	s0 =	sadd.s32 @!p0 $0x100000, s0  }
0x1fc: {  	[sflag:s0] =	ssyncadd.tile.s32 @!p0 $0x1;
	_ =	shalt  }
.Lfunc_end2:
_tile_overlayer_lowered:
.L_overlay_start_2:
0x1fd: {  	(tag) =	ssettag $0x2  }
0x1fe: {  	s0 =	rddreg [dreg:$0x0];
	s2 =	stileid.u32  }
0x1ff: {  	s1 =	rddreg [dreg:$0x1];
	p0 =	sne.s32 s2, $0x0  }
0x200: {  	s3 =	rddreg [dreg:$0x2];
	[bflag:$0x3] =	sbarrier.arrive $0xFFFF;
	s2 =	simm.s32 @!p0 $0x1C03  }
0x201: {  	[timem:s3], [sflag:s2] =	dma.local @!p0 [hbm:s0], s1  }
0x202: {  	s0 =	simm.s32 @!p0 $0x3  }
0x203: {  	_ =	swait.ge @!p0 [sflag:s0], s1  }
0x204: {  	s1 =	ssub.s32 @!p0 $0x0, s1;
	[sflag:s0] =	ssyncset.done @!p0 $0x0  }
0x205: {  	[sflag:s0] =	ssyncadd.s32 @!p0 s1  }
0x206: {  	[bflag:$0x3] =	sbarrier.arrive $0xFFFF  }
0x207: {  	_ =	shalt  }

</sc_bundles>
